<compile_context>
chip_gen: v7x
topology: tpu7x:2x2x1
jax: 0.10.2.dev20260603
libtpu: 0.0.44.dev20260713+nightly
codegen_flags: <defaults>
</compile_context>

<pallas_src>
import functools

import jax
import jax.numpy as jnp
from jax import lax
from jax.experimental import pallas as pl
from jax.experimental.pallas import tpu as pltpu
from jax.experimental.pallas import tpu_sc as plsc

N = 10000
E = 160000
G = 128
D_IN = 128
D_H = 256
D_OUT = 128

NC = 2
NS = 16
L = 16

CHUNK = 128
CH_PER_TILE = 80
T_EDGES = CHUNK * CH_PER_TILE
E_PAD = T_EDGES * NS
ACC_ROWS = T_EDGES
ROWS_PER_TILE = N // NS
ACCZ_PER_TILE = ACC_ROWS // NS

P_CHUNK = 125
P_CH = 5
G_PER_TILE = G // NS


def _zero_vmem_2d(ref, rows, width):
  z = jnp.zeros((L,), jnp.float32)

  def body(r):
    for k in range(width // L):
      ref[r, pl.ds(k * L, L)] = z

  lax.fori_loop(0, rows, lambda r, _: (body(r), 0)[1], 0)


def _fill_ones_2d(ref, rows, width):
  o = jnp.ones((L,), jnp.float32)

  def body(r):
    for k in range(width // L):
      ref[r, pl.ds(k * L, L)] = o

  lax.fori_loop(0, rows, lambda r, _: (body(r), 0)[1], 0)


def _make_edge_agg(chunks, per_worker_dst):
  mesh = plsc.VectorSubcoreMesh(core_axis_name="c", subcore_axis_name="s")
  width = 128

  slab = 40
  n_loads = chunks // slab

  def body(table_hbm, srcw_hbm, dst_hbm, out_hbm, src_v, dst_v, rows0_v,
           rows1_v, acc_sh, gsem0, gsem1, ssem0, ssem1):
    c = lax.axis_index("c")
    s = lax.axis_index("s")
    w = c * NS + s
    dw = w if per_worker_dst else s

    _zero_vmem_2d(rows0_v, CHUNK, width)
    for b in range(ACCZ_PER_TILE // CHUNK):
      pltpu.sync_copy(rows0_v, acc_sh.at[pl.ds(s * ACCZ_PER_TILE + b * CHUNK,
                                               CHUNK)])
    plsc.subcore_barrier()

    def half(hf, carry):
      pltpu.sync_copy(srcw_hbm.at[w].at[pl.ds(hf * slab, slab)], src_v)
      pltpu.sync_copy(dst_hbm.at[dw].at[pl.ds(hf * slab, slab)], dst_v)
      pltpu.async_copy(table_hbm.at[src_v.at[0]], rows0_v, gsem0)
      pltpu.async_copy(table_hbm.at[src_v.at[1]], rows1_v, gsem1)

      def pair(j2, carry2):
        j = 2 * j2
        pltpu.make_async_copy(table_hbm.at[src_v.at[j]], rows0_v,
                              gsem0).wait()
        pltpu.sync_copy(rows0_v, acc_sh.at[dst_v.at[j]], add=True)

        @pl.when(j + 2 < slab)
        def _():
          pltpu.async_copy(table_hbm.at[src_v.at[j + 2]], rows0_v, gsem0)

        pltpu.make_async_copy(table_hbm.at[src_v.at[j + 1]], rows1_v,
                              gsem1).wait()
        pltpu.sync_copy(rows1_v, acc_sh.at[dst_v.at[j + 1]], add=True)

        @pl.when(j + 3 < slab)
        def _():
          pltpu.async_copy(table_hbm.at[src_v.at[j + 3]], rows1_v, gsem1)

        return carry2

      lax.fori_loop(0, slab // 2, pair, 0)
      return carry

    lax.fori_loop(0, n_loads, half, 0)
    plsc.subcore_barrier()

    pltpu.sync_copy(acc_sh.at[pl.ds(s * ACCZ_PER_TILE, ACCZ_PER_TILE)],
                    out_hbm.at[pl.ds(c * ACC_ROWS + s * ACCZ_PER_TILE,
                                     ACCZ_PER_TILE)])

  return pl.kernel(
      body,
      out_type=jax.ShapeDtypeStruct((2 * ACC_ROWS, width), jnp.float32),
      mesh=mesh,
      scratch_types=(
          pltpu.VMEM((slab, CHUNK), jnp.int32),
          pltpu.VMEM((slab, CHUNK), jnp.int32),
          pltpu.VMEM((CHUNK, width), jnp.float32),
          pltpu.VMEM((CHUNK, width), jnp.float32),
          pltpu.VMEM_SHARED((ACC_ROWS, width), jnp.float32),
          pltpu.SemaphoreType.DMA,
          pltpu.SemaphoreType.DMA,
          pltpu.SemaphoreType.DMA,
          pltpu.SemaphoreType.DMA,
      ),
  )


_edge_agg_l1 = _make_edge_agg(CH_PER_TILE // 2, True)
_edge_agg_h = _make_edge_agg(CH_PER_TILE, False)


def _deg_body(dst_hbm, deg_hbm, dst_v, ones_v, dacc_sh):
  c = lax.axis_index("c")
  s = lax.axis_index("s")
  w = c * NS + s

  pltpu.sync_copy(dst_hbm.at[w], dst_v)
  _zero_vmem_2d(ones_v, CHUNK, 128)
  for b in range(ACCZ_PER_TILE // CHUNK):
    pltpu.sync_copy(ones_v, dacc_sh.at[pl.ds(s * ACCZ_PER_TILE + b * CHUNK,
                                             CHUNK)])
  _fill_ones_2d(ones_v, CHUNK, 16)
  plsc.subcore_barrier()

  def chunk(j, carry):
    pltpu.sync_copy(ones_v, dacc_sh.at[dst_v.at[j]], add=True)
    return carry

  lax.fori_loop(0, CH_PER_TILE // 2, chunk, 0)
  plsc.subcore_barrier()
  pltpu.sync_copy(dacc_sh.at[pl.ds(s * ACCZ_PER_TILE, ACCZ_PER_TILE)],
                  deg_hbm.at[pl.ds(c * ACC_ROWS + s * ACCZ_PER_TILE,
                                   ACCZ_PER_TILE)])


_deg_k = pl.kernel(
    _deg_body,
    out_type=jax.ShapeDtypeStruct((2 * ACC_ROWS, 128), jnp.float32),
    mesh=plsc.VectorSubcoreMesh(core_axis_name="c", subcore_axis_name="s"),
    scratch_types=(
        pltpu.VMEM((CH_PER_TILE // 2, CHUNK), jnp.int32),
        pltpu.VMEM((CHUNK, 128), jnp.float32),
        pltpu.VMEM_SHARED((ACC_ROWS, 128), jnp.float32),
    ),
)


def _pool_body(h_hbm, batch_hbm, ridx_hbm, out_hbm, bidx_v, ridx_v, rows_v,
               acc_sh, gsem):
  c = lax.axis_index("c")
  s = lax.axis_index("s")
  w = c * NS + s

  pltpu.sync_copy(batch_hbm.at[s], bidx_v)
  pltpu.sync_copy(ridx_hbm.at[w], ridx_v)
  _zero_vmem_2d(rows_v, G_PER_TILE, D_H // NC)
  pltpu.sync_copy(rows_v.at[pl.ds(0, G_PER_TILE)],
                  acc_sh.at[pl.ds(s * G_PER_TILE, G_PER_TILE)])
  plsc.subcore_barrier()

  def chunk(j, carry):
    pltpu.async_copy(h_hbm.at[ridx_v.at[j]], rows_v, gsem).wait()
    pltpu.sync_copy(rows_v, acc_sh.at[bidx_v.at[j]], add=True)
    return carry

  lax.fori_loop(0, P_CH, chunk, 0)
  plsc.subcore_barrier()
  pltpu.sync_copy(acc_sh.at[pl.ds(s * G_PER_TILE, G_PER_TILE)],
                  out_hbm.at[pl.ds(c * G + s * G_PER_TILE, G_PER_TILE)])


_pool_k = pl.kernel(
    _pool_body,
    out_type=jax.ShapeDtypeStruct((2 * G, D_H // NC), jnp.float32),
    mesh=plsc.VectorSubcoreMesh(core_axis_name="c", subcore_axis_name="s"),
    scratch_types=(
        pltpu.VMEM((P_CH, P_CHUNK), jnp.int32),
        pltpu.VMEM((P_CH, P_CHUNK), jnp.int32),
        pltpu.VMEM((P_CHUNK, D_H // NC), jnp.float32),
        pltpu.VMEM_SHARED((G, D_H // NC), jnp.float32),
        pltpu.SemaphoreType.DMA,
    ),
)



_ROW_BLK = 5000
_N_RB = N // _ROW_BLK


def _tc_layer(a_parts, wl_parts, x_parts, wr_parts, d0, d1, b2d):
  na, nx = len(a_parts), len(x_parts)

  def body(*refs):
    a_refs = refs[:na]
    wl_refs = refs[na:2 * na]
    x_refs = refs[2 * na:2 * na + nx]
    wr_refs = refs[2 * na + nx:2 * na + 2 * nx]
    d0r, d1r, br = refs[-4], refs[-3], refs[-2]
    out = refs[-1]
    deg = d0r[:, 0:1] + d1r[:, 0:1]
    scale = 1.0 / jnp.maximum(deg, 1.0)
    m = sum(jnp.dot(a[...], w[...], preferred_element_type=jnp.float32)
            for a, w in zip(a_refs, wl_refs))
    r = sum(jnp.dot(x[...], w[...], preferred_element_type=jnp.float32)
            for x, w in zip(x_refs, wr_refs))
    brow = br[pl.ds(pl.program_id(1), 1), :]
    out[...] = jnp.maximum(m * scale + brow + r, 0.0)

  row_spec = lambda width: pl.BlockSpec((_ROW_BLK, width),
                                        lambda i, c: (i, 0))
  col_spec = lambda width: pl.BlockSpec((width, 128), lambda i, c: (0, c))
  in_specs = (
      [row_spec(a.shape[1]) for a in a_parts] +
      [col_spec(w.shape[0]) for w in wl_parts] +
      [row_spec(x.shape[1]) for x in x_parts] +
      [col_spec(w.shape[0]) for w in wr_parts] +
      [row_spec(d0.shape[1]), row_spec(d1.shape[1]),
       pl.BlockSpec((2, 128), lambda i, c: (0, 0))]
  )
  return pl.pallas_call(
      body,
      grid=(_N_RB, 2),
      in_specs=in_specs,
      out_specs=pl.BlockSpec((_ROW_BLK, 128), lambda i, c: (c * _N_RB + i, 0)),
      out_shape=jax.ShapeDtypeStruct((2 * N, 128), jnp.float32),
  )(*a_parts, *wl_parts, *x_parts, *wr_parts, d0, d1, b2d)


def _head_body(p0, p1, w1a, w1b, b1, w2, b2, out):
  h = (jnp.dot(p0[...], w1a[...], preferred_element_type=jnp.float32) +
       jnp.dot(p1[...], w1b[...], preferred_element_type=jnp.float32) +
       b1[...])
  h = jnp.maximum(h, 0.0)
  out[...] = jnp.dot(h, w2[...], preferred_element_type=jnp.float32) + b2[...]


def _tc_head(p0, p1, w1a, w1b, b1, w2, b2):
  return pl.pallas_call(
      _head_body,
      out_shape=jax.ShapeDtypeStruct((G, D_OUT), jnp.float32),
  )(p0, p1, w1a, w1b, b1, w2, b2)


def kernel(x, edge_index, batch, Wl1, bl1, Wr1, Wl2, bl2, Wr2, Wl3, bl3, Wr3,
           W_lin1, b_lin1, W_lin2, b_lin2):
  src = edge_index[0].astype(jnp.int32)
  dst = edge_index[1].astype(jnp.int32)

  pad = E_PAD - E
  src_p = jnp.concatenate([src, jnp.zeros((pad,), jnp.int32)])
  dst_p = jnp.concatenate([dst, jnp.full((pad,), N, jnp.int32)])
  src_l1 = src_p.reshape(NC * NS, CH_PER_TILE // 2, CHUNK)
  src_l1 = jnp.concatenate([src_l1[:NS], src_l1[NS:] + N], axis=0)
  dst_l1 = dst_p.reshape(NC * NS, CH_PER_TILE // 2, CHUNK)
  src_r = src_p.reshape(NS, CH_PER_TILE, CHUNK)
  srcw = jnp.concatenate([src_r, src_r + N], axis=0)
  dst_r = dst_p.reshape(NS, CH_PER_TILE, CHUNK)
  batch_r = batch.astype(jnp.int32).reshape(NS, P_CH, P_CHUNK)
  ridx = jnp.arange(N, dtype=jnp.int32).reshape(NS, P_CH, P_CHUNK)
  ridx_w = jnp.concatenate([ridx, ridx + N], axis=0)

  agg1 = _edge_agg_l1(jnp.concatenate([x, x], axis=0), src_l1, dst_l1)
  degp = _deg_k(dst_l1)
  d0, d1 = degp[:N], degp[ACC_ROWS:ACC_ROWS + N]
  h = _tc_layer([agg1[:N], agg1[ACC_ROWS:ACC_ROWS + N]], [Wl1.T, Wl1.T],
                [x], [Wr1.T], d0, d1, bl1.reshape(2, 128))

  for Wl, bl, Wr in ((Wl2, bl2, Wr2), (Wl3, bl3, Wr3)):
    agg = _edge_agg_h(h, srcw, dst_r)
    h = _tc_layer([agg[:N], agg[ACC_ROWS:ACC_ROWS + N]],
                  [Wl.T[:128], Wl.T[128:]],
                  [h[:N], h[N:]],
                  [Wr.T[:128], Wr.T[128:]],
                  d0, d1, bl.reshape(2, 128))

  pooled = _pool_k(h, batch_r, ridx_w)
  out = _tc_head(pooled[:G], pooled[G:],
                 W_lin1.T[:128], W_lin1.T[128:], b_lin1.reshape(1, D_H),
                 W_lin2.T, b_lin2.reshape(1, D_OUT))
  return out

# --- scband reference (transcript-rebuilt; emitter-appended) ---
"""Pipeline reference for scband-graph-sage-84464826843158 (READ-ONLY COPY).

The authoritative reference and input builder live on the scoring server;
editing this copy changes nothing except your own understanding.
"""

import jax, jax.numpy as jnp
import numpy as np

N = 10000
E = 160000
G = 128
D_IN = 128
D_H = 256
D_OUT = 128


def setup_inputs(seed: int = 0) -> dict:
    key = jax.random.key(seed)
    ks = jax.random.split(key, 20)
    inp = {}
    inp["x"] = jax.random.normal(ks[0], (N, D_IN), dtype=jnp.float32)
    inp["edge_index"] = jax.random.randint(ks[1], (2, E), 0, N, dtype=jnp.int32)
    inp["batch"] = jnp.sort(jax.random.randint(ks[2], (N,), 0, G, dtype=jnp.int32))
    # SAGEConv 1: in=D_IN -> out=D_H  (lin_l on aggregated neighbors, with bias; lin_r on root, no bias)
    inp["Wl1"] = 0.05 * jax.random.normal(ks[3], (D_H, D_IN), dtype=jnp.float32)
    inp["bl1"] = jnp.zeros((D_H,), dtype=jnp.float32)
    inp["Wr1"] = 0.05 * jax.random.normal(ks[4], (D_H, D_IN), dtype=jnp.float32)
    # SAGEConv 2
    inp["Wl2"] = 0.05 * jax.random.normal(ks[5], (D_H, D_H), dtype=jnp.float32)
    inp["bl2"] = jnp.zeros((D_H,), dtype=jnp.float32)
    inp["Wr2"] = 0.05 * jax.random.normal(ks[6], (D_H, D_H), dtype=jnp.float32)
    # SAGEConv 3
    inp["Wl3"] = 0.05 * jax.random.normal(ks[7], (D_H, D_H), dtype=jnp.float32)
    inp["bl3"] = jnp.zeros((D_H,), dtype=jnp.float32)
    inp["Wr3"] = 0.05 * jax.random.normal(ks[8], (D_H, D_H), dtype=jnp.float32)
    # lin1, lin2
    inp["W_lin1"] = 0.05 * jax.random.normal(ks[9], (D_H, D_H), dtype=jnp.float32)
    inp["b_lin1"] = jnp.zeros((D_H,), dtype=jnp.float32)
    inp["W_lin2"] = 0.05 * jax.random.normal(ks[10], (D_OUT, D_H), dtype=jnp.float32)
    inp["b_lin2"] = jnp.zeros((D_OUT,), dtype=jnp.float32)
    return inp


def sage_conv(x, src, dst, Wl, bl, Wr):
    # PyG SAGEConv with mean aggregation:
    # out = lin_l(mean_{j in N(i)} x_j) + lin_r(x_i)
    msgs = x[src]
    agg = jax.ops.segment_sum(msgs, dst, num_segments=x.shape[0])
    deg = jax.ops.segment_sum(jnp.ones((src.shape[0],), jnp.float32), dst, num_segments=x.shape[0])
    mean = agg / jnp.clip(deg, 1.0, None)[:, None]
    return mean @ Wl.T + bl + x @ Wr.T


def reference(x, edge_index, batch, Wl1, bl1, Wr1, Wl2, bl2, Wr2, Wl3, bl3, Wr3, W_lin1, b_lin1, W_lin2, b_lin2):
    src = edge_index[0]
    dst = edge_index[1]
    h = jax.nn.relu(sage_conv(x, src, dst, Wl1, bl1, Wr1))
    h = jax.nn.relu(sage_conv(h, src, dst, Wl2, bl2, Wr2))
    h = jax.nn.relu(sage_conv(h, src, dst, Wl3, bl3, Wr3))
    pooled = jax.ops.segment_sum(h, batch, num_segments=G)  # global_add_pool
    out = jax.nn.relu(pooled @ W_lin1.T + b_lin1)
    # dropout is identity in eval mode (training=False)
    out = out @ W_lin2.T + b_lin2
    return out

if __name__ == "__main__":
    import jax
    _d = setup_inputs()
    print(jax.jit(kernel)(*tuple(_d.values())))

</pallas_src>

<mosaic_0001>
#map = affine_map<(d0, d1) -> (0, 0, 0)>
#map1 = affine_map<(d0, d1) -> (0, 0)>
module attributes {stable_mosaic.version = 14 : i64} {
  func.func @_deg_body(%arg0: i32, %arg1: i32, %arg2: memref<32x40x128xi32, #tpu.memory_space<hbm>>, %arg3: memref<20480x128xf32, #tpu.memory_space<hbm>>, %arg4: memref<40x128xi32, #tpu.memory_space<vmem>>, %arg5: memref<128x128xf32, #tpu.memory_space<vmem>>, %arg6: memref<10240x128xf32, #tpu.memory_space<vmem_shared>>) attributes {dimension_semantics = [#tpu.dimension_semantics<core_parallel>, #tpu.dimension_semantics<subcore_parallel>], iteration_bounds = array<i64: 2, 16>, scalar_prefetch = 0 : i64, scratch_operands = 3 : i64, tpu.core_type = #tpu.core_type<sc_vector_subcore>, window_params = [{transform_indices = #map}, {transform_indices = #map1}]} {
    %mul3A = arith.constant 16 : i32
    %mul3A_0 = arith.muli %arg0, %mul3A : i32
    %add3A = arith.addi %mul3A_0, %arg1 : i32
    "tpu.region"() ({
      %run_scoped3A = tpu.sem_alloc : memref<!tpu.dma_semaphore, #tpu.memory_space<semaphore_mem>>
      %dma_start3A = arith.constant 0 : i32
      %dma_start3A_51 = arith.constant 0 : i32
      %dma_start3A_52 = tpu.memref_slice %arg2[%add3A, %dma_start3A, %dma_start3A_51] : memref<32x40x128xi32, #tpu.memory_space<hbm>> -> memref<1x40x128xi32, #tpu.memory_space<hbm>>
      %dma_start3A_53 = tpu.memref_squeeze %dma_start3A_52 : memref<1x40x128xi32, #tpu.memory_space<hbm>> -> memref<40x128xi32, #tpu.memory_space<hbm>>
      %dma_start3A_54 = arith.constant 0 : i32
      %dma_start3A_55 = arith.constant 0 : i32
      %dma_start3A_56 = tpu.memref_slice %arg2[%add3A, %dma_start3A_54, %dma_start3A_55] : memref<32x40x128xi32, #tpu.memory_space<hbm>> -> memref<1x40x128xi32, #tpu.memory_space<hbm>>
      %dma_start3A_57 = tpu.memref_squeeze %dma_start3A_56 : memref<1x40x128xi32, #tpu.memory_space<hbm>> -> memref<40x128xi32, #tpu.memory_space<hbm>>
      tpu.enqueue_dma source(%dma_start3A_57 : memref<40x128xi32, #tpu.memory_space<hbm>>) target(%arg4 : memref<40x128xi32, #tpu.memory_space<vmem>>) target_semaphore(%run_scoped3A : memref<!tpu.dma_semaphore, #tpu.memory_space<semaphore_mem>>)
      %dma_wait3A = arith.constant 0 : i32
      %dma_wait3A_58 = arith.constant 0 : i32
      %dma_wait3A_59 = tpu.memref_slice %arg2[%add3A, %dma_wait3A, %dma_wait3A_58] : memref<32x40x128xi32, #tpu.memory_space<hbm>> -> memref<1x40x128xi32, #tpu.memory_space<hbm>>
      %dma_wait3A_60 = tpu.memref_squeeze %dma_wait3A_59 : memref<1x40x128xi32, #tpu.memory_space<hbm>> -> memref<40x128xi32, #tpu.memory_space<hbm>>
      %dma_wait3A_61 = arith.constant 0 : i32
      %dma_wait3A_62 = arith.constant 0 : i32
      %dma_wait3A_63 = tpu.memref_slice %arg2[%add3A, %dma_wait3A_61, %dma_wait3A_62] : memref<32x40x128xi32, #tpu.memory_space<hbm>> -> memref<1x40x128xi32, #tpu.memory_space<hbm>>
      %dma_wait3A_64 = tpu.memref_squeeze %dma_wait3A_63 : memref<1x40x128xi32, #tpu.memory_space<hbm>> -> memref<40x128xi32, #tpu.memory_space<hbm>>
      tpu.wait_dma2 semaphore(%run_scoped3A : memref<!tpu.dma_semaphore, #tpu.memory_space<semaphore_mem>>) src(%dma_wait3A_64 : memref<40x128xi32, #tpu.memory_space<hbm>>) dst(%arg4 : memref<40x128xi32, #tpu.memory_space<vmem>>)
      tpu.yield
    }) : () -> ()
    %broadcast_in_dim3A = arith.constant 0.000000e+00 : f32
    %broadcast_in_dim3A_1 = vector.broadcast %broadcast_in_dim3A : f32 to vector<16xf32>
    %scan3A = arith.constant 0 : i32
    %scan3A_2 = arith.constant 0 : i32
    %scan3A_3 = arith.constant 128 : i32
    %scan3A_4 = arith.addi %scan3A_2, %scan3A_3 : i32
    %scan3A_5 = arith.constant 1 : i32
    %scan3A_6 = scf.for %scan3A_51 = %scan3A_2 to %scan3A_4 step %scan3A_5 iter_args(%scan3A_52 = %scan3A) -> (i32)  : i32 {
      %swap3A = arith.index_cast %scan3A_51 : i32 to index
      %swap3A_53 = arith.constant 0 : index
      %swap3A_54 = tpu.vector_load %arg5[%swap3A, %swap3A_53] {strides = array<i32>} : memref<128x128xf32, #tpu.memory_space<vmem>>, vector<1x16xf32>,
      %swap3A_55 = vector.shape_cast %swap3A_54 : vector<1x16xf32> to vector<16xf32>
      %swap3A_56 = vector.shape_cast %broadcast_in_dim3A_1 : vector<16xf32> to vector<1x16xf32>
      tpu.vector_store %arg5[%swap3A, %swap3A_53], %swap3A_56 {strides = array<i32>} : memref<128x128xf32, #tpu.memory_space<vmem>>, vector<1x16xf32>,
      %swap3A_57 = arith.index_cast %scan3A_51 : i32 to index
      %swap3A_58 = arith.constant 16 : index
      %swap3A_59 = tpu.vector_load %arg5[%swap3A_57, %swap3A_58] {strides = array<i32>} : memref<128x128xf32, #tpu.memory_space<vmem>>, vector<1x16xf32>,
      %swap3A_60 = vector.shape_cast %swap3A_59 : vector<1x16xf32> to vector<16xf32>
      %swap3A_61 = vector.shape_cast %broadcast_in_dim3A_1 : vector<16xf32> to vector<1x16xf32>
      tpu.vector_store %arg5[%swap3A_57, %swap3A_58], %swap3A_61 {strides = array<i32>} : memref<128x128xf32, #tpu.memory_space<vmem>>, vector<1x16xf32>,
      %swap3A_62 = arith.index_cast %scan3A_51 : i32 to index
      %swap3A_63 = arith.constant 32 : index
      %swap3A_64 = tpu.vector_load %arg5[%swap3A_62, %swap3A_63] {strides = array<i32>} : memref<128x128xf32, #tpu.memory_space<vmem>>, vector<1x16xf32>,
      %swap3A_65 = vector.shape_cast %swap3A_64 : vector<1x16xf32> to vector<16xf32>
      %swap3A_66 = vector.shape_cast %broadcast_in_dim3A_1 : vector<16xf32> to vector<1x16xf32>
      tpu.vector_store %arg5[%swap3A_62, %swap3A_63], %swap3A_66 {strides = array<i32>} : memref<128x128xf32, #tpu.memory_space<vmem>>, vector<1x16xf32>,
      %swap3A_67 = arith.index_cast %scan3A_51 : i32 to index
      %swap3A_68 = arith.constant 48 : index
      %swap3A_69 = tpu.vector_load %arg5[%swap3A_67, %swap3A_68] {strides = array<i32>} : memref<128x128xf32, #tpu.memory_space<vmem>>, vector<1x16xf32>,
      %swap3A_70 = vector.shape_cast %swap3A_69 : vector<1x16xf32> to vector<16xf32>
      %swap3A_71 = vector.shape_cast %broadcast_in_dim3A_1 : vector<16xf32> to vector<1x16xf32>
      tpu.vector_store %arg5[%swap3A_67, %swap3A_68], %swap3A_71 {strides = array<i32>} : memref<128x128xf32, #tpu.memory_space<vmem>>, vector<1x16xf32>,
      %swap3A_72 = arith.index_cast %scan3A_51 : i32 to index
      %swap3A_73 = arith.constant 64 : index
      %swap3A_74 = tpu.vector_load %arg5[%swap3A_72, %swap3A_73] {strides = array<i32>} : memref<128x128xf32, #tpu.memory_space<vmem>>, vector<1x16xf32>,
      %swap3A_75 = vector.shape_cast %swap3A_74 : vector<1x16xf32> to vector<16xf32>
      %swap3A_76 = vector.shape_cast %broadcast_in_dim3A_1 : vector<16xf32> to vector<1x16xf32>
      tpu.vector_store %arg5[%swap3A_72, %swap3A_73], %swap3A_76 {strides = array<i32>} : memref<128x128xf32, #tpu.memory_space<vmem>>, vector<1x16xf32>,
      %swap3A_77 = arith.index_cast %scan3A_51 : i32 to index
      %swap3A_78 = arith.constant 80 : index
      %swap3A_79 = tpu.vector_load %arg5[%swap3A_77, %swap3A_78] {strides = array<i32>} : memref<128x128xf32, #tpu.memory_space<vmem>>, vector<1x16xf32>,
      %swap3A_80 = vector.shape_cast %swap3A_79 : vector<1x16xf32> to vector<16xf32>
      %swap3A_81 = vector.shape_cast %broadcast_in_dim3A_1 : vector<16xf32> to vector<1x16xf32>
      tpu.vector_store %arg5[%swap3A_77, %swap3A_78], %swap3A_81 {strides = array<i32>} : memref<128x128xf32, #tpu.memory_space<vmem>>, vector<1x16xf32>,
      %swap3A_82 = arith.index_cast %scan3A_51 : i32 to index
      %swap3A_83 = arith.constant 96 : index
      %swap3A_84 = tpu.vector_load %arg5[%swap3A_82, %swap3A_83] {strides = array<i32>} : memref<128x128xf32, #tpu.memory_space<vmem>>, vector<1x16xf32>,
      %swap3A_85 = vector.shape_cast %swap3A_84 : vector<1x16xf32> to vector<16xf32>
      %swap3A_86 = vector.shape_cast %broadcast_in_dim3A_1 : vector<16xf32> to vector<1x16xf32>
      tpu.vector_store %arg5[%swap3A_82, %swap3A_83], %swap3A_86 {strides = array<i32>} : memref<128x128xf32, #tpu.memory_space<vmem>>, vector<1x16xf32>,
      %swap3A_87 = arith.index_cast %scan3A_51 : i32 to index
      %swap3A_88 = arith.constant 112 : index
      %swap3A_89 = tpu.vector_load %arg5[%swap3A_87, %swap3A_88] {strides = array<i32>} : memref<128x128xf32, #tpu.memory_space<vmem>>, vector<1x16xf32>,
      %swap3A_90 = vector.shape_cast %swap3A_89 : vector<1x16xf32> to vector<16xf32>
      %swap3A_91 = vector.shape_cast %broadcast_in_dim3A_1 : vector<16xf32> to vector<1x16xf32>
      tpu.vector_store %arg5[%swap3A_87, %swap3A_88], %swap3A_91 {strides = array<i32>} : memref<128x128xf32, #tpu.memory_space<vmem>>, vector<1x16xf32>,
      %scan3A_92 = arith.constant 0 : i32
      scf.yield %scan3A_92 : i32
    }
    %scan3A_7 = arith.constant 128 : i32
    %mul3A_8 = arith.constant 640 : i32
    %mul3A_9 = arith.muli %arg1, %mul3A_8 : i32
    %add3A_10 = arith.constant 0 : i32
    %add3A_11 = arith.addi %mul3A_9, %add3A_10 : i32
    "tpu.region"() ({
      %run_scoped3A = tpu.sem_alloc : memref<!tpu.dma_semaphore, #tpu.memory_space<semaphore_mem>>
      %dma_start3A = arith.constant 0 : i32
      %dma_start3A_51 = tpu.memref_slice %arg6[%add3A_11, %dma_start3A] : memref<10240x128xf32, #tpu.memory_space<vmem_shared>> -> memref<128x128xf32, #tpu.memory_space<vmem_shared>>
      %dma_start3A_52 = arith.constant 0 : i32
      %dma_start3A_53 = tpu.memref_slice %arg6[%add3A_11, %dma_start3A_52] : memref<10240x128xf32, #tpu.memory_space<vmem_shared>> -> memref<128x128xf32, #tpu.memory_space<vmem_shared>>
      tpu.enqueue_dma source(%arg5 : memref<128x128xf32, #tpu.memory_space<vmem>>) target(%dma_start3A_53 : memref<128x128xf32, #tpu.memory_space<vmem_shared>>) target_semaphore(%run_scoped3A : memref<!tpu.dma_semaphore, #tpu.memory_space<semaphore_mem>>)
      %dma_wait3A = arith.constant 0 : i32
      %dma_wait3A_54 = tpu.memref_slice %arg6[%add3A_11, %dma_wait3A] : memref<10240x128xf32, #tpu.memory_space<vmem_shared>> -> memref<128x128xf32, #tpu.memory_space<vmem_shared>>
      %dma_wait3A_55 = arith.constant 0 : i32
      %dma_wait3A_56 = tpu.memref_slice %arg6[%add3A_11, %dma_wait3A_55] : memref<10240x128xf32, #tpu.memory_space<vmem_shared>> -> memref<128x128xf32, #tpu.memory_space<vmem_shared>>
      tpu.wait_dma2 semaphore(%run_scoped3A : memref<!tpu.dma_semaphore, #tpu.memory_space<semaphore_mem>>) src(%arg5 : memref<128x128xf32, #tpu.memory_space<vmem>>) dst(%dma_wait3A_56 : memref<128x128xf32, #tpu.memory_space<vmem_shared>>)
      tpu.yield
    }) : () -> ()
    %mul3A_12 = arith.constant 640 : i32
    %mul3A_13 = arith.muli %arg1, %mul3A_12 : i32
    %add3A_14 = arith.constant 128 : i32
    %add3A_15 = arith.addi %mul3A_13, %add3A_14 : i32
    "tpu.region"() ({
      %run_scoped3A = tpu.sem_alloc : memref<!tpu.dma_semaphore, #tpu.memory_space<semaphore_mem>>
      %dma_start3A = arith.constant 0 : i32
      %dma_start3A_51 = tpu.memref_slice %arg6[%add3A_15, %dma_start3A] : memref<10240x128xf32, #tpu.memory_space<vmem_shared>> -> memref<128x128xf32, #tpu.memory_space<vmem_shared>>
      %dma_start3A_52 = arith.constant 0 : i32
      %dma_start3A_53 = tpu.memref_slice %arg6[%add3A_15, %dma_start3A_52] : memref<10240x128xf32, #tpu.memory_space<vmem_shared>> -> memref<128x128xf32, #tpu.memory_space<vmem_shared>>
      tpu.enqueue_dma source(%arg5 : memref<128x128xf32, #tpu.memory_space<vmem>>) target(%dma_start3A_53 : memref<128x128xf32, #tpu.memory_space<vmem_shared>>) target_semaphore(%run_scoped3A : memref<!tpu.dma_semaphore, #tpu.memory_space<semaphore_mem>>)
      %dma_wait3A = arith.constant 0 : i32
      %dma_wait3A_54 = tpu.memref_slice %arg6[%add3A_15, %dma_wait3A] : memref<10240x128xf32, #tpu.memory_space<vmem_shared>> -> memref<128x128xf32, #tpu.memory_space<vmem_shared>>
      %dma_wait3A_55 = arith.constant 0 : i32
      %dma_wait3A_56 = tpu.memref_slice %arg6[%add3A_15, %dma_wait3A_55] : memref<10240x128xf32, #tpu.memory_space<vmem_shared>> -> memref<128x128xf32, #tpu.memory_space<vmem_shared>>
      tpu.wait_dma2 semaphore(%run_scoped3A : memref<!tpu.dma_semaphore, #tpu.memory_space<semaphore_mem>>) src(%arg5 : memref<128x128xf32, #tpu.memory_space<vmem>>) dst(%dma_wait3A_56 : memref<128x128xf32, #tpu.memory_space<vmem_shared>>)
      tpu.yield
    }) : () -> ()
    %mul3A_16 = arith.constant 640 : i32
    %mul3A_17 = arith.muli %arg1, %mul3A_16 : i32
    %add3A_18 = arith.constant 256 : i32
    %add3A_19 = arith.addi %mul3A_17, %add3A_18 : i32
    "tpu.region"() ({
      %run_scoped3A = tpu.sem_alloc : memref<!tpu.dma_semaphore, #tpu.memory_space<semaphore_mem>>
      %dma_start3A = arith.constant 0 : i32
      %dma_start3A_51 = tpu.memref_slice %arg6[%add3A_19, %dma_start3A] : memref<10240x128xf32, #tpu.memory_space<vmem_shared>> -> memref<128x128xf32, #tpu.memory_space<vmem_shared>>
      %dma_start3A_52 = arith.constant 0 : i32
      %dma_start3A_53 = tpu.memref_slice %arg6[%add3A_19, %dma_start3A_52] : memref<10240x128xf32, #tpu.memory_space<vmem_shared>> -> memref<128x128xf32, #tpu.memory_space<vmem_shared>>
      tpu.enqueue_dma source(%arg5 : memref<128x128xf32, #tpu.memory_space<vmem>>) target(%dma_start3A_53 : memref<128x128xf32, #tpu.memory_space<vmem_shared>>) target_semaphore(%run_scoped3A : memref<!tpu.dma_semaphore, #tpu.memory_space<semaphore_mem>>)
      %dma_wait3A = arith.constant 0 : i32
      %dma_wait3A_54 = tpu.memref_slice %arg6[%add3A_19, %dma_wait3A] : memref<10240x128xf32, #tpu.memory_space<vmem_shared>> -> memref<128x128xf32, #tpu.memory_space<vmem_shared>>
      %dma_wait3A_55 = arith.constant 0 : i32
      %dma_wait3A_56 = tpu.memref_slice %arg6[%add3A_19, %dma_wait3A_55] : memref<10240x128xf32, #tpu.memory_space<vmem_shared>> -> memref<128x128xf32, #tpu.memory_space<vmem_shared>>
      tpu.wait_dma2 semaphore(%run_scoped3A : memref<!tpu.dma_semaphore, #tpu.memory_space<semaphore_mem>>) src(%arg5 : memref<128x128xf32, #tpu.memory_space<vmem>>) dst(%dma_wait3A_56 : memref<128x128xf32, #tpu.memory_space<vmem_shared>>)
      tpu.yield
    }) : () -> ()
    %mul3A_20 = arith.constant 640 : i32
    %mul3A_21 = arith.muli %arg1, %mul3A_20 : i32
    %add3A_22 = arith.constant 384 : i32
    %add3A_23 = arith.addi %mul3A_21, %add3A_22 : i32
    "tpu.region"() ({
      %run_scoped3A = tpu.sem_alloc : memref<!tpu.dma_semaphore, #tpu.memory_space<semaphore_mem>>
      %dma_start3A = arith.constant 0 : i32
      %dma_start3A_51 = tpu.memref_slice %arg6[%add3A_23, %dma_start3A] : memref<10240x128xf32, #tpu.memory_space<vmem_shared>> -> memref<128x128xf32, #tpu.memory_space<vmem_shared>>
      %dma_start3A_52 = arith.constant 0 : i32
      %dma_start3A_53 = tpu.memref_slice %arg6[%add3A_23, %dma_start3A_52] : memref<10240x128xf32, #tpu.memory_space<vmem_shared>> -> memref<128x128xf32, #tpu.memory_space<vmem_shared>>
      tpu.enqueue_dma source(%arg5 : memref<128x128xf32, #tpu.memory_space<vmem>>) target(%dma_start3A_53 : memref<128x128xf32, #tpu.memory_space<vmem_shared>>) target_semaphore(%run_scoped3A : memref<!tpu.dma_semaphore, #tpu.memory_space<semaphore_mem>>)
      %dma_wait3A = arith.constant 0 : i32
      %dma_wait3A_54 = tpu.memref_slice %arg6[%add3A_23, %dma_wait3A] : memref<10240x128xf32, #tpu.memory_space<vmem_shared>> -> memref<128x128xf32, #tpu.memory_space<vmem_shared>>
      %dma_wait3A_55 = arith.constant 0 : i32
      %dma_wait3A_56 = tpu.memref_slice %arg6[%add3A_23, %dma_wait3A_55] : memref<10240x128xf32, #tpu.memory_space<vmem_shared>> -> memref<128x128xf32, #tpu.memory_space<vmem_shared>>
      tpu.wait_dma2 semaphore(%run_scoped3A : memref<!tpu.dma_semaphore, #tpu.memory_space<semaphore_mem>>) src(%arg5 : memref<128x128xf32, #tpu.memory_space<vmem>>) dst(%dma_wait3A_56 : memref<128x128xf32, #tpu.memory_space<vmem_shared>>)
      tpu.yield
    }) : () -> ()
    %mul3A_24 = arith.constant 640 : i32
    %mul3A_25 = arith.muli %arg1, %mul3A_24 : i32
    %add3A_26 = arith.constant 512 : i32
    %add3A_27 = arith.addi %mul3A_25, %add3A_26 : i32
    "tpu.region"() ({
      %run_scoped3A = tpu.sem_alloc : memref<!tpu.dma_semaphore, #tpu.memory_space<semaphore_mem>>
      %dma_start3A = arith.constant 0 : i32
      %dma_start3A_51 = tpu.memref_slice %arg6[%add3A_27, %dma_start3A] : memref<10240x128xf32, #tpu.memory_space<vmem_shared>> -> memref<128x128xf32, #tpu.memory_space<vmem_shared>>
      %dma_start3A_52 = arith.constant 0 : i32
      %dma_start3A_53 = tpu.memref_slice %arg6[%add3A_27, %dma_start3A_52] : memref<10240x128xf32, #tpu.memory_space<vmem_shared>> -> memref<128x128xf32, #tpu.memory_space<vmem_shared>>
      tpu.enqueue_dma source(%arg5 : memref<128x128xf32, #tpu.memory_space<vmem>>) target(%dma_start3A_53 : memref<128x128xf32, #tpu.memory_space<vmem_shared>>) target_semaphore(%run_scoped3A : memref<!tpu.dma_semaphore, #tpu.memory_space<semaphore_mem>>)
      %dma_wait3A = arith.constant 0 : i32
      %dma_wait3A_54 = tpu.memref_slice %arg6[%add3A_27, %dma_wait3A] : memref<10240x128xf32, #tpu.memory_space<vmem_shared>> -> memref<128x128xf32, #tpu.memory_space<vmem_shared>>
      %dma_wait3A_55 = arith.constant 0 : i32
      %dma_wait3A_56 = tpu.memref_slice %arg6[%add3A_27, %dma_wait3A_55] : memref<10240x128xf32, #tpu.memory_space<vmem_shared>> -> memref<128x128xf32, #tpu.memory_space<vmem_shared>>
      tpu.wait_dma2 semaphore(%run_scoped3A : memref<!tpu.dma_semaphore, #tpu.memory_space<semaphore_mem>>) src(%arg5 : memref<128x128xf32, #tpu.memory_space<vmem>>) dst(%dma_wait3A_56 : memref<128x128xf32, #tpu.memory_space<vmem_shared>>)
      tpu.yield
    }) : () -> ()
    %broadcast_in_dim3A_28 = arith.constant 1.000000e+00 : f32
    %broadcast_in_dim3A_29 = vector.broadcast %broadcast_in_dim3A_28 : f32 to vector<16xf32>
    %scan3A_30 = arith.constant 0 : i32
    %scan3A_31 = arith.constant 0 : i32
    %scan3A_32 = arith.constant 128 : i32
    %scan3A_33 = arith.addi %scan3A_31, %scan3A_32 : i32
    %scan3A_34 = arith.constant 1 : i32
    %scan3A_35 = scf.for %scan3A_51 = %scan3A_31 to %scan3A_33 step %scan3A_34 iter_args(%scan3A_52 = %scan3A_30) -> (i32)  : i32 {
      %swap3A = arith.index_cast %scan3A_51 : i32 to index
      %swap3A_53 = arith.constant 0 : index
      %swap3A_54 = tpu.vector_load %arg5[%swap3A, %swap3A_53] {strides = array<i32>} : memref<128x128xf32, #tpu.memory_space<vmem>>, vector<1x16xf32>,
      %swap3A_55 = vector.shape_cast %swap3A_54 : vector<1x16xf32> to vector<16xf32>
      %swap3A_56 = vector.shape_cast %broadcast_in_dim3A_29 : vector<16xf32> to vector<1x16xf32>
      tpu.vector_store %arg5[%swap3A, %swap3A_53], %swap3A_56 {strides = array<i32>} : memref<128x128xf32, #tpu.memory_space<vmem>>, vector<1x16xf32>,
      %scan3A_57 = arith.constant 0 : i32
      scf.yield %scan3A_57 : i32
    }
    %scan3A_36 = arith.constant 128 : i32
    %barrier3A = arith.constant 0 : index
    tpu.barrier barrier_id(%barrier3A)
    %scan3A_37 = arith.constant 0 : i32
    %scan3A_38 = arith.constant 0 : i32
    %scan3A_39 = arith.constant 40 : i32
    %scan3A_40 = arith.addi %scan3A_38, %scan3A_39 : i32
    %scan3A_41 = arith.constant 1 : i32
    scf.for %scan3A_51 = %scan3A_38 to %scan3A_40 step %scan3A_41  : i32 {
      "tpu.region"() ({
        %run_scoped3A = tpu.sem_alloc : memref<!tpu.dma_semaphore, #tpu.memory_space<semaphore_mem>>
        %dma_start3A = arith.constant 0 : i32
        %dma_start3A_52 = tpu.memref_slice %arg4[%scan3A_51, %dma_start3A] : memref<40x128xi32, #tpu.memory_space<vmem>> -> memref<1x128xi32, #tpu.memory_space<vmem>>
        %dma_start3A_53 = tpu.memref_squeeze %dma_start3A_52 : memref<1x128xi32, #tpu.memory_space<vmem>> -> memref<128xi32, #tpu.memory_space<vmem>>
        %dma_start3A_54 = arith.constant 0 : i32
        %dma_start3A_55 = arith.constant 0 : i32
        %dma_start3A_56 = tpu.memref_slice %arg6[%dma_start3A_54, %dma_start3A_55] : memref<10240x128xf32, #tpu.memory_space<vmem_shared>> -> memref<10240x128xf32, #tpu.memory_space<vmem_shared>>
        tpu.enqueue_indirect_dma source(%arg5 : memref<128x128xf32, #tpu.memory_space<vmem>>) target(%dma_start3A_56 : memref<10240x128xf32, #tpu.memory_space<vmem_shared>>) offsets(%dma_start3A_53 : memref<128xi32, #tpu.memory_space<vmem>>) semaphore(%run_scoped3A : memref<!tpu.dma_semaphore, #tpu.memory_space<semaphore_mem>>) {add = true}
        %dma_wait3A = arith.constant 0 : i32
        %dma_wait3A_57 = tpu.memref_slice %arg4[%scan3A_51, %dma_wait3A] : memref<40x128xi32, #tpu.memory_space<vmem>> -> memref<1x128xi32, #tpu.memory_space<vmem>>
        %dma_wait3A_58 = tpu.memref_squeeze %dma_wait3A_57 : memref<1x128xi32, #tpu.memory_space<vmem>> -> memref<128xi32, #tpu.memory_space<vmem>>
        %dma_wait3A_59 = arith.constant 0 : i32
        %dma_wait3A_60 = arith.constant 0 : i32
        %dma_wait3A_61 = tpu.memref_slice %arg6[%dma_wait3A_59, %dma_wait3A_60] : memref<10240x128xf32, #tpu.memory_space<vmem_shared>> -> memref<10240x128xf32, #tpu.memory_space<vmem_shared>>
        tpu.wait_indirect_dma semaphore(%run_scoped3A : memref<!tpu.dma_semaphore, #tpu.memory_space<semaphore_mem>>) src(%arg5 : memref<128x128xf32, #tpu.memory_space<vmem>>) dst(%dma_wait3A_61 : memref<10240x128xf32, #tpu.memory_space<vmem_shared>>)
        tpu.yield
      }) : () -> ()
    }
    %scan3A_42 = arith.constant 40 : i32
    %barrier3A_43 = arith.constant 0 : index
    tpu.barrier barrier_id(%barrier3A_43)
    %mul3A_44 = arith.constant 640 : i32
    %mul3A_45 = arith.muli %arg1, %mul3A_44 : i32
    %mul3A_46 = arith.constant 10240 : i32
    %mul3A_47 = arith.muli %arg0, %mul3A_46 : i32
    %mul3A_48 = arith.constant 640 : i32
    %mul3A_49 = arith.muli %arg1, %mul3A_48 : i32
    %add3A_50 = arith.addi %mul3A_47, %mul3A_49 : i32
    "tpu.region"() ({
      %run_scoped3A = tpu.sem_alloc : memref<!tpu.dma_semaphore, #tpu.memory_space<semaphore_mem>>
      %dma_start3A = arith.constant 0 : i32
      %dma_start3A_51 = tpu.memref_slice %arg3[%add3A_50, %dma_start3A] : memref<20480x128xf32, #tpu.memory_space<hbm>> -> memref<640x128xf32, #tpu.memory_space<hbm>>
      %dma_start3A_52 = arith.constant 0 : i32
      %dma_start3A_53 = tpu.memref_slice %arg6[%mul3A_45, %dma_start3A_52] : memref<10240x128xf32, #tpu.memory_space<vmem_shared>> -> memref<640x128xf32, #tpu.memory_space<vmem_shared>>
      tpu.enqueue_dma source(%dma_start3A_53 : memref<640x128xf32, #tpu.memory_space<vmem_shared>>) target(%dma_start3A_51 : memref<640x128xf32, #tpu.memory_space<hbm>>) target_semaphore(%run_scoped3A : memref<!tpu.dma_semaphore, #tpu.memory_space<semaphore_mem>>)
      %dma_wait3A = arith.constant 0 : i32
      %dma_wait3A_54 = tpu.memref_slice %arg3[%add3A_50, %dma_wait3A] : memref<20480x128xf32, #tpu.memory_space<hbm>> -> memref<640x128xf32, #tpu.memory_space<hbm>>
      %dma_wait3A_55 = arith.constant 0 : i32
      %dma_wait3A_56 = tpu.memref_slice %arg6[%mul3A_45, %dma_wait3A_55] : memref<10240x128xf32, #tpu.memory_space<vmem_shared>> -> memref<640x128xf32, #tpu.memory_space<vmem_shared>>
      tpu.wait_dma2 semaphore(%run_scoped3A : memref<!tpu.dma_semaphore, #tpu.memory_space<semaphore_mem>>) src(%dma_wait3A_56 : memref<640x128xf32, #tpu.memory_space<vmem_shared>>) dst(%dma_wait3A_54 : memref<640x128xf32, #tpu.memory_space<hbm>>)
      tpu.yield
    }) : () -> ()
    return
  }
}

#map = affine_map<(d0, d1) -> (0, 0)>
#map1 = affine_map<(d0, d1) -> (0, 0, 0)>
module attributes {stable_mosaic.version = 14 : i64} {
  func.func @body(%arg0: i32, %arg1: i32, %arg2: memref<20000x128xf32, #tpu.memory_space<hbm>>, %arg3: memref<32x80x128xi32, #tpu.memory_space<hbm>>, %arg4: memref<16x80x128xi32, #tpu.memory_space<hbm>>, %arg5: memref<20480x128xf32, #tpu.memory_space<hbm>>, %arg6: memref<40x128xi32, #tpu.memory_space<vmem>>, %arg7: memref<40x128xi32, #tpu.memory_space<vmem>>, %arg8: memref<128x128xf32, #tpu.memory_space<vmem>>, %arg9: memref<128x128xf32, #tpu.memory_space<vmem>>, %arg10: memref<10240x128xf32, #tpu.memory_space<vmem_shared>>, %arg11: memref<!tpu.dma_semaphore, #tpu.memory_space<semaphore_mem>>, %arg12: memref<!tpu.dma_semaphore, #tpu.memory_space<semaphore_mem>>, %arg13: memref<!tpu.dma_semaphore, #tpu.memory_space<semaphore_mem>>, %arg14: memref<!tpu.dma_semaphore, #tpu.memory_space<semaphore_mem>>) attributes {dimension_semantics = [#tpu.dimension_semantics<core_parallel>, #tpu.dimension_semantics<subcore_parallel>], iteration_bounds = array<i64: 2, 16>, scalar_prefetch = 0 : i64, scratch_operands = 9 : i64, tpu.core_type = #tpu.core_type<sc_vector_subcore>, window_params = [{transform_indices = #map}, {transform_indices = #map1}, {transform_indices = #map1}, {transform_indices = #map}]} {
    %mul3A = arith.constant 16 : i32
    %mul3A_0 = arith.muli %arg0, %mul3A : i32
    %add3A = arith.addi %mul3A_0, %arg1 : i32
    %broadcast_in_dim3A = arith.constant 0.000000e+00 : f32
    %broadcast_in_dim3A_1 = vector.broadcast %broadcast_in_dim3A : f32 to vector<16xf32>
    %scan3A = arith.constant 0 : i32
    %scan3A_2 = arith.constant 0 : i32
    %scan3A_3 = arith.constant 128 : i32
    %scan3A_4 = arith.addi %scan3A_2, %scan3A_3 : i32
    %scan3A_5 = arith.constant 1 : i32
    %scan3A_6 = scf.for %scan3A_42 = %scan3A_2 to %scan3A_4 step %scan3A_5 iter_args(%scan3A_43 = %scan3A) -> (i32)  : i32 {
      %swap3A = arith.index_cast %scan3A_42 : i32 to index
      %swap3A_44 = arith.constant 0 : index
      %swap3A_45 = tpu.vector_load %arg8[%swap3A, %swap3A_44] {strides = array<i32>} : memref<128x128xf32, #tpu.memory_space<vmem>>, vector<1x16xf32>,
      %swap3A_46 = vector.shape_cast %swap3A_45 : vector<1x16xf32> to vector<16xf32>
      %swap3A_47 = vector.shape_cast %broadcast_in_dim3A_1 : vector<16xf32> to vector<1x16xf32>
      tpu.vector_store %arg8[%swap3A, %swap3A_44], %swap3A_47 {strides = array<i32>} : memref<128x128xf32, #tpu.memory_space<vmem>>, vector<1x16xf32>,
      %swap3A_48 = arith.index_cast %scan3A_42 : i32 to index
      %swap3A_49 = arith.constant 16 : index
      %swap3A_50 = tpu.vector_load %arg8[%swap3A_48, %swap3A_49] {strides = array<i32>} : memref<128x128xf32, #tpu.memory_space<vmem>>, vector<1x16xf32>,
      %swap3A_51 = vector.shape_cast %swap3A_50 : vector<1x16xf32> to vector<16xf32>
      %swap3A_52 = vector.shape_cast %broadcast_in_dim3A_1 : vector<16xf32> to vector<1x16xf32>
      tpu.vector_store %arg8[%swap3A_48, %swap3A_49], %swap3A_52 {strides = array<i32>} : memref<128x128xf32, #tpu.memory_space<vmem>>, vector<1x16xf32>,
      %swap3A_53 = arith.index_cast %scan3A_42 : i32 to index
      %swap3A_54 = arith.constant 32 : index
      %swap3A_55 = tpu.vector_load %arg8[%swap3A_53, %swap3A_54] {strides = array<i32>} : memref<128x128xf32, #tpu.memory_space<vmem>>, vector<1x16xf32>,
      %swap3A_56 = vector.shape_cast %swap3A_55 : vector<1x16xf32> to vector<16xf32>
      %swap3A_57 = vector.shape_cast %broadcast_in_dim3A_1 : vector<16xf32> to vector<1x16xf32>
      tpu.vector_store %arg8[%swap3A_53, %swap3A_54], %swap3A_57 {strides = array<i32>} : memref<128x128xf32, #tpu.memory_space<vmem>>, vector<1x16xf32>,
      %swap3A_58 = arith.index_cast %scan3A_42 : i32 to index
      %swap3A_59 = arith.constant 48 : index
      %swap3A_60 = tpu.vector_load %arg8[%swap3A_58, %swap3A_59] {strides = array<i32>} : memref<128x128xf32, #tpu.memory_space<vmem>>, vector<1x16xf32>,
      %swap3A_61 = vector.shape_cast %swap3A_60 : vector<1x16xf32> to vector<16xf32>
      %swap3A_62 = vector.shape_cast %broadcast_in_dim3A_1 : vector<16xf32> to vector<1x16xf32>
      tpu.vector_store %arg8[%swap3A_58, %swap3A_59], %swap3A_62 {strides = array<i32>} : memref<128x128xf32, #tpu.memory_space<vmem>>, vector<1x16xf32>,
      %swap3A_63 = arith.index_cast %scan3A_42 : i32 to index
      %swap3A_64 = arith.constant 64 : index
      %swap3A_65 = tpu.vector_load %arg8[%swap3A_63, %swap3A_64] {strides = array<i32>} : memref<128x128xf32, #tpu.memory_space<vmem>>, vector<1x16xf32>,
      %swap3A_66 = vector.shape_cast %swap3A_65 : vector<1x16xf32> to vector<16xf32>
      %swap3A_67 = vector.shape_cast %broadcast_in_dim3A_1 : vector<16xf32> to vector<1x16xf32>
      tpu.vector_store %arg8[%swap3A_63, %swap3A_64], %swap3A_67 {strides = array<i32>} : memref<128x128xf32, #tpu.memory_space<vmem>>, vector<1x16xf32>,
      %swap3A_68 = arith.index_cast %scan3A_42 : i32 to index
      %swap3A_69 = arith.constant 80 : index
      %swap3A_70 = tpu.vector_load %arg8[%swap3A_68, %swap3A_69] {strides = array<i32>} : memref<128x128xf32, #tpu.memory_space<vmem>>, vector<1x16xf32>,
      %swap3A_71 = vector.shape_cast %swap3A_70 : vector<1x16xf32> to vector<16xf32>
      %swap3A_72 = vector.shape_cast %broadcast_in_dim3A_1 : vector<16xf32> to vector<1x16xf32>
      tpu.vector_store %arg8[%swap3A_68, %swap3A_69], %swap3A_72 {strides = array<i32>} : memref<128x128xf32, #tpu.memory_space<vmem>>, vector<1x16xf32>,
      %swap3A_73 = arith.index_cast %scan3A_42 : i32 to index
      %swap3A_74 = arith.constant 96 : index
      %swap3A_75 = tpu.vector_load %arg8[%swap3A_73, %swap3A_74] {strides = array<i32>} : memref<128x128xf32, #tpu.memory_space<vmem>>, vector<1x16xf32>,
      %swap3A_76 = vector.shape_cast %swap3A_75 : vector<1x16xf32> to vector<16xf32>
      %swap3A_77 = vector.shape_cast %broadcast_in_dim3A_1 : vector<16xf32> to vector<1x16xf32>
      tpu.vector_store %arg8[%swap3A_73, %swap3A_74], %swap3A_77 {strides = array<i32>} : memref<128x128xf32, #tpu.memory_space<vmem>>, vector<1x16xf32>,
      %swap3A_78 = arith.index_cast %scan3A_42 : i32 to index
      %swap3A_79 = arith.constant 112 : index
      %swap3A_80 = tpu.vector_load %arg8[%swap3A_78, %swap3A_79] {strides = array<i32>} : memref<128x128xf32, #tpu.memory_space<vmem>>, vector<1x16xf32>,
      %swap3A_81 = vector.shape_cast %swap3A_80 : vector<1x16xf32> to vector<16xf32>
      %swap3A_82 = vector.shape_cast %broadcast_in_dim3A_1 : vector<16xf32> to vector<1x16xf32>
      tpu.vector_store %arg8[%swap3A_78, %swap3A_79], %swap3A_82 {strides = array<i32>} : memref<128x128xf32, #tpu.memory_space<vmem>>, vector<1x16xf32>,
      %scan3A_83 = arith.constant 0 : i32
      scf.yield %scan3A_83 : i32
    }
    %scan3A_7 = arith.constant 128 : i32
    %mul3A_8 = arith.constant 640 : i32
    %mul3A_9 = arith.muli %arg1, %mul3A_8 : i32
    %add3A_10 = arith.constant 0 : i32
    %add3A_11 = arith.addi %mul3A_9, %add3A_10 : i32
    "tpu.region"() ({
      %run_scoped3A = tpu.sem_alloc : memref<!tpu.dma_semaphore, #tpu.memory_space<semaphore_mem>>
      %dma_start3A = arith.constant 0 : i32
      %dma_start3A_42 = tpu.memref_slice %arg10[%add3A_11, %dma_start3A] : memref<10240x128xf32, #tpu.memory_space<vmem_shared>> -> memref<128x128xf32, #tpu.memory_space<vmem_shared>>
      %dma_start3A_43 = arith.constant 0 : i32
      %dma_start3A_44 = tpu.memref_slice %arg10[%add3A_11, %dma_start3A_43] : memref<10240x128xf32, #tpu.memory_space<vmem_shared>> -> memref<128x128xf32, #tpu.memory_space<vmem_shared>>
      tpu.enqueue_dma source(%arg8 : memref<128x128xf32, #tpu.memory_space<vmem>>) target(%dma_start3A_44 : memref<128x128xf32, #tpu.memory_space<vmem_shared>>) target_semaphore(%run_scoped3A : memref<!tpu.dma_semaphore, #tpu.memory_space<semaphore_mem>>)
      %dma_wait3A = arith.constant 0 : i32
      %dma_wait3A_45 = tpu.memref_slice %arg10[%add3A_11, %dma_wait3A] : memref<10240x128xf32, #tpu.memory_space<vmem_shared>> -> memref<128x128xf32, #tpu.memory_space<vmem_shared>>
      %dma_wait3A_46 = arith.constant 0 : i32
      %dma_wait3A_47 = tpu.memref_slice %arg10[%add3A_11, %dma_wait3A_46] : memref<10240x128xf32, #tpu.memory_space<vmem_shared>> -> memref<128x128xf32, #tpu.memory_space<vmem_shared>>
      tpu.wait_dma2 semaphore(%run_scoped3A : memref<!tpu.dma_semaphore, #tpu.memory_space<semaphore_mem>>) src(%arg8 : memref<128x128xf32, #tpu.memory_space<vmem>>) dst(%dma_wait3A_47 : memref<128x128xf32, #tpu.memory_space<vmem_shared>>)
      tpu.yield
    }) : () -> ()
    %mul3A_12 = arith.constant 640 : i32
    %mul3A_13 = arith.muli %arg1, %mul3A_12 : i32
    %add3A_14 = arith.constant 128 : i32
    %add3A_15 = arith.addi %mul3A_13, %add3A_14 : i32
    "tpu.region"() ({
      %run_scoped3A = tpu.sem_alloc : memref<!tpu.dma_semaphore, #tpu.memory_space<semaphore_mem>>
      %dma_start3A = arith.constant 0 : i32
      %dma_start3A_42 = tpu.memref_slice %arg10[%add3A_15, %dma_start3A] : memref<10240x128xf32, #tpu.memory_space<vmem_shared>> -> memref<128x128xf32, #tpu.memory_space<vmem_shared>>
      %dma_start3A_43 = arith.constant 0 : i32
      %dma_start3A_44 = tpu.memref_slice %arg10[%add3A_15, %dma_start3A_43] : memref<10240x128xf32, #tpu.memory_space<vmem_shared>> -> memref<128x128xf32, #tpu.memory_space<vmem_shared>>
      tpu.enqueue_dma source(%arg8 : memref<128x128xf32, #tpu.memory_space<vmem>>) target(%dma_start3A_44 : memref<128x128xf32, #tpu.memory_space<vmem_shared>>) target_semaphore(%run_scoped3A : memref<!tpu.dma_semaphore, #tpu.memory_space<semaphore_mem>>)
      %dma_wait3A = arith.constant 0 : i32
      %dma_wait3A_45 = tpu.memref_slice %arg10[%add3A_15, %dma_wait3A] : memref<10240x128xf32, #tpu.memory_space<vmem_shared>> -> memref<128x128xf32, #tpu.memory_space<vmem_shared>>
      %dma_wait3A_46 = arith.constant 0 : i32
      %dma_wait3A_47 = tpu.memref_slice %arg10[%add3A_15, %dma_wait3A_46] : memref<10240x128xf32, #tpu.memory_space<vmem_shared>> -> memref<128x128xf32, #tpu.memory_space<vmem_shared>>
      tpu.wait_dma2 semaphore(%run_scoped3A : memref<!tpu.dma_semaphore, #tpu.memory_space<semaphore_mem>>) src(%arg8 : memref<128x128xf32, #tpu.memory_space<vmem>>) dst(%dma_wait3A_47 : memref<128x128xf32, #tpu.memory_space<vmem_shared>>)
      tpu.yield
    }) : () -> ()
    %mul3A_16 = arith.constant 640 : i32
    %mul3A_17 = arith.muli %arg1, %mul3A_16 : i32
    %add3A_18 = arith.constant 256 : i32
    %add3A_19 = arith.addi %mul3A_17, %add3A_18 : i32
    "tpu.region"() ({
      %run_scoped3A = tpu.sem_alloc : memref<!tpu.dma_semaphore, #tpu.memory_space<semaphore_mem>>
      %dma_start3A = arith.constant 0 : i32
      %dma_start3A_42 = tpu.memref_slice %arg10[%add3A_19, %dma_start3A] : memref<10240x128xf32, #tpu.memory_space<vmem_shared>> -> memref<128x128xf32, #tpu.memory_space<vmem_shared>>
      %dma_start3A_43 = arith.constant 0 : i32
      %dma_start3A_44 = tpu.memref_slice %arg10[%add3A_19, %dma_start3A_43] : memref<10240x128xf32, #tpu.memory_space<vmem_shared>> -> memref<128x128xf32, #tpu.memory_space<vmem_shared>>
      tpu.enqueue_dma source(%arg8 : memref<128x128xf32, #tpu.memory_space<vmem>>) target(%dma_start3A_44 : memref<128x128xf32, #tpu.memory_space<vmem_shared>>) target_semaphore(%run_scoped3A : memref<!tpu.dma_semaphore, #tpu.memory_space<semaphore_mem>>)
      %dma_wait3A = arith.constant 0 : i32
      %dma_wait3A_45 = tpu.memref_slice %arg10[%add3A_19, %dma_wait3A] : memref<10240x128xf32, #tpu.memory_space<vmem_shared>> -> memref<128x128xf32, #tpu.memory_space<vmem_shared>>
      %dma_wait3A_46 = arith.constant 0 : i32
      %dma_wait3A_47 = tpu.memref_slice %arg10[%add3A_19, %dma_wait3A_46] : memref<10240x128xf32, #tpu.memory_space<vmem_shared>> -> memref<128x128xf32, #tpu.memory_space<vmem_shared>>
      tpu.wait_dma2 semaphore(%run_scoped3A : memref<!tpu.dma_semaphore, #tpu.memory_space<semaphore_mem>>) src(%arg8 : memref<128x128xf32, #tpu.memory_space<vmem>>) dst(%dma_wait3A_47 : memref<128x128xf32, #tpu.memory_space<vmem_shared>>)
      tpu.yield
    }) : () -> ()
    %mul3A_20 = arith.constant 640 : i32
    %mul3A_21 = arith.muli %arg1, %mul3A_20 : i32
    %add3A_22 = arith.constant 384 : i32
    %add3A_23 = arith.addi %mul3A_21, %add3A_22 : i32
    "tpu.region"() ({
      %run_scoped3A = tpu.sem_alloc : memref<!tpu.dma_semaphore, #tpu.memory_space<semaphore_mem>>
      %dma_start3A = arith.constant 0 : i32
      %dma_start3A_42 = tpu.memref_slice %arg10[%add3A_23, %dma_start3A] : memref<10240x128xf32, #tpu.memory_space<vmem_shared>> -> memref<128x128xf32, #tpu.memory_space<vmem_shared>>
      %dma_start3A_43 = arith.constant 0 : i32
      %dma_start3A_44 = tpu.memref_slice %arg10[%add3A_23, %dma_start3A_43] : memref<10240x128xf32, #tpu.memory_space<vmem_shared>> -> memref<128x128xf32, #tpu.memory_space<vmem_shared>>
      tpu.enqueue_dma source(%arg8 : memref<128x128xf32, #tpu.memory_space<vmem>>) target(%dma_start3A_44 : memref<128x128xf32, #tpu.memory_space<vmem_shared>>) target_semaphore(%run_scoped3A : memref<!tpu.dma_semaphore, #tpu.memory_space<semaphore_mem>>)
      %dma_wait3A = arith.constant 0 : i32
      %dma_wait3A_45 = tpu.memref_slice %arg10[%add3A_23, %dma_wait3A] : memref<10240x128xf32, #tpu.memory_space<vmem_shared>> -> memref<128x128xf32, #tpu.memory_space<vmem_shared>>
      %dma_wait3A_46 = arith.constant 0 : i32
      %dma_wait3A_47 = tpu.memref_slice %arg10[%add3A_23, %dma_wait3A_46] : memref<10240x128xf32, #tpu.memory_space<vmem_shared>> -> memref<128x128xf32, #tpu.memory_space<vmem_shared>>
      tpu.wait_dma2 semaphore(%run_scoped3A : memref<!tpu.dma_semaphore, #tpu.memory_space<semaphore_mem>>) src(%arg8 : memref<128x128xf32, #tpu.memory_space<vmem>>) dst(%dma_wait3A_47 : memref<128x128xf32, #tpu.memory_space<vmem_shared>>)
      tpu.yield
    }) : () -> ()
    %mul3A_24 = arith.constant 640 : i32
    %mul3A_25 = arith.muli %arg1, %mul3A_24 : i32
    %add3A_26 = arith.constant 512 : i32
    %add3A_27 = arith.addi %mul3A_25, %add3A_26 : i32
    "tpu.region"() ({
      %run_scoped3A = tpu.sem_alloc : memref<!tpu.dma_semaphore, #tpu.memory_space<semaphore_mem>>
      %dma_start3A = arith.constant 0 : i32
      %dma_start3A_42 = tpu.memref_slice %arg10[%add3A_27, %dma_start3A] : memref<10240x128xf32, #tpu.memory_space<vmem_shared>> -> memref<128x128xf32, #tpu.memory_space<vmem_shared>>
      %dma_start3A_43 = arith.constant 0 : i32
      %dma_start3A_44 = tpu.memref_slice %arg10[%add3A_27, %dma_start3A_43] : memref<10240x128xf32, #tpu.memory_space<vmem_shared>> -> memref<128x128xf32, #tpu.memory_space<vmem_shared>>
      tpu.enqueue_dma source(%arg8 : memref<128x128xf32, #tpu.memory_space<vmem>>) target(%dma_start3A_44 : memref<128x128xf32, #tpu.memory_space<vmem_shared>>) target_semaphore(%run_scoped3A : memref<!tpu.dma_semaphore, #tpu.memory_space<semaphore_mem>>)
      %dma_wait3A = arith.constant 0 : i32
      %dma_wait3A_45 = tpu.memref_slice %arg10[%add3A_27, %dma_wait3A] : memref<10240x128xf32, #tpu.memory_space<vmem_shared>> -> memref<128x128xf32, #tpu.memory_space<vmem_shared>>
      %dma_wait3A_46 = arith.constant 0 : i32
      %dma_wait3A_47 = tpu.memref_slice %arg10[%add3A_27, %dma_wait3A_46] : memref<10240x128xf32, #tpu.memory_space<vmem_shared>> -> memref<128x128xf32, #tpu.memory_space<vmem_shared>>
      tpu.wait_dma2 semaphore(%run_scoped3A : memref<!tpu.dma_semaphore, #tpu.memory_space<semaphore_mem>>) src(%arg8 : memref<128x128xf32, #tpu.memory_space<vmem>>) dst(%dma_wait3A_47 : memref<128x128xf32, #tpu.memory_space<vmem_shared>>)
      tpu.yield
    }) : () -> ()
    %barrier3A = arith.constant 0 : index
    tpu.barrier barrier_id(%barrier3A)
    %scan3A_28 = arith.constant 0 : i32
    %scan3A_29 = arith.constant 0 : i32
    %scan3A_30 = arith.constant 2 : i32
    %scan3A_31 = arith.addi %scan3A_29, %scan3A_30 : i32
    %scan3A_32 = arith.constant 1 : i32
    scf.for %scan3A_42 = %scan3A_29 to %scan3A_31 step %scan3A_32  : i32 {
      %mul3A_43 = arith.constant 40 : i32
      %mul3A_44 = arith.muli %scan3A_42, %mul3A_43 : i32
      "tpu.region"() ({
        %run_scoped3A = tpu.sem_alloc : memref<!tpu.dma_semaphore, #tpu.memory_space<semaphore_mem>>
        %dma_start3A_66 = arith.constant 0 : i32
        %dma_start3A_67 = arith.constant 0 : i32
        %dma_start3A_68 = tpu.memref_slice %arg3[%add3A, %dma_start3A_66, %dma_start3A_67] : memref<32x80x128xi32, #tpu.memory_space<hbm>> -> memref<1x80x128xi32, #tpu.memory_space<hbm>>
        %dma_start3A_69 = tpu.memref_squeeze %dma_start3A_68 : memref<1x80x128xi32, #tpu.memory_space<hbm>> -> memref<80x128xi32, #tpu.memory_space<hbm>>
        %dma_start3A_70 = arith.constant 0 : i32
        %dma_start3A_71 = tpu.memref_slice %dma_start3A_69[%mul3A_44, %dma_start3A_70] : memref<80x128xi32, #tpu.memory_space<hbm>> -> memref<40x128xi32, #tpu.memory_space<hbm>>
        %dma_start3A_72 = arith.constant 0 : i32
        %dma_start3A_73 = arith.constant 0 : i32
        %dma_start3A_74 = tpu.memref_slice %arg3[%add3A, %dma_start3A_72, %dma_start3A_73] : memref<32x80x128xi32, #tpu.memory_space<hbm>> -> memref<1x80x128xi32, #tpu.memory_space<hbm>>
        %dma_start3A_75 = tpu.memref_squeeze %dma_start3A_74 : memref<1x80x128xi32, #tpu.memory_space<hbm>> -> memref<80x128xi32, #tpu.memory_space<hbm>>
        %dma_start3A_76 = arith.constant 0 : i32
        %dma_start3A_77 = tpu.memref_slice %dma_start3A_75[%mul3A_44, %dma_start3A_76] : memref<80x128xi32, #tpu.memory_space<hbm>> -> memref<40x128xi32, #tpu.memory_space<hbm>>
        tpu.enqueue_dma source(%dma_start3A_77 : memref<40x128xi32, #tpu.memory_space<hbm>>) target(%arg6 : memref<40x128xi32, #tpu.memory_space<vmem>>) target_semaphore(%run_scoped3A : memref<!tpu.dma_semaphore, #tpu.memory_space<semaphore_mem>>)
        %dma_wait3A = arith.constant 0 : i32
        %dma_wait3A_78 = arith.constant 0 : i32
        %dma_wait3A_79 = tpu.memref_slice %arg3[%add3A, %dma_wait3A, %dma_wait3A_78] : memref<32x80x128xi32, #tpu.memory_space<hbm>> -> memref<1x80x128xi32, #tpu.memory_space<hbm>>
        %dma_wait3A_80 = tpu.memref_squeeze %dma_wait3A_79 : memref<1x80x128xi32, #tpu.memory_space<hbm>> -> memref<80x128xi32, #tpu.memory_space<hbm>>
        %dma_wait3A_81 = arith.constant 0 : i32
        %dma_wait3A_82 = tpu.memref_slice %dma_wait3A_80[%mul3A_44, %dma_wait3A_81] : memref<80x128xi32, #tpu.memory_space<hbm>> -> memref<40x128xi32, #tpu.memory_space<hbm>>
        %dma_wait3A_83 = arith.constant 0 : i32
        %dma_wait3A_84 = arith.constant 0 : i32
        %dma_wait3A_85 = tpu.memref_slice %arg3[%add3A, %dma_wait3A_83, %dma_wait3A_84] : memref<32x80x128xi32, #tpu.memory_space<hbm>> -> memref<1x80x128xi32, #tpu.memory_space<hbm>>
        %dma_wait3A_86 = tpu.memref_squeeze %dma_wait3A_85 : memref<1x80x128xi32, #tpu.memory_space<hbm>> -> memref<80x128xi32, #tpu.memory_space<hbm>>
        %dma_wait3A_87 = arith.constant 0 : i32
        %dma_wait3A_88 = tpu.memref_slice %dma_wait3A_86[%mul3A_44, %dma_wait3A_87] : memref<80x128xi32, #tpu.memory_space<hbm>> -> memref<40x128xi32, #tpu.memory_space<hbm>>
        tpu.wait_dma2 semaphore(%run_scoped3A : memref<!tpu.dma_semaphore, #tpu.memory_space<semaphore_mem>>) src(%dma_wait3A_88 : memref<40x128xi32, #tpu.memory_space<hbm>>) dst(%arg6 : memref<40x128xi32, #tpu.memory_space<vmem>>)
        tpu.yield
      }) : () -> ()
      %mul3A_45 = arith.constant 40 : i32
      %mul3A_46 = arith.muli %scan3A_42, %mul3A_45 : i32
      "tpu.region"() ({
        %run_scoped3A = tpu.sem_alloc : memref<!tpu.dma_semaphore, #tpu.memory_space<semaphore_mem>>
        %dma_start3A_66 = arith.constant 0 : i32
        %dma_start3A_67 = arith.constant 0 : i32
        %dma_start3A_68 = tpu.memref_slice %arg4[%arg1, %dma_start3A_66, %dma_start3A_67] : memref<16x80x128xi32, #tpu.memory_space<hbm>> -> memref<1x80x128xi32, #tpu.memory_space<hbm>>
        %dma_start3A_69 = tpu.memref_squeeze %dma_start3A_68 : memref<1x80x128xi32, #tpu.memory_space<hbm>> -> memref<80x128xi32, #tpu.memory_space<hbm>>
        %dma_start3A_70 = arith.constant 0 : i32
        %dma_start3A_71 = tpu.memref_slice %dma_start3A_69[%mul3A_46, %dma_start3A_70] : memref<80x128xi32, #tpu.memory_space<hbm>> -> memref<40x128xi32, #tpu.memory_space<hbm>>
        %dma_start3A_72 = arith.constant 0 : i32
        %dma_start3A_73 = arith.constant 0 : i32
        %dma_start3A_74 = tpu.memref_slice %arg4[%arg1, %dma_start3A_72, %dma_start3A_73] : memref<16x80x128xi32, #tpu.memory_space<hbm>> -> memref<1x80x128xi32, #tpu.memory_space<hbm>>
        %dma_start3A_75 = tpu.memref_squeeze %dma_start3A_74 : memref<1x80x128xi32, #tpu.memory_space<hbm>> -> memref<80x128xi32, #tpu.memory_space<hbm>>
        %dma_start3A_76 = arith.constant 0 : i32
        %dma_start3A_77 = tpu.memref_slice %dma_start3A_75[%mul3A_46, %dma_start3A_76] : memref<80x128xi32, #tpu.memory_space<hbm>> -> memref<40x128xi32, #tpu.memory_space<hbm>>
        tpu.enqueue_dma source(%dma_start3A_77 : memref<40x128xi32, #tpu.memory_space<hbm>>) target(%arg7 : memref<40x128xi32, #tpu.memory_space<vmem>>) target_semaphore(%run_scoped3A : memref<!tpu.dma_semaphore, #tpu.memory_space<semaphore_mem>>)
        %dma_wait3A = arith.constant 0 : i32
        %dma_wait3A_78 = arith.constant 0 : i32
        %dma_wait3A_79 = tpu.memref_slice %arg4[%arg1, %dma_wait3A, %dma_wait3A_78] : memref<16x80x128xi32, #tpu.memory_space<hbm>> -> memref<1x80x128xi32, #tpu.memory_space<hbm>>
        %dma_wait3A_80 = tpu.memref_squeeze %dma_wait3A_79 : memref<1x80x128xi32, #tpu.memory_space<hbm>> -> memref<80x128xi32, #tpu.memory_space<hbm>>
        %dma_wait3A_81 = arith.constant 0 : i32
        %dma_wait3A_82 = tpu.memref_slice %dma_wait3A_80[%mul3A_46, %dma_wait3A_81] : memref<80x128xi32, #tpu.memory_space<hbm>> -> memref<40x128xi32, #tpu.memory_space<hbm>>
        %dma_wait3A_83 = arith.constant 0 : i32
        %dma_wait3A_84 = arith.constant 0 : i32
        %dma_wait3A_85 = tpu.memref_slice %arg4[%arg1, %dma_wait3A_83, %dma_wait3A_84] : memref<16x80x128xi32, #tpu.memory_space<hbm>> -> memref<1x80x128xi32, #tpu.memory_space<hbm>>
        %dma_wait3A_86 = tpu.memref_squeeze %dma_wait3A_85 : memref<1x80x128xi32, #tpu.memory_space<hbm>> -> memref<80x128xi32, #tpu.memory_space<hbm>>
        %dma_wait3A_87 = arith.constant 0 : i32
        %dma_wait3A_88 = tpu.memref_slice %dma_wait3A_86[%mul3A_46, %dma_wait3A_87] : memref<80x128xi32, #tpu.memory_space<hbm>> -> memref<40x128xi32, #tpu.memory_space<hbm>>
        tpu.wait_dma2 semaphore(%run_scoped3A : memref<!tpu.dma_semaphore, #tpu.memory_space<semaphore_mem>>) src(%dma_wait3A_88 : memref<40x128xi32, #tpu.memory_space<hbm>>) dst(%arg7 : memref<40x128xi32, #tpu.memory_space<vmem>>)
        tpu.yield
      }) : () -> ()
      %dma_start3A = arith.constant 0 : i32
      %dma_start3A_47 = arith.constant 0 : i32
      %dma_start3A_48 = tpu.memref_slice %arg6[%dma_start3A, %dma_start3A_47] : memref<40x128xi32, #tpu.memory_space<vmem>> -> memref<1x128xi32, #tpu.memory_space<vmem>>
      %dma_start3A_49 = tpu.memref_squeeze %dma_start3A_48 : memref<1x128xi32, #tpu.memory_space<vmem>> -> memref<128xi32, #tpu.memory_space<vmem>>
      %dma_start3A_50 = arith.constant 0 : i32
      %dma_start3A_51 = arith.constant 0 : i32
      %dma_start3A_52 = tpu.memref_slice %arg2[%dma_start3A_50, %dma_start3A_51] : memref<20000x128xf32, #tpu.memory_space<hbm>> -> memref<20000x128xf32, #tpu.memory_space<hbm>>
      tpu.enqueue_indirect_dma source(%dma_start3A_52 : memref<20000x128xf32, #tpu.memory_space<hbm>>) target(%arg8 : memref<128x128xf32, #tpu.memory_space<vmem>>) offsets(%dma_start3A_49 : memref<128xi32, #tpu.memory_space<vmem>>) semaphore(%arg11 : memref<!tpu.dma_semaphore, #tpu.memory_space<semaphore_mem>>)
      %dma_start3A_53 = arith.constant 1 : i32
      %dma_start3A_54 = arith.constant 0 : i32
      %dma_start3A_55 = tpu.memref_slice %arg6[%dma_start3A_53, %dma_start3A_54] : memref<40x128xi32, #tpu.memory_space<vmem>> -> memref<1x128xi32, #tpu.memory_space<vmem>>
      %dma_start3A_56 = tpu.memref_squeeze %dma_start3A_55 : memref<1x128xi32, #tpu.memory_space<vmem>> -> memref<128xi32, #tpu.memory_space<vmem>>
      %dma_start3A_57 = arith.constant 0 : i32
      %dma_start3A_58 = arith.constant 0 : i32
      %dma_start3A_59 = tpu.memref_slice %arg2[%dma_start3A_57, %dma_start3A_58] : memref<20000x128xf32, #tpu.memory_space<hbm>> -> memref<20000x128xf32, #tpu.memory_space<hbm>>
      tpu.enqueue_indirect_dma source(%dma_start3A_59 : memref<20000x128xf32, #tpu.memory_space<hbm>>) target(%arg9 : memref<128x128xf32, #tpu.memory_space<vmem>>) offsets(%dma_start3A_56 : memref<128xi32, #tpu.memory_space<vmem>>) semaphore(%arg12 : memref<!tpu.dma_semaphore, #tpu.memory_space<semaphore_mem>>)
      %scan3A_60 = arith.constant 0 : i32
      %scan3A_61 = arith.constant 0 : i32
      %scan3A_62 = arith.constant 20 : i32
      %scan3A_63 = arith.addi %scan3A_61, %scan3A_62 : i32
      %scan3A_64 = arith.constant 1 : i32
      scf.for %scan3A_66 = %scan3A_61 to %scan3A_63 step %scan3A_64  : i32 {
        %mul3A_67 = arith.constant 2 : i32
        %mul3A_68 = arith.muli %mul3A_67, %scan3A_66 : i32
        %dma_wait3A = arith.constant 0 : i32
        %dma_wait3A_69 = tpu.memref_slice %arg6[%mul3A_68, %dma_wait3A] : memref<40x128xi32, #tpu.memory_space<vmem>> -> memref<1x128xi32, #tpu.memory_space<vmem>>
        %dma_wait3A_70 = tpu.memref_squeeze %dma_wait3A_69 : memref<1x128xi32, #tpu.memory_space<vmem>> -> memref<128xi32, #tpu.memory_space<vmem>>
        %dma_wait3A_71 = arith.constant 0 : i32
        %dma_wait3A_72 = arith.constant 0 : i32
        %dma_wait3A_73 = tpu.memref_slice %arg2[%dma_wait3A_71, %dma_wait3A_72] : memref<20000x128xf32, #tpu.memory_space<hbm>> -> memref<20000x128xf32, #tpu.memory_space<hbm>>
        tpu.wait_indirect_dma semaphore(%arg11 : memref<!tpu.dma_semaphore, #tpu.memory_space<semaphore_mem>>) src(%dma_wait3A_73 : memref<20000x128xf32, #tpu.memory_space<hbm>>) dst(%arg8 : memref<128x128xf32, #tpu.memory_space<vmem>>)
        "tpu.region"() ({
          %run_scoped3A = tpu.sem_alloc : memref<!tpu.dma_semaphore, #tpu.memory_space<semaphore_mem>>
          %dma_start3A_95 = arith.constant 0 : i32
          %dma_start3A_96 = tpu.memref_slice %arg7[%mul3A_68, %dma_start3A_95] : memref<40x128xi32, #tpu.memory_space<vmem>> -> memref<1x128xi32, #tpu.memory_space<vmem>>
          %dma_start3A_97 = tpu.memref_squeeze %dma_start3A_96 : memref<1x128xi32, #tpu.memory_space<vmem>> -> memref<128xi32, #tpu.memory_space<vmem>>
          %dma_start3A_98 = arith.constant 0 : i32
          %dma_start3A_99 = arith.constant 0 : i32
          %dma_start3A_100 = tpu.memref_slice %arg10[%dma_start3A_98, %dma_start3A_99] : memref<10240x128xf32, #tpu.memory_space<vmem_shared>> -> memref<10240x128xf32, #tpu.memory_space<vmem_shared>>
          tpu.enqueue_indirect_dma source(%arg8 : memref<128x128xf32, #tpu.memory_space<vmem>>) target(%dma_start3A_100 : memref<10240x128xf32, #tpu.memory_space<vmem_shared>>) offsets(%dma_start3A_97 : memref<128xi32, #tpu.memory_space<vmem>>) semaphore(%run_scoped3A : memref<!tpu.dma_semaphore, #tpu.memory_space<semaphore_mem>>) {add = true}
          %dma_wait3A_101 = arith.constant 0 : i32
          %dma_wait3A_102 = tpu.memref_slice %arg7[%mul3A_68, %dma_wait3A_101] : memref<40x128xi32, #tpu.memory_space<vmem>> -> memref<1x128xi32, #tpu.memory_space<vmem>>
          %dma_wait3A_103 = tpu.memref_squeeze %dma_wait3A_102 : memref<1x128xi32, #tpu.memory_space<vmem>> -> memref<128xi32, #tpu.memory_space<vmem>>
          %dma_wait3A_104 = arith.constant 0 : i32
          %dma_wait3A_105 = arith.constant 0 : i32
          %dma_wait3A_106 = tpu.memref_slice %arg10[%dma_wait3A_104, %dma_wait3A_105] : memref<10240x128xf32, #tpu.memory_space<vmem_shared>> -> memref<10240x128xf32, #tpu.memory_space<vmem_shared>>
          tpu.wait_indirect_dma semaphore(%run_scoped3A : memref<!tpu.dma_semaphore, #tpu.memory_space<semaphore_mem>>) src(%arg8 : memref<128x128xf32, #tpu.memory_space<vmem>>) dst(%dma_wait3A_106 : memref<10240x128xf32, #tpu.memory_space<vmem_shared>>)
          tpu.yield
        }) : () -> ()
        %add3A_74 = arith.constant 2 : i32
        %add3A_75 = arith.addi %mul3A_68, %add3A_74 : i32
        %lt3A = arith.constant 40 : i32
        %lt3A_76 = arith.cmpi slt, %add3A_75, %lt3A : i32
        %convert_element_type3A = arith.extui %lt3A_76 : i1 to i32
        %cond3A = arith.constant 0 : i32
        %cond3A_77 = arith.cmpi ne, %convert_element_type3A, %cond3A : i32
        scf.if %cond3A_77 {
          %add3A_95 = arith.constant 2 : i32
          %add3A_96 = arith.addi %mul3A_68, %add3A_95 : i32
          %dma_start3A_97 = arith.constant 0 : i32
          %dma_start3A_98 = tpu.memref_slice %arg6[%add3A_96, %dma_start3A_97] : memref<40x128xi32, #tpu.memory_space<vmem>> -> memref<1x128xi32, #tpu.memory_space<vmem>>
          %dma_start3A_99 = tpu.memref_squeeze %dma_start3A_98 : memref<1x128xi32, #tpu.memory_space<vmem>> -> memref<128xi32, #tpu.memory_space<vmem>>
          %dma_start3A_100 = arith.constant 0 : i32
          %dma_start3A_101 = arith.constant 0 : i32
          %dma_start3A_102 = tpu.memref_slice %arg2[%dma_start3A_100, %dma_start3A_101] : memref<20000x128xf32, #tpu.memory_space<hbm>> -> memref<20000x128xf32, #tpu.memory_space<hbm>>
          tpu.enqueue_indirect_dma source(%dma_start3A_102 : memref<20000x128xf32, #tpu.memory_space<hbm>>) target(%arg8 : memref<128x128xf32, #tpu.memory_space<vmem>>) offsets(%dma_start3A_99 : memref<128xi32, #tpu.memory_space<vmem>>) semaphore(%arg11 : memref<!tpu.dma_semaphore, #tpu.memory_space<semaphore_mem>>)
        } else {
        }
        %add3A_78 = arith.constant 1 : i32
        %add3A_79 = arith.addi %mul3A_68, %add3A_78 : i32
        %dma_wait3A_80 = arith.constant 0 : i32
        %dma_wait3A_81 = tpu.memref_slice %arg6[%add3A_79, %dma_wait3A_80] : memref<40x128xi32, #tpu.memory_space<vmem>> -> memref<1x128xi32, #tpu.memory_space<vmem>>
        %dma_wait3A_82 = tpu.memref_squeeze %dma_wait3A_81 : memref<1x128xi32, #tpu.memory_space<vmem>> -> memref<128xi32, #tpu.memory_space<vmem>>
        %dma_wait3A_83 = arith.constant 0 : i32
        %dma_wait3A_84 = arith.constant 0 : i32
        %dma_wait3A_85 = tpu.memref_slice %arg2[%dma_wait3A_83, %dma_wait3A_84] : memref<20000x128xf32, #tpu.memory_space<hbm>> -> memref<20000x128xf32, #tpu.memory_space<hbm>>
        tpu.wait_indirect_dma semaphore(%arg12 : memref<!tpu.dma_semaphore, #tpu.memory_space<semaphore_mem>>) src(%dma_wait3A_85 : memref<20000x128xf32, #tpu.memory_space<hbm>>) dst(%arg9 : memref<128x128xf32, #tpu.memory_space<vmem>>)
        %add3A_86 = arith.constant 1 : i32
        %add3A_87 = arith.addi %mul3A_68, %add3A_86 : i32
        "tpu.region"() ({
          %run_scoped3A = tpu.sem_alloc : memref<!tpu.dma_semaphore, #tpu.memory_space<semaphore_mem>>
          %dma_start3A_95 = arith.constant 0 : i32
          %dma_start3A_96 = tpu.memref_slice %arg7[%add3A_87, %dma_start3A_95] : memref<40x128xi32, #tpu.memory_space<vmem>> -> memref<1x128xi32, #tpu.memory_space<vmem>>
          %dma_start3A_97 = tpu.memref_squeeze %dma_start3A_96 : memref<1x128xi32, #tpu.memory_space<vmem>> -> memref<128xi32, #tpu.memory_space<vmem>>
          %dma_start3A_98 = arith.constant 0 : i32
          %dma_start3A_99 = arith.constant 0 : i32
          %dma_start3A_100 = tpu.memref_slice %arg10[%dma_start3A_98, %dma_start3A_99] : memref<10240x128xf32, #tpu.memory_space<vmem_shared>> -> memref<10240x128xf32, #tpu.memory_space<vmem_shared>>
          tpu.enqueue_indirect_dma source(%arg9 : memref<128x128xf32, #tpu.memory_space<vmem>>) target(%dma_start3A_100 : memref<10240x128xf32, #tpu.memory_space<vmem_shared>>) offsets(%dma_start3A_97 : memref<128xi32, #tpu.memory_space<vmem>>) semaphore(%run_scoped3A : memref<!tpu.dma_semaphore, #tpu.memory_space<semaphore_mem>>) {add = true}
          %dma_wait3A_101 = arith.constant 0 : i32
          %dma_wait3A_102 = tpu.memref_slice %arg7[%add3A_87, %dma_wait3A_101] : memref<40x128xi32, #tpu.memory_space<vmem>> -> memref<1x128xi32, #tpu.memory_space<vmem>>
          %dma_wait3A_103 = tpu.memref_squeeze %dma_wait3A_102 : memref<1x128xi32, #tpu.memory_space<vmem>> -> memref<128xi32, #tpu.memory_space<vmem>>
          %dma_wait3A_104 = arith.constant 0 : i32
          %dma_wait3A_105 = arith.constant 0 : i32
          %dma_wait3A_106 = tpu.memref_slice %arg10[%dma_wait3A_104, %dma_wait3A_105] : memref<10240x128xf32, #tpu.memory_space<vmem_shared>> -> memref<10240x128xf32, #tpu.memory_space<vmem_shared>>
          tpu.wait_indirect_dma semaphore(%run_scoped3A : memref<!tpu.dma_semaphore, #tpu.memory_space<semaphore_mem>>) src(%arg9 : memref<128x128xf32, #tpu.memory_space<vmem>>) dst(%dma_wait3A_106 : memref<10240x128xf32, #tpu.memory_space<vmem_shared>>)
          tpu.yield
        }) : () -> ()
        %add3A_88 = arith.constant 3 : i32
        %add3A_89 = arith.addi %mul3A_68, %add3A_88 : i32
        %lt3A_90 = arith.constant 40 : i32
        %lt3A_91 = arith.cmpi slt, %add3A_89, %lt3A_90 : i32
        %convert_element_type3A_92 = arith.extui %lt3A_91 : i1 to i32
        %cond3A_93 = arith.constant 0 : i32
        %cond3A_94 = arith.cmpi ne, %convert_element_type3A_92, %cond3A_93 : i32
        scf.if %cond3A_94 {
          %add3A_95 = arith.constant 3 : i32
          %add3A_96 = arith.addi %mul3A_68, %add3A_95 : i32
          %dma_start3A_97 = arith.constant 0 : i32
          %dma_start3A_98 = tpu.memref_slice %arg6[%add3A_96, %dma_start3A_97] : memref<40x128xi32, #tpu.memory_space<vmem>> -> memref<1x128xi32, #tpu.memory_space<vmem>>
          %dma_start3A_99 = tpu.memref_squeeze %dma_start3A_98 : memref<1x128xi32, #tpu.memory_space<vmem>> -> memref<128xi32, #tpu.memory_space<vmem>>
          %dma_start3A_100 = arith.constant 0 : i32
          %dma_start3A_101 = arith.constant 0 : i32
          %dma_start3A_102 = tpu.memref_slice %arg2[%dma_start3A_100, %dma_start3A_101] : memref<20000x128xf32, #tpu.memory_space<hbm>> -> memref<20000x128xf32, #tpu.memory_space<hbm>>
          tpu.enqueue_indirect_dma source(%dma_start3A_102 : memref<20000x128xf32, #tpu.memory_space<hbm>>) target(%arg9 : memref<128x128xf32, #tpu.memory_space<vmem>>) offsets(%dma_start3A_99 : memref<128xi32, #tpu.memory_space<vmem>>) semaphore(%arg12 : memref<!tpu.dma_semaphore, #tpu.memory_space<semaphore_mem>>)
        } else {
        }
      }
      %scan3A_65 = arith.constant 20 : i32
    }
    %scan3A_33 = arith.constant 2 : i32
    %barrier3A_34 = arith.constant 0 : index
    tpu.barrier barrier_id(%barrier3A_34)
    %mul3A_35 = arith.constant 640 : i32
    %mul3A_36 = arith.muli %arg1, %mul3A_35 : i32
    %mul3A_37 = arith.constant 10240 : i32
    %mul3A_38 = arith.muli %arg0, %mul3A_37 : i32
    %mul3A_39 = arith.constant 640 : i32
    %mul3A_40 = arith.muli %arg1, %mul3A_39 : i32
    %add3A_41 = arith.addi %mul3A_38, %mul3A_40 : i32
    "tpu.region"() ({
      %run_scoped3A = tpu.sem_alloc : memref<!tpu.dma_semaphore, #tpu.memory_space<semaphore_mem>>
      %dma_start3A = arith.constant 0 : i32
      %dma_start3A_42 = tpu.memref_slice %arg5[%add3A_41, %dma_start3A] : memref<20480x128xf32, #tpu.memory_space<hbm>> -> memref<640x128xf32, #tpu.memory_space<hbm>>
      %dma_start3A_43 = arith.constant 0 : i32
      %dma_start3A_44 = tpu.memref_slice %arg10[%mul3A_36, %dma_start3A_43] : memref<10240x128xf32, #tpu.memory_space<vmem_shared>> -> memref<640x128xf32, #tpu.memory_space<vmem_shared>>
      tpu.enqueue_dma source(%dma_start3A_44 : memref<640x128xf32, #tpu.memory_space<vmem_shared>>) target(%dma_start3A_42 : memref<640x128xf32, #tpu.memory_space<hbm>>) target_semaphore(%run_scoped3A : memref<!tpu.dma_semaphore, #tpu.memory_space<semaphore_mem>>)
      %dma_wait3A = arith.constant 0 : i32
      %dma_wait3A_45 = tpu.memref_slice %arg5[%add3A_41, %dma_wait3A] : memref<20480x128xf32, #tpu.memory_space<hbm>> -> memref<640x128xf32, #tpu.memory_space<hbm>>
      %dma_wait3A_46 = arith.constant 0 : i32
      %dma_wait3A_47 = tpu.memref_slice %arg10[%mul3A_36, %dma_wait3A_46] : memref<10240x128xf32, #tpu.memory_space<vmem_shared>> -> memref<640x128xf32, #tpu.memory_space<vmem_shared>>
      tpu.wait_dma2 semaphore(%run_scoped3A : memref<!tpu.dma_semaphore, #tpu.memory_space<semaphore_mem>>) src(%dma_wait3A_47 : memref<640x128xf32, #tpu.memory_space<vmem_shared>>) dst(%dma_wait3A_45 : memref<640x128xf32, #tpu.memory_space<hbm>>)
      tpu.yield
    }) : () -> ()
    return
  }
}

#map = affine_map<(d0, d1) -> (0, 0)>
#map1 = affine_map<(d0, d1) -> (0, 0, 0)>
module attributes {stable_mosaic.version = 14 : i64} {
  func.func @body(%arg0: i32, %arg1: i32, %arg2: memref<20000x128xf32, #tpu.memory_space<hbm>>, %arg3: memref<32x40x128xi32, #tpu.memory_space<hbm>>, %arg4: memref<32x40x128xi32, #tpu.memory_space<hbm>>, %arg5: memref<20480x128xf32, #tpu.memory_space<hbm>>, %arg6: memref<40x128xi32, #tpu.memory_space<vmem>>, %arg7: memref<40x128xi32, #tpu.memory_space<vmem>>, %arg8: memref<128x128xf32, #tpu.memory_space<vmem>>, %arg9: memref<128x128xf32, #tpu.memory_space<vmem>>, %arg10: memref<10240x128xf32, #tpu.memory_space<vmem_shared>>, %arg11: memref<!tpu.dma_semaphore, #tpu.memory_space<semaphore_mem>>, %arg12: memref<!tpu.dma_semaphore, #tpu.memory_space<semaphore_mem>>, %arg13: memref<!tpu.dma_semaphore, #tpu.memory_space<semaphore_mem>>, %arg14: memref<!tpu.dma_semaphore, #tpu.memory_space<semaphore_mem>>) attributes {dimension_semantics = [#tpu.dimension_semantics<core_parallel>, #tpu.dimension_semantics<subcore_parallel>], iteration_bounds = array<i64: 2, 16>, scalar_prefetch = 0 : i64, scratch_operands = 9 : i64, tpu.core_type = #tpu.core_type<sc_vector_subcore>, window_params = [{transform_indices = #map}, {transform_indices = #map1}, {transform_indices = #map1}, {transform_indices = #map}]} {
    %mul3A = arith.constant 16 : i32
    %mul3A_0 = arith.muli %arg0, %mul3A : i32
    %add3A = arith.addi %mul3A_0, %arg1 : i32
    %broadcast_in_dim3A = arith.constant 0.000000e+00 : f32
    %broadcast_in_dim3A_1 = vector.broadcast %broadcast_in_dim3A : f32 to vector<16xf32>
    %scan3A = arith.constant 0 : i32
    %scan3A_2 = arith.constant 0 : i32
    %scan3A_3 = arith.constant 128 : i32
    %scan3A_4 = arith.addi %scan3A_2, %scan3A_3 : i32
    %scan3A_5 = arith.constant 1 : i32
    %scan3A_6 = scf.for %scan3A_62 = %scan3A_2 to %scan3A_4 step %scan3A_5 iter_args(%scan3A_63 = %scan3A) -> (i32)  : i32 {
      %swap3A = arith.index_cast %scan3A_62 : i32 to index
      %swap3A_64 = arith.constant 0 : index
      %swap3A_65 = tpu.vector_load %arg8[%swap3A, %swap3A_64] {strides = array<i32>} : memref<128x128xf32, #tpu.memory_space<vmem>>, vector<1x16xf32>,
      %swap3A_66 = vector.shape_cast %swap3A_65 : vector<1x16xf32> to vector<16xf32>
      %swap3A_67 = vector.shape_cast %broadcast_in_dim3A_1 : vector<16xf32> to vector<1x16xf32>
      tpu.vector_store %arg8[%swap3A, %swap3A_64], %swap3A_67 {strides = array<i32>} : memref<128x128xf32, #tpu.memory_space<vmem>>, vector<1x16xf32>,
      %swap3A_68 = arith.index_cast %scan3A_62 : i32 to index
      %swap3A_69 = arith.constant 16 : index
      %swap3A_70 = tpu.vector_load %arg8[%swap3A_68, %swap3A_69] {strides = array<i32>} : memref<128x128xf32, #tpu.memory_space<vmem>>, vector<1x16xf32>,
      %swap3A_71 = vector.shape_cast %swap3A_70 : vector<1x16xf32> to vector<16xf32>
      %swap3A_72 = vector.shape_cast %broadcast_in_dim3A_1 : vector<16xf32> to vector<1x16xf32>
      tpu.vector_store %arg8[%swap3A_68, %swap3A_69], %swap3A_72 {strides = array<i32>} : memref<128x128xf32, #tpu.memory_space<vmem>>, vector<1x16xf32>,
      %swap3A_73 = arith.index_cast %scan3A_62 : i32 to index
      %swap3A_74 = arith.constant 32 : index
      %swap3A_75 = tpu.vector_load %arg8[%swap3A_73, %swap3A_74] {strides = array<i32>} : memref<128x128xf32, #tpu.memory_space<vmem>>, vector<1x16xf32>,
      %swap3A_76 = vector.shape_cast %swap3A_75 : vector<1x16xf32> to vector<16xf32>
      %swap3A_77 = vector.shape_cast %broadcast_in_dim3A_1 : vector<16xf32> to vector<1x16xf32>
      tpu.vector_store %arg8[%swap3A_73, %swap3A_74], %swap3A_77 {strides = array<i32>} : memref<128x128xf32, #tpu.memory_space<vmem>>, vector<1x16xf32>,
      %swap3A_78 = arith.index_cast %scan3A_62 : i32 to index
      %swap3A_79 = arith.constant 48 : index
      %swap3A_80 = tpu.vector_load %arg8[%swap3A_78, %swap3A_79] {strides = array<i32>} : memref<128x128xf32, #tpu.memory_space<vmem>>, vector<1x16xf32>,
      %swap3A_81 = vector.shape_cast %swap3A_80 : vector<1x16xf32> to vector<16xf32>
      %swap3A_82 = vector.shape_cast %broadcast_in_dim3A_1 : vector<16xf32> to vector<1x16xf32>
      tpu.vector_store %arg8[%swap3A_78, %swap3A_79], %swap3A_82 {strides = array<i32>} : memref<128x128xf32, #tpu.memory_space<vmem>>, vector<1x16xf32>,
      %swap3A_83 = arith.index_cast %scan3A_62 : i32 to index
      %swap3A_84 = arith.constant 64 : index
      %swap3A_85 = tpu.vector_load %arg8[%swap3A_83, %swap3A_84] {strides = array<i32>} : memref<128x128xf32, #tpu.memory_space<vmem>>, vector<1x16xf32>,
      %swap3A_86 = vector.shape_cast %swap3A_85 : vector<1x16xf32> to vector<16xf32>
      %swap3A_87 = vector.shape_cast %broadcast_in_dim3A_1 : vector<16xf32> to vector<1x16xf32>
      tpu.vector_store %arg8[%swap3A_83, %swap3A_84], %swap3A_87 {strides = array<i32>} : memref<128x128xf32, #tpu.memory_space<vmem>>, vector<1x16xf32>,
      %swap3A_88 = arith.index_cast %scan3A_62 : i32 to index
      %swap3A_89 = arith.constant 80 : index
      %swap3A_90 = tpu.vector_load %arg8[%swap3A_88, %swap3A_89] {strides = array<i32>} : memref<128x128xf32, #tpu.memory_space<vmem>>, vector<1x16xf32>,
      %swap3A_91 = vector.shape_cast %swap3A_90 : vector<1x16xf32> to vector<16xf32>
      %swap3A_92 = vector.shape_cast %broadcast_in_dim3A_1 : vector<16xf32> to vector<1x16xf32>
      tpu.vector_store %arg8[%swap3A_88, %swap3A_89], %swap3A_92 {strides = array<i32>} : memref<128x128xf32, #tpu.memory_space<vmem>>, vector<1x16xf32>,
      %swap3A_93 = arith.index_cast %scan3A_62 : i32 to index
      %swap3A_94 = arith.constant 96 : index
      %swap3A_95 = tpu.vector_load %arg8[%swap3A_93, %swap3A_94] {strides = array<i32>} : memref<128x128xf32, #tpu.memory_space<vmem>>, vector<1x16xf32>,
      %swap3A_96 = vector.shape_cast %swap3A_95 : vector<1x16xf32> to vector<16xf32>
      %swap3A_97 = vector.shape_cast %broadcast_in_dim3A_1 : vector<16xf32> to vector<1x16xf32>
      tpu.vector_store %arg8[%swap3A_93, %swap3A_94], %swap3A_97 {strides = array<i32>} : memref<128x128xf32, #tpu.memory_space<vmem>>, vector<1x16xf32>,
      %swap3A_98 = arith.index_cast %scan3A_62 : i32 to index
      %swap3A_99 = arith.constant 112 : index
      %swap3A_100 = tpu.vector_load %arg8[%swap3A_98, %swap3A_99] {strides = array<i32>} : memref<128x128xf32, #tpu.memory_space<vmem>>, vector<1x16xf32>,
      %swap3A_101 = vector.shape_cast %swap3A_100 : vector<1x16xf32> to vector<16xf32>
      %swap3A_102 = vector.shape_cast %broadcast_in_dim3A_1 : vector<16xf32> to vector<1x16xf32>
      tpu.vector_store %arg8[%swap3A_98, %swap3A_99], %swap3A_102 {strides = array<i32>} : memref<128x128xf32, #tpu.memory_space<vmem>>, vector<1x16xf32>,
      %scan3A_103 = arith.constant 0 : i32
      scf.yield %scan3A_103 : i32
    }
    %scan3A_7 = arith.constant 128 : i32
    %mul3A_8 = arith.constant 640 : i32
    %mul3A_9 = arith.muli %arg1, %mul3A_8 : i32
    %add3A_10 = arith.constant 0 : i32
    %add3A_11 = arith.addi %mul3A_9, %add3A_10 : i32
    "tpu.region"() ({
      %run_scoped3A = tpu.sem_alloc : memref<!tpu.dma_semaphore, #tpu.memory_space<semaphore_mem>>
      %dma_start3A_62 = arith.constant 0 : i32
      %dma_start3A_63 = tpu.memref_slice %arg10[%add3A_11, %dma_start3A_62] : memref<10240x128xf32, #tpu.memory_space<vmem_shared>> -> memref<128x128xf32, #tpu.memory_space<vmem_shared>>
      %dma_start3A_64 = arith.constant 0 : i32
      %dma_start3A_65 = tpu.memref_slice %arg10[%add3A_11, %dma_start3A_64] : memref<10240x128xf32, #tpu.memory_space<vmem_shared>> -> memref<128x128xf32, #tpu.memory_space<vmem_shared>>
      tpu.enqueue_dma source(%arg8 : memref<128x128xf32, #tpu.memory_space<vmem>>) target(%dma_start3A_65 : memref<128x128xf32, #tpu.memory_space<vmem_shared>>) target_semaphore(%run_scoped3A : memref<!tpu.dma_semaphore, #tpu.memory_space<semaphore_mem>>)
      %dma_wait3A = arith.constant 0 : i32
      %dma_wait3A_66 = tpu.memref_slice %arg10[%add3A_11, %dma_wait3A] : memref<10240x128xf32, #tpu.memory_space<vmem_shared>> -> memref<128x128xf32, #tpu.memory_space<vmem_shared>>
      %dma_wait3A_67 = arith.constant 0 : i32
      %dma_wait3A_68 = tpu.memref_slice %arg10[%add3A_11, %dma_wait3A_67] : memref<10240x128xf32, #tpu.memory_space<vmem_shared>> -> memref<128x128xf32, #tpu.memory_space<vmem_shared>>
      tpu.wait_dma2 semaphore(%run_scoped3A : memref<!tpu.dma_semaphore, #tpu.memory_space<semaphore_mem>>) src(%arg8 : memref<128x128xf32, #tpu.memory_space<vmem>>) dst(%dma_wait3A_68 : memref<128x128xf32, #tpu.memory_space<vmem_shared>>)
      tpu.yield
    }) : () -> ()
    %mul3A_12 = arith.constant 640 : i32
    %mul3A_13 = arith.muli %arg1, %mul3A_12 : i32
    %add3A_14 = arith.constant 128 : i32
    %add3A_15 = arith.addi %mul3A_13, %add3A_14 : i32
    "tpu.region"() ({
      %run_scoped3A = tpu.sem_alloc : memref<!tpu.dma_semaphore, #tpu.memory_space<semaphore_mem>>
      %dma_start3A_62 = arith.constant 0 : i32
      %dma_start3A_63 = tpu.memref_slice %arg10[%add3A_15, %dma_start3A_62] : memref<10240x128xf32, #tpu.memory_space<vmem_shared>> -> memref<128x128xf32, #tpu.memory_space<vmem_shared>>
      %dma_start3A_64 = arith.constant 0 : i32
      %dma_start3A_65 = tpu.memref_slice %arg10[%add3A_15, %dma_start3A_64] : memref<10240x128xf32, #tpu.memory_space<vmem_shared>> -> memref<128x128xf32, #tpu.memory_space<vmem_shared>>
      tpu.enqueue_dma source(%arg8 : memref<128x128xf32, #tpu.memory_space<vmem>>) target(%dma_start3A_65 : memref<128x128xf32, #tpu.memory_space<vmem_shared>>) target_semaphore(%run_scoped3A : memref<!tpu.dma_semaphore, #tpu.memory_space<semaphore_mem>>)
      %dma_wait3A = arith.constant 0 : i32
      %dma_wait3A_66 = tpu.memref_slice %arg10[%add3A_15, %dma_wait3A] : memref<10240x128xf32, #tpu.memory_space<vmem_shared>> -> memref<128x128xf32, #tpu.memory_space<vmem_shared>>
      %dma_wait3A_67 = arith.constant 0 : i32
      %dma_wait3A_68 = tpu.memref_slice %arg10[%add3A_15, %dma_wait3A_67] : memref<10240x128xf32, #tpu.memory_space<vmem_shared>> -> memref<128x128xf32, #tpu.memory_space<vmem_shared>>
      tpu.wait_dma2 semaphore(%run_scoped3A : memref<!tpu.dma_semaphore, #tpu.memory_space<semaphore_mem>>) src(%arg8 : memref<128x128xf32, #tpu.memory_space<vmem>>) dst(%dma_wait3A_68 : memref<128x128xf32, #tpu.memory_space<vmem_shared>>)
      tpu.yield
    }) : () -> ()
    %mul3A_16 = arith.constant 640 : i32
    %mul3A_17 = arith.muli %arg1, %mul3A_16 : i32
    %add3A_18 = arith.constant 256 : i32
    %add3A_19 = arith.addi %mul3A_17, %add3A_18 : i32
    "tpu.region"() ({
      %run_scoped3A = tpu.sem_alloc : memref<!tpu.dma_semaphore, #tpu.memory_space<semaphore_mem>>
      %dma_start3A_62 = arith.constant 0 : i32
      %dma_start3A_63 = tpu.memref_slice %arg10[%add3A_19, %dma_start3A_62] : memref<10240x128xf32, #tpu.memory_space<vmem_shared>> -> memref<128x128xf32, #tpu.memory_space<vmem_shared>>
      %dma_start3A_64 = arith.constant 0 : i32
      %dma_start3A_65 = tpu.memref_slice %arg10[%add3A_19, %dma_start3A_64] : memref<10240x128xf32, #tpu.memory_space<vmem_shared>> -> memref<128x128xf32, #tpu.memory_space<vmem_shared>>
      tpu.enqueue_dma source(%arg8 : memref<128x128xf32, #tpu.memory_space<vmem>>) target(%dma_start3A_65 : memref<128x128xf32, #tpu.memory_space<vmem_shared>>) target_semaphore(%run_scoped3A : memref<!tpu.dma_semaphore, #tpu.memory_space<semaphore_mem>>)
      %dma_wait3A = arith.constant 0 : i32
      %dma_wait3A_66 = tpu.memref_slice %arg10[%add3A_19, %dma_wait3A] : memref<10240x128xf32, #tpu.memory_space<vmem_shared>> -> memref<128x128xf32, #tpu.memory_space<vmem_shared>>
      %dma_wait3A_67 = arith.constant 0 : i32
      %dma_wait3A_68 = tpu.memref_slice %arg10[%add3A_19, %dma_wait3A_67] : memref<10240x128xf32, #tpu.memory_space<vmem_shared>> -> memref<128x128xf32, #tpu.memory_space<vmem_shared>>
      tpu.wait_dma2 semaphore(%run_scoped3A : memref<!tpu.dma_semaphore, #tpu.memory_space<semaphore_mem>>) src(%arg8 : memref<128x128xf32, #tpu.memory_space<vmem>>) dst(%dma_wait3A_68 : memref<128x128xf32, #tpu.memory_space<vmem_shared>>)
      tpu.yield
    }) : () -> ()
    %mul3A_20 = arith.constant 640 : i32
    %mul3A_21 = arith.muli %arg1, %mul3A_20 : i32
    %add3A_22 = arith.constant 384 : i32
    %add3A_23 = arith.addi %mul3A_21, %add3A_22 : i32
    "tpu.region"() ({
      %run_scoped3A = tpu.sem_alloc : memref<!tpu.dma_semaphore, #tpu.memory_space<semaphore_mem>>
      %dma_start3A_62 = arith.constant 0 : i32
      %dma_start3A_63 = tpu.memref_slice %arg10[%add3A_23, %dma_start3A_62] : memref<10240x128xf32, #tpu.memory_space<vmem_shared>> -> memref<128x128xf32, #tpu.memory_space<vmem_shared>>
      %dma_start3A_64 = arith.constant 0 : i32
      %dma_start3A_65 = tpu.memref_slice %arg10[%add3A_23, %dma_start3A_64] : memref<10240x128xf32, #tpu.memory_space<vmem_shared>> -> memref<128x128xf32, #tpu.memory_space<vmem_shared>>
      tpu.enqueue_dma source(%arg8 : memref<128x128xf32, #tpu.memory_space<vmem>>) target(%dma_start3A_65 : memref<128x128xf32, #tpu.memory_space<vmem_shared>>) target_semaphore(%run_scoped3A : memref<!tpu.dma_semaphore, #tpu.memory_space<semaphore_mem>>)
      %dma_wait3A = arith.constant 0 : i32
      %dma_wait3A_66 = tpu.memref_slice %arg10[%add3A_23, %dma_wait3A] : memref<10240x128xf32, #tpu.memory_space<vmem_shared>> -> memref<128x128xf32, #tpu.memory_space<vmem_shared>>
      %dma_wait3A_67 = arith.constant 0 : i32
      %dma_wait3A_68 = tpu.memref_slice %arg10[%add3A_23, %dma_wait3A_67] : memref<10240x128xf32, #tpu.memory_space<vmem_shared>> -> memref<128x128xf32, #tpu.memory_space<vmem_shared>>
      tpu.wait_dma2 semaphore(%run_scoped3A : memref<!tpu.dma_semaphore, #tpu.memory_space<semaphore_mem>>) src(%arg8 : memref<128x128xf32, #tpu.memory_space<vmem>>) dst(%dma_wait3A_68 : memref<128x128xf32, #tpu.memory_space<vmem_shared>>)
      tpu.yield
    }) : () -> ()
    %mul3A_24 = arith.constant 640 : i32
    %mul3A_25 = arith.muli %arg1, %mul3A_24 : i32
    %add3A_26 = arith.constant 512 : i32
    %add3A_27 = arith.addi %mul3A_25, %add3A_26 : i32
    "tpu.region"() ({
      %run_scoped3A = tpu.sem_alloc : memref<!tpu.dma_semaphore, #tpu.memory_space<semaphore_mem>>
      %dma_start3A_62 = arith.constant 0 : i32
      %dma_start3A_63 = tpu.memref_slice %arg10[%add3A_27, %dma_start3A_62] : memref<10240x128xf32, #tpu.memory_space<vmem_shared>> -> memref<128x128xf32, #tpu.memory_space<vmem_shared>>
      %dma_start3A_64 = arith.constant 0 : i32
      %dma_start3A_65 = tpu.memref_slice %arg10[%add3A_27, %dma_start3A_64] : memref<10240x128xf32, #tpu.memory_space<vmem_shared>> -> memref<128x128xf32, #tpu.memory_space<vmem_shared>>
      tpu.enqueue_dma source(%arg8 : memref<128x128xf32, #tpu.memory_space<vmem>>) target(%dma_start3A_65 : memref<128x128xf32, #tpu.memory_space<vmem_shared>>) target_semaphore(%run_scoped3A : memref<!tpu.dma_semaphore, #tpu.memory_space<semaphore_mem>>)
      %dma_wait3A = arith.constant 0 : i32
      %dma_wait3A_66 = tpu.memref_slice %arg10[%add3A_27, %dma_wait3A] : memref<10240x128xf32, #tpu.memory_space<vmem_shared>> -> memref<128x128xf32, #tpu.memory_space<vmem_shared>>
      %dma_wait3A_67 = arith.constant 0 : i32
      %dma_wait3A_68 = tpu.memref_slice %arg10[%add3A_27, %dma_wait3A_67] : memref<10240x128xf32, #tpu.memory_space<vmem_shared>> -> memref<128x128xf32, #tpu.memory_space<vmem_shared>>
      tpu.wait_dma2 semaphore(%run_scoped3A : memref<!tpu.dma_semaphore, #tpu.memory_space<semaphore_mem>>) src(%arg8 : memref<128x128xf32, #tpu.memory_space<vmem>>) dst(%dma_wait3A_68 : memref<128x128xf32, #tpu.memory_space<vmem_shared>>)
      tpu.yield
    }) : () -> ()
    %barrier3A = arith.constant 0 : index
    tpu.barrier barrier_id(%barrier3A)
    %scan3A_28 = arith.constant 0 : i32
    %scan3A_29 = arith.constant 0 : i32
    %mul3A_30 = arith.constant 40 : i32
    %mul3A_31 = arith.muli %scan3A_29, %mul3A_30 : i32
    "tpu.region"() ({
      %run_scoped3A = tpu.sem_alloc : memref<!tpu.dma_semaphore, #tpu.memory_space<semaphore_mem>>
      %dma_start3A_62 = arith.constant 0 : i32
      %dma_start3A_63 = arith.constant 0 : i32
      %dma_start3A_64 = tpu.memref_slice %arg3[%add3A, %dma_start3A_62, %dma_start3A_63] : memref<32x40x128xi32, #tpu.memory_space<hbm>> -> memref<1x40x128xi32, #tpu.memory_space<hbm>>
      %dma_start3A_65 = tpu.memref_squeeze %dma_start3A_64 : memref<1x40x128xi32, #tpu.memory_space<hbm>> -> memref<40x128xi32, #tpu.memory_space<hbm>>
      %dma_start3A_66 = arith.constant 0 : i32
      %dma_start3A_67 = tpu.memref_slice %dma_start3A_65[%mul3A_31, %dma_start3A_66] : memref<40x128xi32, #tpu.memory_space<hbm>> -> memref<40x128xi32, #tpu.memory_space<hbm>>
      %dma_start3A_68 = arith.constant 0 : i32
      %dma_start3A_69 = arith.constant 0 : i32
      %dma_start3A_70 = tpu.memref_slice %arg3[%add3A, %dma_start3A_68, %dma_start3A_69] : memref<32x40x128xi32, #tpu.memory_space<hbm>> -> memref<1x40x128xi32, #tpu.memory_space<hbm>>
      %dma_start3A_71 = tpu.memref_squeeze %dma_start3A_70 : memref<1x40x128xi32, #tpu.memory_space<hbm>> -> memref<40x128xi32, #tpu.memory_space<hbm>>
      %dma_start3A_72 = arith.constant 0 : i32
      %dma_start3A_73 = tpu.memref_slice %dma_start3A_71[%mul3A_31, %dma_start3A_72] : memref<40x128xi32, #tpu.memory_space<hbm>> -> memref<40x128xi32, #tpu.memory_space<hbm>>
      tpu.enqueue_dma source(%dma_start3A_73 : memref<40x128xi32, #tpu.memory_space<hbm>>) target(%arg6 : memref<40x128xi32, #tpu.memory_space<vmem>>) target_semaphore(%run_scoped3A : memref<!tpu.dma_semaphore, #tpu.memory_space<semaphore_mem>>)
      %dma_wait3A = arith.constant 0 : i32
      %dma_wait3A_74 = arith.constant 0 : i32
      %dma_wait3A_75 = tpu.memref_slice %arg3[%add3A, %dma_wait3A, %dma_wait3A_74] : memref<32x40x128xi32, #tpu.memory_space<hbm>> -> memref<1x40x128xi32, #tpu.memory_space<hbm>>
      %dma_wait3A_76 = tpu.memref_squeeze %dma_wait3A_75 : memref<1x40x128xi32, #tpu.memory_space<hbm>> -> memref<40x128xi32, #tpu.memory_space<hbm>>
      %dma_wait3A_77 = arith.constant 0 : i32
      %dma_wait3A_78 = tpu.memref_slice %dma_wait3A_76[%mul3A_31, %dma_wait3A_77] : memref<40x128xi32, #tpu.memory_space<hbm>> -> memref<40x128xi32, #tpu.memory_space<hbm>>
      %dma_wait3A_79 = arith.constant 0 : i32
      %dma_wait3A_80 = arith.constant 0 : i32
      %dma_wait3A_81 = tpu.memref_slice %arg3[%add3A, %dma_wait3A_79, %dma_wait3A_80] : memref<32x40x128xi32, #tpu.memory_space<hbm>> -> memref<1x40x128xi32, #tpu.memory_space<hbm>>
      %dma_wait3A_82 = tpu.memref_squeeze %dma_wait3A_81 : memref<1x40x128xi32, #tpu.memory_space<hbm>> -> memref<40x128xi32, #tpu.memory_space<hbm>>
      %dma_wait3A_83 = arith.constant 0 : i32
      %dma_wait3A_84 = tpu.memref_slice %dma_wait3A_82[%mul3A_31, %dma_wait3A_83] : memref<40x128xi32, #tpu.memory_space<hbm>> -> memref<40x128xi32, #tpu.memory_space<hbm>>
      tpu.wait_dma2 semaphore(%run_scoped3A : memref<!tpu.dma_semaphore, #tpu.memory_space<semaphore_mem>>) src(%dma_wait3A_84 : memref<40x128xi32, #tpu.memory_space<hbm>>) dst(%arg6 : memref<40x128xi32, #tpu.memory_space<vmem>>)
      tpu.yield
    }) : () -> ()
    %mul3A_32 = arith.constant 40 : i32
    %mul3A_33 = arith.muli %scan3A_29, %mul3A_32 : i32
    "tpu.region"() ({
      %run_scoped3A = tpu.sem_alloc : memref<!tpu.dma_semaphore, #tpu.memory_space<semaphore_mem>>
      %dma_start3A_62 = arith.constant 0 : i32
      %dma_start3A_63 = arith.constant 0 : i32
      %dma_start3A_64 = tpu.memref_slice %arg4[%add3A, %dma_start3A_62, %dma_start3A_63] : memref<32x40x128xi32, #tpu.memory_space<hbm>> -> memref<1x40x128xi32, #tpu.memory_space<hbm>>
      %dma_start3A_65 = tpu.memref_squeeze %dma_start3A_64 : memref<1x40x128xi32, #tpu.memory_space<hbm>> -> memref<40x128xi32, #tpu.memory_space<hbm>>
      %dma_start3A_66 = arith.constant 0 : i32
      %dma_start3A_67 = tpu.memref_slice %dma_start3A_65[%mul3A_33, %dma_start3A_66] : memref<40x128xi32, #tpu.memory_space<hbm>> -> memref<40x128xi32, #tpu.memory_space<hbm>>
      %dma_start3A_68 = arith.constant 0 : i32
      %dma_start3A_69 = arith.constant 0 : i32
      %dma_start3A_70 = tpu.memref_slice %arg4[%add3A, %dma_start3A_68, %dma_start3A_69] : memref<32x40x128xi32, #tpu.memory_space<hbm>> -> memref<1x40x128xi32, #tpu.memory_space<hbm>>
      %dma_start3A_71 = tpu.memref_squeeze %dma_start3A_70 : memref<1x40x128xi32, #tpu.memory_space<hbm>> -> memref<40x128xi32, #tpu.memory_space<hbm>>
      %dma_start3A_72 = arith.constant 0 : i32
      %dma_start3A_73 = tpu.memref_slice %dma_start3A_71[%mul3A_33, %dma_start3A_72] : memref<40x128xi32, #tpu.memory_space<hbm>> -> memref<40x128xi32, #tpu.memory_space<hbm>>
      tpu.enqueue_dma source(%dma_start3A_73 : memref<40x128xi32, #tpu.memory_space<hbm>>) target(%arg7 : memref<40x128xi32, #tpu.memory_space<vmem>>) target_semaphore(%run_scoped3A : memref<!tpu.dma_semaphore, #tpu.memory_space<semaphore_mem>>)
      %dma_wait3A = arith.constant 0 : i32
      %dma_wait3A_74 = arith.constant 0 : i32
      %dma_wait3A_75 = tpu.memref_slice %arg4[%add3A, %dma_wait3A, %dma_wait3A_74] : memref<32x40x128xi32, #tpu.memory_space<hbm>> -> memref<1x40x128xi32, #tpu.memory_space<hbm>>
      %dma_wait3A_76 = tpu.memref_squeeze %dma_wait3A_75 : memref<1x40x128xi32, #tpu.memory_space<hbm>> -> memref<40x128xi32, #tpu.memory_space<hbm>>
      %dma_wait3A_77 = arith.constant 0 : i32
      %dma_wait3A_78 = tpu.memref_slice %dma_wait3A_76[%mul3A_33, %dma_wait3A_77] : memref<40x128xi32, #tpu.memory_space<hbm>> -> memref<40x128xi32, #tpu.memory_space<hbm>>
      %dma_wait3A_79 = arith.constant 0 : i32
      %dma_wait3A_80 = arith.constant 0 : i32
      %dma_wait3A_81 = tpu.memref_slice %arg4[%add3A, %dma_wait3A_79, %dma_wait3A_80] : memref<32x40x128xi32, #tpu.memory_space<hbm>> -> memref<1x40x128xi32, #tpu.memory_space<hbm>>
      %dma_wait3A_82 = tpu.memref_squeeze %dma_wait3A_81 : memref<1x40x128xi32, #tpu.memory_space<hbm>> -> memref<40x128xi32, #tpu.memory_space<hbm>>
      %dma_wait3A_83 = arith.constant 0 : i32
      %dma_wait3A_84 = tpu.memref_slice %dma_wait3A_82[%mul3A_33, %dma_wait3A_83] : memref<40x128xi32, #tpu.memory_space<hbm>> -> memref<40x128xi32, #tpu.memory_space<hbm>>
      tpu.wait_dma2 semaphore(%run_scoped3A : memref<!tpu.dma_semaphore, #tpu.memory_space<semaphore_mem>>) src(%dma_wait3A_84 : memref<40x128xi32, #tpu.memory_space<hbm>>) dst(%arg7 : memref<40x128xi32, #tpu.memory_space<vmem>>)
      tpu.yield
    }) : () -> ()
    %dma_start3A = arith.constant 0 : i32
    %dma_start3A_34 = arith.constant 0 : i32
    %dma_start3A_35 = tpu.memref_slice %arg6[%dma_start3A, %dma_start3A_34] : memref<40x128xi32, #tpu.memory_space<vmem>> -> memref<1x128xi32, #tpu.memory_space<vmem>>
    %dma_start3A_36 = tpu.memref_squeeze %dma_start3A_35 : memref<1x128xi32, #tpu.memory_space<vmem>> -> memref<128xi32, #tpu.memory_space<vmem>>
    %dma_start3A_37 = arith.constant 0 : i32
    %dma_start3A_38 = arith.constant 0 : i32
    %dma_start3A_39 = tpu.memref_slice %arg2[%dma_start3A_37, %dma_start3A_38] : memref<20000x128xf32, #tpu.memory_space<hbm>> -> memref<20000x128xf32, #tpu.memory_space<hbm>>
    tpu.enqueue_indirect_dma source(%dma_start3A_39 : memref<20000x128xf32, #tpu.memory_space<hbm>>) target(%arg8 : memref<128x128xf32, #tpu.memory_space<vmem>>) offsets(%dma_start3A_36 : memref<128xi32, #tpu.memory_space<vmem>>) semaphore(%arg11 : memref<!tpu.dma_semaphore, #tpu.memory_space<semaphore_mem>>)
    %dma_start3A_40 = arith.constant 1 : i32
    %dma_start3A_41 = arith.constant 0 : i32
    %dma_start3A_42 = tpu.memref_slice %arg6[%dma_start3A_40, %dma_start3A_41] : memref<40x128xi32, #tpu.memory_space<vmem>> -> memref<1x128xi32, #tpu.memory_space<vmem>>
    %dma_start3A_43 = tpu.memref_squeeze %dma_start3A_42 : memref<1x128xi32, #tpu.memory_space<vmem>> -> memref<128xi32, #tpu.memory_space<vmem>>
    %dma_start3A_44 = arith.constant 0 : i32
    %dma_start3A_45 = arith.constant 0 : i32
    %dma_start3A_46 = tpu.memref_slice %arg2[%dma_start3A_44, %dma_start3A_45] : memref<20000x128xf32, #tpu.memory_space<hbm>> -> memref<20000x128xf32, #tpu.memory_space<hbm>>
    tpu.enqueue_indirect_dma source(%dma_start3A_46 : memref<20000x128xf32, #tpu.memory_space<hbm>>) target(%arg9 : memref<128x128xf32, #tpu.memory_space<vmem>>) offsets(%dma_start3A_43 : memref<128xi32, #tpu.memory_space<vmem>>) semaphore(%arg12 : memref<!tpu.dma_semaphore, #tpu.memory_space<semaphore_mem>>)
    %scan3A_47 = arith.constant 0 : i32
    %scan3A_48 = arith.constant 0 : i32
    %scan3A_49 = arith.constant 20 : i32
    %scan3A_50 = arith.addi %scan3A_48, %scan3A_49 : i32
    %scan3A_51 = arith.constant 1 : i32
    scf.for %scan3A_62 = %scan3A_48 to %scan3A_50 step %scan3A_51  : i32 {
      %mul3A_63 = arith.constant 2 : i32
      %mul3A_64 = arith.muli %mul3A_63, %scan3A_62 : i32
      %dma_wait3A = arith.constant 0 : i32
      %dma_wait3A_65 = tpu.memref_slice %arg6[%mul3A_64, %dma_wait3A] : memref<40x128xi32, #tpu.memory_space<vmem>> -> memref<1x128xi32, #tpu.memory_space<vmem>>
      %dma_wait3A_66 = tpu.memref_squeeze %dma_wait3A_65 : memref<1x128xi32, #tpu.memory_space<vmem>> -> memref<128xi32, #tpu.memory_space<vmem>>
      %dma_wait3A_67 = arith.constant 0 : i32
      %dma_wait3A_68 = arith.constant 0 : i32
      %dma_wait3A_69 = tpu.memref_slice %arg2[%dma_wait3A_67, %dma_wait3A_68] : memref<20000x128xf32, #tpu.memory_space<hbm>> -> memref<20000x128xf32, #tpu.memory_space<hbm>>
      tpu.wait_indirect_dma semaphore(%arg11 : memref<!tpu.dma_semaphore, #tpu.memory_space<semaphore_mem>>) src(%dma_wait3A_69 : memref<20000x128xf32, #tpu.memory_space<hbm>>) dst(%arg8 : memref<128x128xf32, #tpu.memory_space<vmem>>)
      "tpu.region"() ({
        %run_scoped3A = tpu.sem_alloc : memref<!tpu.dma_semaphore, #tpu.memory_space<semaphore_mem>>
        %dma_start3A_91 = arith.constant 0 : i32
        %dma_start3A_92 = tpu.memref_slice %arg7[%mul3A_64, %dma_start3A_91] : memref<40x128xi32, #tpu.memory_space<vmem>> -> memref<1x128xi32, #tpu.memory_space<vmem>>
        %dma_start3A_93 = tpu.memref_squeeze %dma_start3A_92 : memref<1x128xi32, #tpu.memory_space<vmem>> -> memref<128xi32, #tpu.memory_space<vmem>>
        %dma_start3A_94 = arith.constant 0 : i32
        %dma_start3A_95 = arith.constant 0 : i32
        %dma_start3A_96 = tpu.memref_slice %arg10[%dma_start3A_94, %dma_start3A_95] : memref<10240x128xf32, #tpu.memory_space<vmem_shared>> -> memref<10240x128xf32, #tpu.memory_space<vmem_shared>>
        tpu.enqueue_indirect_dma source(%arg8 : memref<128x128xf32, #tpu.memory_space<vmem>>) target(%dma_start3A_96 : memref<10240x128xf32, #tpu.memory_space<vmem_shared>>) offsets(%dma_start3A_93 : memref<128xi32, #tpu.memory_space<vmem>>) semaphore(%run_scoped3A : memref<!tpu.dma_semaphore, #tpu.memory_space<semaphore_mem>>) {add = true}
        %dma_wait3A_97 = arith.constant 0 : i32
        %dma_wait3A_98 = tpu.memref_slice %arg7[%mul3A_64, %dma_wait3A_97] : memref<40x128xi32, #tpu.memory_space<vmem>> -> memref<1x128xi32, #tpu.memory_space<vmem>>
        %dma_wait3A_99 = tpu.memref_squeeze %dma_wait3A_98 : memref<1x128xi32, #tpu.memory_space<vmem>> -> memref<128xi32, #tpu.memory_space<vmem>>
        %dma_wait3A_100 = arith.constant 0 : i32
        %dma_wait3A_101 = arith.constant 0 : i32
        %dma_wait3A_102 = tpu.memref_slice %arg10[%dma_wait3A_100, %dma_wait3A_101] : memref<10240x128xf32, #tpu.memory_space<vmem_shared>> -> memref<10240x128xf32, #tpu.memory_space<vmem_shared>>
        tpu.wait_indirect_dma semaphore(%run_scoped3A : memref<!tpu.dma_semaphore, #tpu.memory_space<semaphore_mem>>) src(%arg8 : memref<128x128xf32, #tpu.memory_space<vmem>>) dst(%dma_wait3A_102 : memref<10240x128xf32, #tpu.memory_space<vmem_shared>>)
        tpu.yield
      }) : () -> ()
      %add3A_70 = arith.constant 2 : i32
      %add3A_71 = arith.addi %mul3A_64, %add3A_70 : i32
      %lt3A = arith.constant 40 : i32
      %lt3A_72 = arith.cmpi slt, %add3A_71, %lt3A : i32
      %convert_element_type3A = arith.extui %lt3A_72 : i1 to i32
      %cond3A = arith.constant 0 : i32
      %cond3A_73 = arith.cmpi ne, %convert_element_type3A, %cond3A : i32
      scf.if %cond3A_73 {
        %add3A_91 = arith.constant 2 : i32
        %add3A_92 = arith.addi %mul3A_64, %add3A_91 : i32
        %dma_start3A_93 = arith.constant 0 : i32
        %dma_start3A_94 = tpu.memref_slice %arg6[%add3A_92, %dma_start3A_93] : memref<40x128xi32, #tpu.memory_space<vmem>> -> memref<1x128xi32, #tpu.memory_space<vmem>>
        %dma_start3A_95 = tpu.memref_squeeze %dma_start3A_94 : memref<1x128xi32, #tpu.memory_space<vmem>> -> memref<128xi32, #tpu.memory_space<vmem>>
        %dma_start3A_96 = arith.constant 0 : i32
        %dma_start3A_97 = arith.constant 0 : i32
        %dma_start3A_98 = tpu.memref_slice %arg2[%dma_start3A_96, %dma_start3A_97] : memref<20000x128xf32, #tpu.memory_space<hbm>> -> memref<20000x128xf32, #tpu.memory_space<hbm>>
        tpu.enqueue_indirect_dma source(%dma_start3A_98 : memref<20000x128xf32, #tpu.memory_space<hbm>>) target(%arg8 : memref<128x128xf32, #tpu.memory_space<vmem>>) offsets(%dma_start3A_95 : memref<128xi32, #tpu.memory_space<vmem>>) semaphore(%arg11 : memref<!tpu.dma_semaphore, #tpu.memory_space<semaphore_mem>>)
      } else {
      }
      %add3A_74 = arith.constant 1 : i32
      %add3A_75 = arith.addi %mul3A_64, %add3A_74 : i32
      %dma_wait3A_76 = arith.constant 0 : i32
      %dma_wait3A_77 = tpu.memref_slice %arg6[%add3A_75, %dma_wait3A_76] : memref<40x128xi32, #tpu.memory_space<vmem>> -> memref<1x128xi32, #tpu.memory_space<vmem>>
      %dma_wait3A_78 = tpu.memref_squeeze %dma_wait3A_77 : memref<1x128xi32, #tpu.memory_space<vmem>> -> memref<128xi32, #tpu.memory_space<vmem>>
      %dma_wait3A_79 = arith.constant 0 : i32
      %dma_wait3A_80 = arith.constant 0 : i32
      %dma_wait3A_81 = tpu.memref_slice %arg2[%dma_wait3A_79, %dma_wait3A_80] : memref<20000x128xf32, #tpu.memory_space<hbm>> -> memref<20000x128xf32, #tpu.memory_space<hbm>>
      tpu.wait_indirect_dma semaphore(%arg12 : memref<!tpu.dma_semaphore, #tpu.memory_space<semaphore_mem>>) src(%dma_wait3A_81 : memref<20000x128xf32, #tpu.memory_space<hbm>>) dst(%arg9 : memref<128x128xf32, #tpu.memory_space<vmem>>)
      %add3A_82 = arith.constant 1 : i32
      %add3A_83 = arith.addi %mul3A_64, %add3A_82 : i32
      "tpu.region"() ({
        %run_scoped3A = tpu.sem_alloc : memref<!tpu.dma_semaphore, #tpu.memory_space<semaphore_mem>>
        %dma_start3A_91 = arith.constant 0 : i32
        %dma_start3A_92 = tpu.memref_slice %arg7[%add3A_83, %dma_start3A_91] : memref<40x128xi32, #tpu.memory_space<vmem>> -> memref<1x128xi32, #tpu.memory_space<vmem>>
        %dma_start3A_93 = tpu.memref_squeeze %dma_start3A_92 : memref<1x128xi32, #tpu.memory_space<vmem>> -> memref<128xi32, #tpu.memory_space<vmem>>
        %dma_start3A_94 = arith.constant 0 : i32
        %dma_start3A_95 = arith.constant 0 : i32
        %dma_start3A_96 = tpu.memref_slice %arg10[%dma_start3A_94, %dma_start3A_95] : memref<10240x128xf32, #tpu.memory_space<vmem_shared>> -> memref<10240x128xf32, #tpu.memory_space<vmem_shared>>
        tpu.enqueue_indirect_dma source(%arg9 : memref<128x128xf32, #tpu.memory_space<vmem>>) target(%dma_start3A_96 : memref<10240x128xf32, #tpu.memory_space<vmem_shared>>) offsets(%dma_start3A_93 : memref<128xi32, #tpu.memory_space<vmem>>) semaphore(%run_scoped3A : memref<!tpu.dma_semaphore, #tpu.memory_space<semaphore_mem>>) {add = true}
        %dma_wait3A_97 = arith.constant 0 : i32
        %dma_wait3A_98 = tpu.memref_slice %arg7[%add3A_83, %dma_wait3A_97] : memref<40x128xi32, #tpu.memory_space<vmem>> -> memref<1x128xi32, #tpu.memory_space<vmem>>
        %dma_wait3A_99 = tpu.memref_squeeze %dma_wait3A_98 : memref<1x128xi32, #tpu.memory_space<vmem>> -> memref<128xi32, #tpu.memory_space<vmem>>
        %dma_wait3A_100 = arith.constant 0 : i32
        %dma_wait3A_101 = arith.constant 0 : i32
        %dma_wait3A_102 = tpu.memref_slice %arg10[%dma_wait3A_100, %dma_wait3A_101] : memref<10240x128xf32, #tpu.memory_space<vmem_shared>> -> memref<10240x128xf32, #tpu.memory_space<vmem_shared>>
        tpu.wait_indirect_dma semaphore(%run_scoped3A : memref<!tpu.dma_semaphore, #tpu.memory_space<semaphore_mem>>) src(%arg9 : memref<128x128xf32, #tpu.memory_space<vmem>>) dst(%dma_wait3A_102 : memref<10240x128xf32, #tpu.memory_space<vmem_shared>>)
        tpu.yield
      }) : () -> ()
      %add3A_84 = arith.constant 3 : i32
      %add3A_85 = arith.addi %mul3A_64, %add3A_84 : i32
      %lt3A_86 = arith.constant 40 : i32
      %lt3A_87 = arith.cmpi slt, %add3A_85, %lt3A_86 : i32
      %convert_element_type3A_88 = arith.extui %lt3A_87 : i1 to i32
      %cond3A_89 = arith.constant 0 : i32
      %cond3A_90 = arith.cmpi ne, %convert_element_type3A_88, %cond3A_89 : i32
      scf.if %cond3A_90 {
        %add3A_91 = arith.constant 3 : i32
        %add3A_92 = arith.addi %mul3A_64, %add3A_91 : i32
        %dma_start3A_93 = arith.constant 0 : i32
        %dma_start3A_94 = tpu.memref_slice %arg6[%add3A_92, %dma_start3A_93] : memref<40x128xi32, #tpu.memory_space<vmem>> -> memref<1x128xi32, #tpu.memory_space<vmem>>
        %dma_start3A_95 = tpu.memref_squeeze %dma_start3A_94 : memref<1x128xi32, #tpu.memory_space<vmem>> -> memref<128xi32, #tpu.memory_space<vmem>>
        %dma_start3A_96 = arith.constant 0 : i32
        %dma_start3A_97 = arith.constant 0 : i32
        %dma_start3A_98 = tpu.memref_slice %arg2[%dma_start3A_96, %dma_start3A_97] : memref<20000x128xf32, #tpu.memory_space<hbm>> -> memref<20000x128xf32, #tpu.memory_space<hbm>>
        tpu.enqueue_indirect_dma source(%dma_start3A_98 : memref<20000x128xf32, #tpu.memory_space<hbm>>) target(%arg9 : memref<128x128xf32, #tpu.memory_space<vmem>>) offsets(%dma_start3A_95 : memref<128xi32, #tpu.memory_space<vmem>>) semaphore(%arg12 : memref<!tpu.dma_semaphore, #tpu.memory_space<semaphore_mem>>)
      } else {
      }
    }
    %scan3A_52 = arith.constant 20 : i32
    %scan3A_53 = arith.constant 1 : i32
    %barrier3A_54 = arith.constant 0 : index
    tpu.barrier barrier_id(%barrier3A_54)
    %mul3A_55 = arith.constant 640 : i32
    %mul3A_56 = arith.muli %arg1, %mul3A_55 : i32
    %mul3A_57 = arith.constant 10240 : i32
    %mul3A_58 = arith.muli %arg0, %mul3A_57 : i32
    %mul3A_59 = arith.constant 640 : i32
    %mul3A_60 = arith.muli %arg1, %mul3A_59 : i32
    %add3A_61 = arith.addi %mul3A_58, %mul3A_60 : i32
    "tpu.region"() ({
      %run_scoped3A = tpu.sem_alloc : memref<!tpu.dma_semaphore, #tpu.memory_space<semaphore_mem>>
      %dma_start3A_62 = arith.constant 0 : i32
      %dma_start3A_63 = tpu.memref_slice %arg5[%add3A_61, %dma_start3A_62] : memref<20480x128xf32, #tpu.memory_space<hbm>> -> memref<640x128xf32, #tpu.memory_space<hbm>>
      %dma_start3A_64 = arith.constant 0 : i32
      %dma_start3A_65 = tpu.memref_slice %arg10[%mul3A_56, %dma_start3A_64] : memref<10240x128xf32, #tpu.memory_space<vmem_shared>> -> memref<640x128xf32, #tpu.memory_space<vmem_shared>>
      tpu.enqueue_dma source(%dma_start3A_65 : memref<640x128xf32, #tpu.memory_space<vmem_shared>>) target(%dma_start3A_63 : memref<640x128xf32, #tpu.memory_space<hbm>>) target_semaphore(%run_scoped3A : memref<!tpu.dma_semaphore, #tpu.memory_space<semaphore_mem>>)
      %dma_wait3A = arith.constant 0 : i32
      %dma_wait3A_66 = tpu.memref_slice %arg5[%add3A_61, %dma_wait3A] : memref<20480x128xf32, #tpu.memory_space<hbm>> -> memref<640x128xf32, #tpu.memory_space<hbm>>
      %dma_wait3A_67 = arith.constant 0 : i32
      %dma_wait3A_68 = tpu.memref_slice %arg10[%mul3A_56, %dma_wait3A_67] : memref<10240x128xf32, #tpu.memory_space<vmem_shared>> -> memref<640x128xf32, #tpu.memory_space<vmem_shared>>
      tpu.wait_dma2 semaphore(%run_scoped3A : memref<!tpu.dma_semaphore, #tpu.memory_space<semaphore_mem>>) src(%dma_wait3A_68 : memref<640x128xf32, #tpu.memory_space<vmem_shared>>) dst(%dma_wait3A_66 : memref<640x128xf32, #tpu.memory_space<hbm>>)
      tpu.yield
    }) : () -> ()
    return
  }
}

#map = affine_map<(d0, d1) -> (0, 0)>
#map1 = affine_map<(d0, d1) -> (0, 0, 0)>
module attributes {stable_mosaic.version = 14 : i64} {
  func.func @body(%arg0: i32, %arg1: i32, %arg2: memref<20000x128xf32, #tpu.memory_space<hbm>>, %arg3: memref<32x80x128xi32, #tpu.memory_space<hbm>>, %arg4: memref<16x80x128xi32, #tpu.memory_space<hbm>>, %arg5: memref<20480x128xf32, #tpu.memory_space<hbm>>, %arg6: memref<40x128xi32, #tpu.memory_space<vmem>>, %arg7: memref<40x128xi32, #tpu.memory_space<vmem>>, %arg8: memref<128x128xf32, #tpu.memory_space<vmem>>, %arg9: memref<128x128xf32, #tpu.memory_space<vmem>>, %arg10: memref<10240x128xf32, #tpu.memory_space<vmem_shared>>, %arg11: memref<!tpu.dma_semaphore, #tpu.memory_space<semaphore_mem>>, %arg12: memref<!tpu.dma_semaphore, #tpu.memory_space<semaphore_mem>>, %arg13: memref<!tpu.dma_semaphore, #tpu.memory_space<semaphore_mem>>, %arg14: memref<!tpu.dma_semaphore, #tpu.memory_space<semaphore_mem>>) attributes {dimension_semantics = [#tpu.dimension_semantics<core_parallel>, #tpu.dimension_semantics<subcore_parallel>], iteration_bounds = array<i64: 2, 16>, scalar_prefetch = 0 : i64, scratch_operands = 9 : i64, tpu.core_type = #tpu.core_type<sc_vector_subcore>, window_params = [{transform_indices = #map}, {transform_indices = #map1}, {transform_indices = #map1}, {transform_indices = #map}]} {
    %mul3A = arith.constant 16 : i32
    %mul3A_0 = arith.muli %arg0, %mul3A : i32
    %add3A = arith.addi %mul3A_0, %arg1 : i32
    %broadcast_in_dim3A = arith.constant 0.000000e+00 : f32
    %broadcast_in_dim3A_1 = vector.broadcast %broadcast_in_dim3A : f32 to vector<16xf32>
    %scan3A = arith.constant 0 : i32
    %scan3A_2 = arith.constant 0 : i32
    %scan3A_3 = arith.constant 128 : i32
    %scan3A_4 = arith.addi %scan3A_2, %scan3A_3 : i32
    %scan3A_5 = arith.constant 1 : i32
    %scan3A_6 = scf.for %scan3A_42 = %scan3A_2 to %scan3A_4 step %scan3A_5 iter_args(%scan3A_43 = %scan3A) -> (i32)  : i32 {
      %swap3A = arith.index_cast %scan3A_42 : i32 to index
      %swap3A_44 = arith.constant 0 : index
      %swap3A_45 = tpu.vector_load %arg8[%swap3A, %swap3A_44] {strides = array<i32>} : memref<128x128xf32, #tpu.memory_space<vmem>>, vector<1x16xf32>,
      %swap3A_46 = vector.shape_cast %swap3A_45 : vector<1x16xf32> to vector<16xf32>
      %swap3A_47 = vector.shape_cast %broadcast_in_dim3A_1 : vector<16xf32> to vector<1x16xf32>
      tpu.vector_store %arg8[%swap3A, %swap3A_44], %swap3A_47 {strides = array<i32>} : memref<128x128xf32, #tpu.memory_space<vmem>>, vector<1x16xf32>,
      %swap3A_48 = arith.index_cast %scan3A_42 : i32 to index
      %swap3A_49 = arith.constant 16 : index
      %swap3A_50 = tpu.vector_load %arg8[%swap3A_48, %swap3A_49] {strides = array<i32>} : memref<128x128xf32, #tpu.memory_space<vmem>>, vector<1x16xf32>,
      %swap3A_51 = vector.shape_cast %swap3A_50 : vector<1x16xf32> to vector<16xf32>
      %swap3A_52 = vector.shape_cast %broadcast_in_dim3A_1 : vector<16xf32> to vector<1x16xf32>
      tpu.vector_store %arg8[%swap3A_48, %swap3A_49], %swap3A_52 {strides = array<i32>} : memref<128x128xf32, #tpu.memory_space<vmem>>, vector<1x16xf32>,
      %swap3A_53 = arith.index_cast %scan3A_42 : i32 to index
      %swap3A_54 = arith.constant 32 : index
      %swap3A_55 = tpu.vector_load %arg8[%swap3A_53, %swap3A_54] {strides = array<i32>} : memref<128x128xf32, #tpu.memory_space<vmem>>, vector<1x16xf32>,
      %swap3A_56 = vector.shape_cast %swap3A_55 : vector<1x16xf32> to vector<16xf32>
      %swap3A_57 = vector.shape_cast %broadcast_in_dim3A_1 : vector<16xf32> to vector<1x16xf32>
      tpu.vector_store %arg8[%swap3A_53, %swap3A_54], %swap3A_57 {strides = array<i32>} : memref<128x128xf32, #tpu.memory_space<vmem>>, vector<1x16xf32>,
      %swap3A_58 = arith.index_cast %scan3A_42 : i32 to index
      %swap3A_59 = arith.constant 48 : index
      %swap3A_60 = tpu.vector_load %arg8[%swap3A_58, %swap3A_59] {strides = array<i32>} : memref<128x128xf32, #tpu.memory_space<vmem>>, vector<1x16xf32>,
      %swap3A_61 = vector.shape_cast %swap3A_60 : vector<1x16xf32> to vector<16xf32>
      %swap3A_62 = vector.shape_cast %broadcast_in_dim3A_1 : vector<16xf32> to vector<1x16xf32>
      tpu.vector_store %arg8[%swap3A_58, %swap3A_59], %swap3A_62 {strides = array<i32>} : memref<128x128xf32, #tpu.memory_space<vmem>>, vector<1x16xf32>,
      %swap3A_63 = arith.index_cast %scan3A_42 : i32 to index
      %swap3A_64 = arith.constant 64 : index
      %swap3A_65 = tpu.vector_load %arg8[%swap3A_63, %swap3A_64] {strides = array<i32>} : memref<128x128xf32, #tpu.memory_space<vmem>>, vector<1x16xf32>,
      %swap3A_66 = vector.shape_cast %swap3A_65 : vector<1x16xf32> to vector<16xf32>
      %swap3A_67 = vector.shape_cast %broadcast_in_dim3A_1 : vector<16xf32> to vector<1x16xf32>
      tpu.vector_store %arg8[%swap3A_63, %swap3A_64], %swap3A_67 {strides = array<i32>} : memref<128x128xf32, #tpu.memory_space<vmem>>, vector<1x16xf32>,
      %swap3A_68 = arith.index_cast %scan3A_42 : i32 to index
      %swap3A_69 = arith.constant 80 : index
      %swap3A_70 = tpu.vector_load %arg8[%swap3A_68, %swap3A_69] {strides = array<i32>} : memref<128x128xf32, #tpu.memory_space<vmem>>, vector<1x16xf32>,
      %swap3A_71 = vector.shape_cast %swap3A_70 : vector<1x16xf32> to vector<16xf32>
      %swap3A_72 = vector.shape_cast %broadcast_in_dim3A_1 : vector<16xf32> to vector<1x16xf32>
      tpu.vector_store %arg8[%swap3A_68, %swap3A_69], %swap3A_72 {strides = array<i32>} : memref<128x128xf32, #tpu.memory_space<vmem>>, vector<1x16xf32>,
      %swap3A_73 = arith.index_cast %scan3A_42 : i32 to index
      %swap3A_74 = arith.constant 96 : index
      %swap3A_75 = tpu.vector_load %arg8[%swap3A_73, %swap3A_74] {strides = array<i32>} : memref<128x128xf32, #tpu.memory_space<vmem>>, vector<1x16xf32>,
      %swap3A_76 = vector.shape_cast %swap3A_75 : vector<1x16xf32> to vector<16xf32>
      %swap3A_77 = vector.shape_cast %broadcast_in_dim3A_1 : vector<16xf32> to vector<1x16xf32>
      tpu.vector_store %arg8[%swap3A_73, %swap3A_74], %swap3A_77 {strides = array<i32>} : memref<128x128xf32, #tpu.memory_space<vmem>>, vector<1x16xf32>,
      %swap3A_78 = arith.index_cast %scan3A_42 : i32 to index
      %swap3A_79 = arith.constant 112 : index
      %swap3A_80 = tpu.vector_load %arg8[%swap3A_78, %swap3A_79] {strides = array<i32>} : memref<128x128xf32, #tpu.memory_space<vmem>>, vector<1x16xf32>,
      %swap3A_81 = vector.shape_cast %swap3A_80 : vector<1x16xf32> to vector<16xf32>
      %swap3A_82 = vector.shape_cast %broadcast_in_dim3A_1 : vector<16xf32> to vector<1x16xf32>
      tpu.vector_store %arg8[%swap3A_78, %swap3A_79], %swap3A_82 {strides = array<i32>} : memref<128x128xf32, #tpu.memory_space<vmem>>, vector<1x16xf32>,
      %scan3A_83 = arith.constant 0 : i32
      scf.yield %scan3A_83 : i32
    }
    %scan3A_7 = arith.constant 128 : i32
    %mul3A_8 = arith.constant 640 : i32
    %mul3A_9 = arith.muli %arg1, %mul3A_8 : i32
    %add3A_10 = arith.constant 0 : i32
    %add3A_11 = arith.addi %mul3A_9, %add3A_10 : i32
    "tpu.region"() ({
      %run_scoped3A = tpu.sem_alloc : memref<!tpu.dma_semaphore, #tpu.memory_space<semaphore_mem>>
      %dma_start3A = arith.constant 0 : i32
      %dma_start3A_42 = tpu.memref_slice %arg10[%add3A_11, %dma_start3A] : memref<10240x128xf32, #tpu.memory_space<vmem_shared>> -> memref<128x128xf32, #tpu.memory_space<vmem_shared>>
      %dma_start3A_43 = arith.constant 0 : i32
      %dma_start3A_44 = tpu.memref_slice %arg10[%add3A_11, %dma_start3A_43] : memref<10240x128xf32, #tpu.memory_space<vmem_shared>> -> memref<128x128xf32, #tpu.memory_space<vmem_shared>>
      tpu.enqueue_dma source(%arg8 : memref<128x128xf32, #tpu.memory_space<vmem>>) target(%dma_start3A_44 : memref<128x128xf32, #tpu.memory_space<vmem_shared>>) target_semaphore(%run_scoped3A : memref<!tpu.dma_semaphore, #tpu.memory_space<semaphore_mem>>)
      %dma_wait3A = arith.constant 0 : i32
      %dma_wait3A_45 = tpu.memref_slice %arg10[%add3A_11, %dma_wait3A] : memref<10240x128xf32, #tpu.memory_space<vmem_shared>> -> memref<128x128xf32, #tpu.memory_space<vmem_shared>>
      %dma_wait3A_46 = arith.constant 0 : i32
      %dma_wait3A_47 = tpu.memref_slice %arg10[%add3A_11, %dma_wait3A_46] : memref<10240x128xf32, #tpu.memory_space<vmem_shared>> -> memref<128x128xf32, #tpu.memory_space<vmem_shared>>
      tpu.wait_dma2 semaphore(%run_scoped3A : memref<!tpu.dma_semaphore, #tpu.memory_space<semaphore_mem>>) src(%arg8 : memref<128x128xf32, #tpu.memory_space<vmem>>) dst(%dma_wait3A_47 : memref<128x128xf32, #tpu.memory_space<vmem_shared>>)
      tpu.yield
    }) : () -> ()
    %mul3A_12 = arith.constant 640 : i32
    %mul3A_13 = arith.muli %arg1, %mul3A_12 : i32
    %add3A_14 = arith.constant 128 : i32
    %add3A_15 = arith.addi %mul3A_13, %add3A_14 : i32
    "tpu.region"() ({
      %run_scoped3A = tpu.sem_alloc : memref<!tpu.dma_semaphore, #tpu.memory_space<semaphore_mem>>
      %dma_start3A = arith.constant 0 : i32
      %dma_start3A_42 = tpu.memref_slice %arg10[%add3A_15, %dma_start3A] : memref<10240x128xf32, #tpu.memory_space<vmem_shared>> -> memref<128x128xf32, #tpu.memory_space<vmem_shared>>
      %dma_start3A_43 = arith.constant 0 : i32
      %dma_start3A_44 = tpu.memref_slice %arg10[%add3A_15, %dma_start3A_43] : memref<10240x128xf32, #tpu.memory_space<vmem_shared>> -> memref<128x128xf32, #tpu.memory_space<vmem_shared>>
      tpu.enqueue_dma source(%arg8 : memref<128x128xf32, #tpu.memory_space<vmem>>) target(%dma_start3A_44 : memref<128x128xf32, #tpu.memory_space<vmem_shared>>) target_semaphore(%run_scoped3A : memref<!tpu.dma_semaphore, #tpu.memory_space<semaphore_mem>>)
      %dma_wait3A = arith.constant 0 : i32
      %dma_wait3A_45 = tpu.memref_slice %arg10[%add3A_15, %dma_wait3A] : memref<10240x128xf32, #tpu.memory_space<vmem_shared>> -> memref<128x128xf32, #tpu.memory_space<vmem_shared>>
      %dma_wait3A_46 = arith.constant 0 : i32
      %dma_wait3A_47 = tpu.memref_slice %arg10[%add3A_15, %dma_wait3A_46] : memref<10240x128xf32, #tpu.memory_space<vmem_shared>> -> memref<128x128xf32, #tpu.memory_space<vmem_shared>>
      tpu.wait_dma2 semaphore(%run_scoped3A : memref<!tpu.dma_semaphore, #tpu.memory_space<semaphore_mem>>) src(%arg8 : memref<128x128xf32, #tpu.memory_space<vmem>>) dst(%dma_wait3A_47 : memref<128x128xf32, #tpu.memory_space<vmem_shared>>)
      tpu.yield
    }) : () -> ()
    %mul3A_16 = arith.constant 640 : i32
    %mul3A_17 = arith.muli %arg1, %mul3A_16 : i32
    %add3A_18 = arith.constant 256 : i32
    %add3A_19 = arith.addi %mul3A_17, %add3A_18 : i32
    "tpu.region"() ({
      %run_scoped3A = tpu.sem_alloc : memref<!tpu.dma_semaphore, #tpu.memory_space<semaphore_mem>>
      %dma_start3A = arith.constant 0 : i32
      %dma_start3A_42 = tpu.memref_slice %arg10[%add3A_19, %dma_start3A] : memref<10240x128xf32, #tpu.memory_space<vmem_shared>> -> memref<128x128xf32, #tpu.memory_space<vmem_shared>>
      %dma_start3A_43 = arith.constant 0 : i32
      %dma_start3A_44 = tpu.memref_slice %arg10[%add3A_19, %dma_start3A_43] : memref<10240x128xf32, #tpu.memory_space<vmem_shared>> -> memref<128x128xf32, #tpu.memory_space<vmem_shared>>
      tpu.enqueue_dma source(%arg8 : memref<128x128xf32, #tpu.memory_space<vmem>>) target(%dma_start3A_44 : memref<128x128xf32, #tpu.memory_space<vmem_shared>>) target_semaphore(%run_scoped3A : memref<!tpu.dma_semaphore, #tpu.memory_space<semaphore_mem>>)
      %dma_wait3A = arith.constant 0 : i32
      %dma_wait3A_45 = tpu.memref_slice %arg10[%add3A_19, %dma_wait3A] : memref<10240x128xf32, #tpu.memory_space<vmem_shared>> -> memref<128x128xf32, #tpu.memory_space<vmem_shared>>
      %dma_wait3A_46 = arith.constant 0 : i32
      %dma_wait3A_47 = tpu.memref_slice %arg10[%add3A_19, %dma_wait3A_46] : memref<10240x128xf32, #tpu.memory_space<vmem_shared>> -> memref<128x128xf32, #tpu.memory_space<vmem_shared>>
      tpu.wait_dma2 semaphore(%run_scoped3A : memref<!tpu.dma_semaphore, #tpu.memory_space<semaphore_mem>>) src(%arg8 : memref<128x128xf32, #tpu.memory_space<vmem>>) dst(%dma_wait3A_47 : memref<128x128xf32, #tpu.memory_space<vmem_shared>>)
      tpu.yield
    }) : () -> ()
    %mul3A_20 = arith.constant 640 : i32
    %mul3A_21 = arith.muli %arg1, %mul3A_20 : i32
    %add3A_22 = arith.constant 384 : i32
    %add3A_23 = arith.addi %mul3A_21, %add3A_22 : i32
    "tpu.region"() ({
      %run_scoped3A = tpu.sem_alloc : memref<!tpu.dma_semaphore, #tpu.memory_space<semaphore_mem>>
      %dma_start3A = arith.constant 0 : i32
      %dma_start3A_42 = tpu.memref_slice %arg10[%add3A_23, %dma_start3A] : memref<10240x128xf32, #tpu.memory_space<vmem_shared>> -> memref<128x128xf32, #tpu.memory_space<vmem_shared>>
      %dma_start3A_43 = arith.constant 0 : i32
      %dma_start3A_44 = tpu.memref_slice %arg10[%add3A_23, %dma_start3A_43] : memref<10240x128xf32, #tpu.memory_space<vmem_shared>> -> memref<128x128xf32, #tpu.memory_space<vmem_shared>>
      tpu.enqueue_dma source(%arg8 : memref<128x128xf32, #tpu.memory_space<vmem>>) target(%dma_start3A_44 : memref<128x128xf32, #tpu.memory_space<vmem_shared>>) target_semaphore(%run_scoped3A : memref<!tpu.dma_semaphore, #tpu.memory_space<semaphore_mem>>)
      %dma_wait3A = arith.constant 0 : i32
      %dma_wait3A_45 = tpu.memref_slice %arg10[%add3A_23, %dma_wait3A] : memref<10240x128xf32, #tpu.memory_space<vmem_shared>> -> memref<128x128xf32, #tpu.memory_space<vmem_shared>>
      %dma_wait3A_46 = arith.constant 0 : i32
      %dma_wait3A_47 = tpu.memref_slice %arg10[%add3A_23, %dma_wait3A_46] : memref<10240x128xf32, #tpu.memory_space<vmem_shared>> -> memref<128x128xf32, #tpu.memory_space<vmem_shared>>
      tpu.wait_dma2 semaphore(%run_scoped3A : memref<!tpu.dma_semaphore, #tpu.memory_space<semaphore_mem>>) src(%arg8 : memref<128x128xf32, #tpu.memory_space<vmem>>) dst(%dma_wait3A_47 : memref<128x128xf32, #tpu.memory_space<vmem_shared>>)
      tpu.yield
    }) : () -> ()
    %mul3A_24 = arith.constant 640 : i32
    %mul3A_25 = arith.muli %arg1, %mul3A_24 : i32
    %add3A_26 = arith.constant 512 : i32
    %add3A_27 = arith.addi %mul3A_25, %add3A_26 : i32
    "tpu.region"() ({
      %run_scoped3A = tpu.sem_alloc : memref<!tpu.dma_semaphore, #tpu.memory_space<semaphore_mem>>
      %dma_start3A = arith.constant 0 : i32
      %dma_start3A_42 = tpu.memref_slice %arg10[%add3A_27, %dma_start3A] : memref<10240x128xf32, #tpu.memory_space<vmem_shared>> -> memref<128x128xf32, #tpu.memory_space<vmem_shared>>
      %dma_start3A_43 = arith.constant 0 : i32
      %dma_start3A_44 = tpu.memref_slice %arg10[%add3A_27, %dma_start3A_43] : memref<10240x128xf32, #tpu.memory_space<vmem_shared>> -> memref<128x128xf32, #tpu.memory_space<vmem_shared>>
      tpu.enqueue_dma source(%arg8 : memref<128x128xf32, #tpu.memory_space<vmem>>) target(%dma_start3A_44 : memref<128x128xf32, #tpu.memory_space<vmem_shared>>) target_semaphore(%run_scoped3A : memref<!tpu.dma_semaphore, #tpu.memory_space<semaphore_mem>>)
      %dma_wait3A = arith.constant 0 : i32
      %dma_wait3A_45 = tpu.memref_slice %arg10[%add3A_27, %dma_wait3A] : memref<10240x128xf32, #tpu.memory_space<vmem_shared>> -> memref<128x128xf32, #tpu.memory_space<vmem_shared>>
      %dma_wait3A_46 = arith.constant 0 : i32
      %dma_wait3A_47 = tpu.memref_slice %arg10[%add3A_27, %dma_wait3A_46] : memref<10240x128xf32, #tpu.memory_space<vmem_shared>> -> memref<128x128xf32, #tpu.memory_space<vmem_shared>>
      tpu.wait_dma2 semaphore(%run_scoped3A : memref<!tpu.dma_semaphore, #tpu.memory_space<semaphore_mem>>) src(%arg8 : memref<128x128xf32, #tpu.memory_space<vmem>>) dst(%dma_wait3A_47 : memref<128x128xf32, #tpu.memory_space<vmem_shared>>)
      tpu.yield
    }) : () -> ()
    %barrier3A = arith.constant 0 : index
    tpu.barrier barrier_id(%barrier3A)
    %scan3A_28 = arith.constant 0 : i32
    %scan3A_29 = arith.constant 0 : i32
    %scan3A_30 = arith.constant 2 : i32
    %scan3A_31 = arith.addi %scan3A_29, %scan3A_30 : i32
    %scan3A_32 = arith.constant 1 : i32
    scf.for %scan3A_42 = %scan3A_29 to %scan3A_31 step %scan3A_32  : i32 {
      %mul3A_43 = arith.constant 40 : i32
      %mul3A_44 = arith.muli %scan3A_42, %mul3A_43 : i32
      "tpu.region"() ({
        %run_scoped3A = tpu.sem_alloc : memref<!tpu.dma_semaphore, #tpu.memory_space<semaphore_mem>>
        %dma_start3A_66 = arith.constant 0 : i32
        %dma_start3A_67 = arith.constant 0 : i32
        %dma_start3A_68 = tpu.memref_slice %arg3[%add3A, %dma_start3A_66, %dma_start3A_67] : memref<32x80x128xi32, #tpu.memory_space<hbm>> -> memref<1x80x128xi32, #tpu.memory_space<hbm>>
        %dma_start3A_69 = tpu.memref_squeeze %dma_start3A_68 : memref<1x80x128xi32, #tpu.memory_space<hbm>> -> memref<80x128xi32, #tpu.memory_space<hbm>>
        %dma_start3A_70 = arith.constant 0 : i32
        %dma_start3A_71 = tpu.memref_slice %dma_start3A_69[%mul3A_44, %dma_start3A_70] : memref<80x128xi32, #tpu.memory_space<hbm>> -> memref<40x128xi32, #tpu.memory_space<hbm>>
        %dma_start3A_72 = arith.constant 0 : i32
        %dma_start3A_73 = arith.constant 0 : i32
        %dma_start3A_74 = tpu.memref_slice %arg3[%add3A, %dma_start3A_72, %dma_start3A_73] : memref<32x80x128xi32, #tpu.memory_space<hbm>> -> memref<1x80x128xi32, #tpu.memory_space<hbm>>
        %dma_start3A_75 = tpu.memref_squeeze %dma_start3A_74 : memref<1x80x128xi32, #tpu.memory_space<hbm>> -> memref<80x128xi32, #tpu.memory_space<hbm>>
        %dma_start3A_76 = arith.constant 0 : i32
        %dma_start3A_77 = tpu.memref_slice %dma_start3A_75[%mul3A_44, %dma_start3A_76] : memref<80x128xi32, #tpu.memory_space<hbm>> -> memref<40x128xi32, #tpu.memory_space<hbm>>
        tpu.enqueue_dma source(%dma_start3A_77 : memref<40x128xi32, #tpu.memory_space<hbm>>) target(%arg6 : memref<40x128xi32, #tpu.memory_space<vmem>>) target_semaphore(%run_scoped3A : memref<!tpu.dma_semaphore, #tpu.memory_space<semaphore_mem>>)
        %dma_wait3A = arith.constant 0 : i32
        %dma_wait3A_78 = arith.constant 0 : i32
        %dma_wait3A_79 = tpu.memref_slice %arg3[%add3A, %dma_wait3A, %dma_wait3A_78] : memref<32x80x128xi32, #tpu.memory_space<hbm>> -> memref<1x80x128xi32, #tpu.memory_space<hbm>>
        %dma_wait3A_80 = tpu.memref_squeeze %dma_wait3A_79 : memref<1x80x128xi32, #tpu.memory_space<hbm>> -> memref<80x128xi32, #tpu.memory_space<hbm>>
        %dma_wait3A_81 = arith.constant 0 : i32
        %dma_wait3A_82 = tpu.memref_slice %dma_wait3A_80[%mul3A_44, %dma_wait3A_81] : memref<80x128xi32, #tpu.memory_space<hbm>> -> memref<40x128xi32, #tpu.memory_space<hbm>>
        %dma_wait3A_83 = arith.constant 0 : i32
        %dma_wait3A_84 = arith.constant 0 : i32
        %dma_wait3A_85 = tpu.memref_slice %arg3[%add3A, %dma_wait3A_83, %dma_wait3A_84] : memref<32x80x128xi32, #tpu.memory_space<hbm>> -> memref<1x80x128xi32, #tpu.memory_space<hbm>>
        %dma_wait3A_86 = tpu.memref_squeeze %dma_wait3A_85 : memref<1x80x128xi32, #tpu.memory_space<hbm>> -> memref<80x128xi32, #tpu.memory_space<hbm>>
        %dma_wait3A_87 = arith.constant 0 : i32
        %dma_wait3A_88 = tpu.memref_slice %dma_wait3A_86[%mul3A_44, %dma_wait3A_87] : memref<80x128xi32, #tpu.memory_space<hbm>> -> memref<40x128xi32, #tpu.memory_space<hbm>>
        tpu.wait_dma2 semaphore(%run_scoped3A : memref<!tpu.dma_semaphore, #tpu.memory_space<semaphore_mem>>) src(%dma_wait3A_88 : memref<40x128xi32, #tpu.memory_space<hbm>>) dst(%arg6 : memref<40x128xi32, #tpu.memory_space<vmem>>)
        tpu.yield
      }) : () -> ()
      %mul3A_45 = arith.constant 40 : i32
      %mul3A_46 = arith.muli %scan3A_42, %mul3A_45 : i32
      "tpu.region"() ({
        %run_scoped3A = tpu.sem_alloc : memref<!tpu.dma_semaphore, #tpu.memory_space<semaphore_mem>>
        %dma_start3A_66 = arith.constant 0 : i32
        %dma_start3A_67 = arith.constant 0 : i32
        %dma_start3A_68 = tpu.memref_slice %arg4[%arg1, %dma_start3A_66, %dma_start3A_67] : memref<16x80x128xi32, #tpu.memory_space<hbm>> -> memref<1x80x128xi32, #tpu.memory_space<hbm>>
        %dma_start3A_69 = tpu.memref_squeeze %dma_start3A_68 : memref<1x80x128xi32, #tpu.memory_space<hbm>> -> memref<80x128xi32, #tpu.memory_space<hbm>>
        %dma_start3A_70 = arith.constant 0 : i32
        %dma_start3A_71 = tpu.memref_slice %dma_start3A_69[%mul3A_46, %dma_start3A_70] : memref<80x128xi32, #tpu.memory_space<hbm>> -> memref<40x128xi32, #tpu.memory_space<hbm>>
        %dma_start3A_72 = arith.constant 0 : i32
        %dma_start3A_73 = arith.constant 0 : i32
        %dma_start3A_74 = tpu.memref_slice %arg4[%arg1, %dma_start3A_72, %dma_start3A_73] : memref<16x80x128xi32, #tpu.memory_space<hbm>> -> memref<1x80x128xi32, #tpu.memory_space<hbm>>
        %dma_start3A_75 = tpu.memref_squeeze %dma_start3A_74 : memref<1x80x128xi32, #tpu.memory_space<hbm>> -> memref<80x128xi32, #tpu.memory_space<hbm>>
        %dma_start3A_76 = arith.constant 0 : i32
        %dma_start3A_77 = tpu.memref_slice %dma_start3A_75[%mul3A_46, %dma_start3A_76] : memref<80x128xi32, #tpu.memory_space<hbm>> -> memref<40x128xi32, #tpu.memory_space<hbm>>
        tpu.enqueue_dma source(%dma_start3A_77 : memref<40x128xi32, #tpu.memory_space<hbm>>) target(%arg7 : memref<40x128xi32, #tpu.memory_space<vmem>>) target_semaphore(%run_scoped3A : memref<!tpu.dma_semaphore, #tpu.memory_space<semaphore_mem>>)
        %dma_wait3A = arith.constant 0 : i32
        %dma_wait3A_78 = arith.constant 0 : i32
        %dma_wait3A_79 = tpu.memref_slice %arg4[%arg1, %dma_wait3A, %dma_wait3A_78] : memref<16x80x128xi32, #tpu.memory_space<hbm>> -> memref<1x80x128xi32, #tpu.memory_space<hbm>>
        %dma_wait3A_80 = tpu.memref_squeeze %dma_wait3A_79 : memref<1x80x128xi32, #tpu.memory_space<hbm>> -> memref<80x128xi32, #tpu.memory_space<hbm>>
        %dma_wait3A_81 = arith.constant 0 : i32
        %dma_wait3A_82 = tpu.memref_slice %dma_wait3A_80[%mul3A_46, %dma_wait3A_81] : memref<80x128xi32, #tpu.memory_space<hbm>> -> memref<40x128xi32, #tpu.memory_space<hbm>>
        %dma_wait3A_83 = arith.constant 0 : i32
        %dma_wait3A_84 = arith.constant 0 : i32
        %dma_wait3A_85 = tpu.memref_slice %arg4[%arg1, %dma_wait3A_83, %dma_wait3A_84] : memref<16x80x128xi32, #tpu.memory_space<hbm>> -> memref<1x80x128xi32, #tpu.memory_space<hbm>>
        %dma_wait3A_86 = tpu.memref_squeeze %dma_wait3A_85 : memref<1x80x128xi32, #tpu.memory_space<hbm>> -> memref<80x128xi32, #tpu.memory_space<hbm>>
        %dma_wait3A_87 = arith.constant 0 : i32
        %dma_wait3A_88 = tpu.memref_slice %dma_wait3A_86[%mul3A_46, %dma_wait3A_87] : memref<80x128xi32, #tpu.memory_space<hbm>> -> memref<40x128xi32, #tpu.memory_space<hbm>>
        tpu.wait_dma2 semaphore(%run_scoped3A : memref<!tpu.dma_semaphore, #tpu.memory_space<semaphore_mem>>) src(%dma_wait3A_88 : memref<40x128xi32, #tpu.memory_space<hbm>>) dst(%arg7 : memref<40x128xi32, #tpu.memory_space<vmem>>)
        tpu.yield
      }) : () -> ()
      %dma_start3A = arith.constant 0 : i32
      %dma_start3A_47 = arith.constant 0 : i32
      %dma_start3A_48 = tpu.memref_slice %arg6[%dma_start3A, %dma_start3A_47] : memref<40x128xi32, #tpu.memory_space<vmem>> -> memref<1x128xi32, #tpu.memory_space<vmem>>
      %dma_start3A_49 = tpu.memref_squeeze %dma_start3A_48 : memref<1x128xi32, #tpu.memory_space<vmem>> -> memref<128xi32, #tpu.memory_space<vmem>>
      %dma_start3A_50 = arith.constant 0 : i32
      %dma_start3A_51 = arith.constant 0 : i32
      %dma_start3A_52 = tpu.memref_slice %arg2[%dma_start3A_50, %dma_start3A_51] : memref<20000x128xf32, #tpu.memory_space<hbm>> -> memref<20000x128xf32, #tpu.memory_space<hbm>>
      tpu.enqueue_indirect_dma source(%dma_start3A_52 : memref<20000x128xf32, #tpu.memory_space<hbm>>) target(%arg8 : memref<128x128xf32, #tpu.memory_space<vmem>>) offsets(%dma_start3A_49 : memref<128xi32, #tpu.memory_space<vmem>>) semaphore(%arg11 : memref<!tpu.dma_semaphore, #tpu.memory_space<semaphore_mem>>)
      %dma_start3A_53 = arith.constant 1 : i32
      %dma_start3A_54 = arith.constant 0 : i32
      %dma_start3A_55 = tpu.memref_slice %arg6[%dma_start3A_53, %dma_start3A_54] : memref<40x128xi32, #tpu.memory_space<vmem>> -> memref<1x128xi32, #tpu.memory_space<vmem>>
      %dma_start3A_56 = tpu.memref_squeeze %dma_start3A_55 : memref<1x128xi32, #tpu.memory_space<vmem>> -> memref<128xi32, #tpu.memory_space<vmem>>
      %dma_start3A_57 = arith.constant 0 : i32
      %dma_start3A_58 = arith.constant 0 : i32
      %dma_start3A_59 = tpu.memref_slice %arg2[%dma_start3A_57, %dma_start3A_58] : memref<20000x128xf32, #tpu.memory_space<hbm>> -> memref<20000x128xf32, #tpu.memory_space<hbm>>
      tpu.enqueue_indirect_dma source(%dma_start3A_59 : memref<20000x128xf32, #tpu.memory_space<hbm>>) target(%arg9 : memref<128x128xf32, #tpu.memory_space<vmem>>) offsets(%dma_start3A_56 : memref<128xi32, #tpu.memory_space<vmem>>) semaphore(%arg12 : memref<!tpu.dma_semaphore, #tpu.memory_space<semaphore_mem>>)
      %scan3A_60 = arith.constant 0 : i32
      %scan3A_61 = arith.constant 0 : i32
      %scan3A_62 = arith.constant 20 : i32
      %scan3A_63 = arith.addi %scan3A_61, %scan3A_62 : i32
      %scan3A_64 = arith.constant 1 : i32
      scf.for %scan3A_66 = %scan3A_61 to %scan3A_63 step %scan3A_64  : i32 {
        %mul3A_67 = arith.constant 2 : i32
        %mul3A_68 = arith.muli %mul3A_67, %scan3A_66 : i32
        %dma_wait3A = arith.constant 0 : i32
        %dma_wait3A_69 = tpu.memref_slice %arg6[%mul3A_68, %dma_wait3A] : memref<40x128xi32, #tpu.memory_space<vmem>> -> memref<1x128xi32, #tpu.memory_space<vmem>>
        %dma_wait3A_70 = tpu.memref_squeeze %dma_wait3A_69 : memref<1x128xi32, #tpu.memory_space<vmem>> -> memref<128xi32, #tpu.memory_space<vmem>>
        %dma_wait3A_71 = arith.constant 0 : i32
        %dma_wait3A_72 = arith.constant 0 : i32
        %dma_wait3A_73 = tpu.memref_slice %arg2[%dma_wait3A_71, %dma_wait3A_72] : memref<20000x128xf32, #tpu.memory_space<hbm>> -> memref<20000x128xf32, #tpu.memory_space<hbm>>
        tpu.wait_indirect_dma semaphore(%arg11 : memref<!tpu.dma_semaphore, #tpu.memory_space<semaphore_mem>>) src(%dma_wait3A_73 : memref<20000x128xf32, #tpu.memory_space<hbm>>) dst(%arg8 : memref<128x128xf32, #tpu.memory_space<vmem>>)
        "tpu.region"() ({
          %run_scoped3A = tpu.sem_alloc : memref<!tpu.dma_semaphore, #tpu.memory_space<semaphore_mem>>
          %dma_start3A_95 = arith.constant 0 : i32
          %dma_start3A_96 = tpu.memref_slice %arg7[%mul3A_68, %dma_start3A_95] : memref<40x128xi32, #tpu.memory_space<vmem>> -> memref<1x128xi32, #tpu.memory_space<vmem>>
          %dma_start3A_97 = tpu.memref_squeeze %dma_start3A_96 : memref<1x128xi32, #tpu.memory_space<vmem>> -> memref<128xi32, #tpu.memory_space<vmem>>
          %dma_start3A_98 = arith.constant 0 : i32
          %dma_start3A_99 = arith.constant 0 : i32
          %dma_start3A_100 = tpu.memref_slice %arg10[%dma_start3A_98, %dma_start3A_99] : memref<10240x128xf32, #tpu.memory_space<vmem_shared>> -> memref<10240x128xf32, #tpu.memory_space<vmem_shared>>
          tpu.enqueue_indirect_dma source(%arg8 : memref<128x128xf32, #tpu.memory_space<vmem>>) target(%dma_start3A_100 : memref<10240x128xf32, #tpu.memory_space<vmem_shared>>) offsets(%dma_start3A_97 : memref<128xi32, #tpu.memory_space<vmem>>) semaphore(%run_scoped3A : memref<!tpu.dma_semaphore, #tpu.memory_space<semaphore_mem>>) {add = true}
          %dma_wait3A_101 = arith.constant 0 : i32
          %dma_wait3A_102 = tpu.memref_slice %arg7[%mul3A_68, %dma_wait3A_101] : memref<40x128xi32, #tpu.memory_space<vmem>> -> memref<1x128xi32, #tpu.memory_space<vmem>>
          %dma_wait3A_103 = tpu.memref_squeeze %dma_wait3A_102 : memref<1x128xi32, #tpu.memory_space<vmem>> -> memref<128xi32, #tpu.memory_space<vmem>>
          %dma_wait3A_104 = arith.constant 0 : i32
          %dma_wait3A_105 = arith.constant 0 : i32
          %dma_wait3A_106 = tpu.memref_slice %arg10[%dma_wait3A_104, %dma_wait3A_105] : memref<10240x128xf32, #tpu.memory_space<vmem_shared>> -> memref<10240x128xf32, #tpu.memory_space<vmem_shared>>
          tpu.wait_indirect_dma semaphore(%run_scoped3A : memref<!tpu.dma_semaphore, #tpu.memory_space<semaphore_mem>>) src(%arg8 : memref<128x128xf32, #tpu.memory_space<vmem>>) dst(%dma_wait3A_106 : memref<10240x128xf32, #tpu.memory_space<vmem_shared>>)
          tpu.yield
        }) : () -> ()
        %add3A_74 = arith.constant 2 : i32
        %add3A_75 = arith.addi %mul3A_68, %add3A_74 : i32
        %lt3A = arith.constant 40 : i32
        %lt3A_76 = arith.cmpi slt, %add3A_75, %lt3A : i32
        %convert_element_type3A = arith.extui %lt3A_76 : i1 to i32
        %cond3A = arith.constant 0 : i32
        %cond3A_77 = arith.cmpi ne, %convert_element_type3A, %cond3A : i32
        scf.if %cond3A_77 {
          %add3A_95 = arith.constant 2 : i32
          %add3A_96 = arith.addi %mul3A_68, %add3A_95 : i32
          %dma_start3A_97 = arith.constant 0 : i32
          %dma_start3A_98 = tpu.memref_slice %arg6[%add3A_96, %dma_start3A_97] : memref<40x128xi32, #tpu.memory_space<vmem>> -> memref<1x128xi32, #tpu.memory_space<vmem>>
          %dma_start3A_99 = tpu.memref_squeeze %dma_start3A_98 : memref<1x128xi32, #tpu.memory_space<vmem>> -> memref<128xi32, #tpu.memory_space<vmem>>
          %dma_start3A_100 = arith.constant 0 : i32
          %dma_start3A_101 = arith.constant 0 : i32
          %dma_start3A_102 = tpu.memref_slice %arg2[%dma_start3A_100, %dma_start3A_101] : memref<20000x128xf32, #tpu.memory_space<hbm>> -> memref<20000x128xf32, #tpu.memory_space<hbm>>
          tpu.enqueue_indirect_dma source(%dma_start3A_102 : memref<20000x128xf32, #tpu.memory_space<hbm>>) target(%arg8 : memref<128x128xf32, #tpu.memory_space<vmem>>) offsets(%dma_start3A_99 : memref<128xi32, #tpu.memory_space<vmem>>) semaphore(%arg11 : memref<!tpu.dma_semaphore, #tpu.memory_space<semaphore_mem>>)
        } else {
        }
        %add3A_78 = arith.constant 1 : i32
        %add3A_79 = arith.addi %mul3A_68, %add3A_78 : i32
        %dma_wait3A_80 = arith.constant 0 : i32
        %dma_wait3A_81 = tpu.memref_slice %arg6[%add3A_79, %dma_wait3A_80] : memref<40x128xi32, #tpu.memory_space<vmem>> -> memref<1x128xi32, #tpu.memory_space<vmem>>
        %dma_wait3A_82 = tpu.memref_squeeze %dma_wait3A_81 : memref<1x128xi32, #tpu.memory_space<vmem>> -> memref<128xi32, #tpu.memory_space<vmem>>
        %dma_wait3A_83 = arith.constant 0 : i32
        %dma_wait3A_84 = arith.constant 0 : i32
        %dma_wait3A_85 = tpu.memref_slice %arg2[%dma_wait3A_83, %dma_wait3A_84] : memref<20000x128xf32, #tpu.memory_space<hbm>> -> memref<20000x128xf32, #tpu.memory_space<hbm>>
        tpu.wait_indirect_dma semaphore(%arg12 : memref<!tpu.dma_semaphore, #tpu.memory_space<semaphore_mem>>) src(%dma_wait3A_85 : memref<20000x128xf32, #tpu.memory_space<hbm>>) dst(%arg9 : memref<128x128xf32, #tpu.memory_space<vmem>>)
        %add3A_86 = arith.constant 1 : i32
        %add3A_87 = arith.addi %mul3A_68, %add3A_86 : i32
        "tpu.region"() ({
          %run_scoped3A = tpu.sem_alloc : memref<!tpu.dma_semaphore, #tpu.memory_space<semaphore_mem>>
          %dma_start3A_95 = arith.constant 0 : i32
          %dma_start3A_96 = tpu.memref_slice %arg7[%add3A_87, %dma_start3A_95] : memref<40x128xi32, #tpu.memory_space<vmem>> -> memref<1x128xi32, #tpu.memory_space<vmem>>
          %dma_start3A_97 = tpu.memref_squeeze %dma_start3A_96 : memref<1x128xi32, #tpu.memory_space<vmem>> -> memref<128xi32, #tpu.memory_space<vmem>>
          %dma_start3A_98 = arith.constant 0 : i32
          %dma_start3A_99 = arith.constant 0 : i32
          %dma_start3A_100 = tpu.memref_slice %arg10[%dma_start3A_98, %dma_start3A_99] : memref<10240x128xf32, #tpu.memory_space<vmem_shared>> -> memref<10240x128xf32, #tpu.memory_space<vmem_shared>>
          tpu.enqueue_indirect_dma source(%arg9 : memref<128x128xf32, #tpu.memory_space<vmem>>) target(%dma_start3A_100 : memref<10240x128xf32, #tpu.memory_space<vmem_shared>>) offsets(%dma_start3A_97 : memref<128xi32, #tpu.memory_space<vmem>>) semaphore(%run_scoped3A : memref<!tpu.dma_semaphore, #tpu.memory_space<semaphore_mem>>) {add = true}
          %dma_wait3A_101 = arith.constant 0 : i32
          %dma_wait3A_102 = tpu.memref_slice %arg7[%add3A_87, %dma_wait3A_101] : memref<40x128xi32, #tpu.memory_space<vmem>> -> memref<1x128xi32, #tpu.memory_space<vmem>>
          %dma_wait3A_103 = tpu.memref_squeeze %dma_wait3A_102 : memref<1x128xi32, #tpu.memory_space<vmem>> -> memref<128xi32, #tpu.memory_space<vmem>>
          %dma_wait3A_104 = arith.constant 0 : i32
          %dma_wait3A_105 = arith.constant 0 : i32
          %dma_wait3A_106 = tpu.memref_slice %arg10[%dma_wait3A_104, %dma_wait3A_105] : memref<10240x128xf32, #tpu.memory_space<vmem_shared>> -> memref<10240x128xf32, #tpu.memory_space<vmem_shared>>
          tpu.wait_indirect_dma semaphore(%run_scoped3A : memref<!tpu.dma_semaphore, #tpu.memory_space<semaphore_mem>>) src(%arg9 : memref<128x128xf32, #tpu.memory_space<vmem>>) dst(%dma_wait3A_106 : memref<10240x128xf32, #tpu.memory_space<vmem_shared>>)
          tpu.yield
        }) : () -> ()
        %add3A_88 = arith.constant 3 : i32
        %add3A_89 = arith.addi %mul3A_68, %add3A_88 : i32
        %lt3A_90 = arith.constant 40 : i32
        %lt3A_91 = arith.cmpi slt, %add3A_89, %lt3A_90 : i32
        %convert_element_type3A_92 = arith.extui %lt3A_91 : i1 to i32
        %cond3A_93 = arith.constant 0 : i32
        %cond3A_94 = arith.cmpi ne, %convert_element_type3A_92, %cond3A_93 : i32
        scf.if %cond3A_94 {
          %add3A_95 = arith.constant 3 : i32
          %add3A_96 = arith.addi %mul3A_68, %add3A_95 : i32
          %dma_start3A_97 = arith.constant 0 : i32
          %dma_start3A_98 = tpu.memref_slice %arg6[%add3A_96, %dma_start3A_97] : memref<40x128xi32, #tpu.memory_space<vmem>> -> memref<1x128xi32, #tpu.memory_space<vmem>>
          %dma_start3A_99 = tpu.memref_squeeze %dma_start3A_98 : memref<1x128xi32, #tpu.memory_space<vmem>> -> memref<128xi32, #tpu.memory_space<vmem>>
          %dma_start3A_100 = arith.constant 0 : i32
          %dma_start3A_101 = arith.constant 0 : i32
          %dma_start3A_102 = tpu.memref_slice %arg2[%dma_start3A_100, %dma_start3A_101] : memref<20000x128xf32, #tpu.memory_space<hbm>> -> memref<20000x128xf32, #tpu.memory_space<hbm>>
          tpu.enqueue_indirect_dma source(%dma_start3A_102 : memref<20000x128xf32, #tpu.memory_space<hbm>>) target(%arg9 : memref<128x128xf32, #tpu.memory_space<vmem>>) offsets(%dma_start3A_99 : memref<128xi32, #tpu.memory_space<vmem>>) semaphore(%arg12 : memref<!tpu.dma_semaphore, #tpu.memory_space<semaphore_mem>>)
        } else {
        }
      }
      %scan3A_65 = arith.constant 20 : i32
    }
    %scan3A_33 = arith.constant 2 : i32
    %barrier3A_34 = arith.constant 0 : index
    tpu.barrier barrier_id(%barrier3A_34)
    %mul3A_35 = arith.constant 640 : i32
    %mul3A_36 = arith.muli %arg1, %mul3A_35 : i32
    %mul3A_37 = arith.constant 10240 : i32
    %mul3A_38 = arith.muli %arg0, %mul3A_37 : i32
    %mul3A_39 = arith.constant 640 : i32
    %mul3A_40 = arith.muli %arg1, %mul3A_39 : i32
    %add3A_41 = arith.addi %mul3A_38, %mul3A_40 : i32
    "tpu.region"() ({
      %run_scoped3A = tpu.sem_alloc : memref<!tpu.dma_semaphore, #tpu.memory_space<semaphore_mem>>
      %dma_start3A = arith.constant 0 : i32
      %dma_start3A_42 = tpu.memref_slice %arg5[%add3A_41, %dma_start3A] : memref<20480x128xf32, #tpu.memory_space<hbm>> -> memref<640x128xf32, #tpu.memory_space<hbm>>
      %dma_start3A_43 = arith.constant 0 : i32
      %dma_start3A_44 = tpu.memref_slice %arg10[%mul3A_36, %dma_start3A_43] : memref<10240x128xf32, #tpu.memory_space<vmem_shared>> -> memref<640x128xf32, #tpu.memory_space<vmem_shared>>
      tpu.enqueue_dma source(%dma_start3A_44 : memref<640x128xf32, #tpu.memory_space<vmem_shared>>) target(%dma_start3A_42 : memref<640x128xf32, #tpu.memory_space<hbm>>) target_semaphore(%run_scoped3A : memref<!tpu.dma_semaphore, #tpu.memory_space<semaphore_mem>>)
      %dma_wait3A = arith.constant 0 : i32
      %dma_wait3A_45 = tpu.memref_slice %arg5[%add3A_41, %dma_wait3A] : memref<20480x128xf32, #tpu.memory_space<hbm>> -> memref<640x128xf32, #tpu.memory_space<hbm>>
      %dma_wait3A_46 = arith.constant 0 : i32
      %dma_wait3A_47 = tpu.memref_slice %arg10[%mul3A_36, %dma_wait3A_46] : memref<10240x128xf32, #tpu.memory_space<vmem_shared>> -> memref<640x128xf32, #tpu.memory_space<vmem_shared>>
      tpu.wait_dma2 semaphore(%run_scoped3A : memref<!tpu.dma_semaphore, #tpu.memory_space<semaphore_mem>>) src(%dma_wait3A_47 : memref<640x128xf32, #tpu.memory_space<vmem_shared>>) dst(%dma_wait3A_45 : memref<640x128xf32, #tpu.memory_space<hbm>>)
      tpu.yield
    }) : () -> ()
    return
  }
}

#map = affine_map<(d0, d1) -> (0, 0)>
#map1 = affine_map<(d0, d1) -> (0, 0, 0)>
module attributes {stable_mosaic.version = 14 : i64} {
  func.func @_pool_body(%arg0: i32, %arg1: i32, %arg2: memref<20000x128xf32, #tpu.memory_space<hbm>>, %arg3: memref<16x5x125xi32, #tpu.memory_space<hbm>>, %arg4: memref<32x5x125xi32, #tpu.memory_space<hbm>>, %arg5: memref<256x128xf32, #tpu.memory_space<hbm>>, %arg6: memref<5x125xi32, #tpu.memory_space<vmem>>, %arg7: memref<5x125xi32, #tpu.memory_space<vmem>>, %arg8: memref<125x128xf32, #tpu.memory_space<vmem>>, %arg9: memref<128x128xf32, #tpu.memory_space<vmem_shared>>, %arg10: memref<!tpu.dma_semaphore, #tpu.memory_space<semaphore_mem>>) attributes {dimension_semantics = [#tpu.dimension_semantics<core_parallel>, #tpu.dimension_semantics<subcore_parallel>], iteration_bounds = array<i64: 2, 16>, scalar_prefetch = 0 : i64, scratch_operands = 5 : i64, tpu.core_type = #tpu.core_type<sc_vector_subcore>, window_params = [{transform_indices = #map}, {transform_indices = #map1}, {transform_indices = #map1}, {transform_indices = #map}]} {
    %mul3A = arith.constant 16 : i32
    %mul3A_0 = arith.muli %arg0, %mul3A : i32
    %add3A = arith.addi %mul3A_0, %arg1 : i32
    "tpu.region"() ({
      %run_scoped3A = tpu.sem_alloc : memref<!tpu.dma_semaphore, #tpu.memory_space<semaphore_mem>>
      %dma_start3A = arith.constant 0 : i32
      %dma_start3A_24 = arith.constant 0 : i32
      %dma_start3A_25 = tpu.memref_slice %arg3[%arg1, %dma_start3A, %dma_start3A_24] : memref<16x5x125xi32, #tpu.memory_space<hbm>> -> memref<1x5x125xi32, #tpu.memory_space<hbm>>
      %dma_start3A_26 = tpu.memref_squeeze %dma_start3A_25 : memref<1x5x125xi32, #tpu.memory_space<hbm>> -> memref<5x125xi32, #tpu.memory_space<hbm>>
      %dma_start3A_27 = arith.constant 0 : i32
      %dma_start3A_28 = arith.constant 0 : i32
      %dma_start3A_29 = tpu.memref_slice %arg3[%arg1, %dma_start3A_27, %dma_start3A_28] : memref<16x5x125xi32, #tpu.memory_space<hbm>> -> memref<1x5x125xi32, #tpu.memory_space<hbm>>
      %dma_start3A_30 = tpu.memref_squeeze %dma_start3A_29 : memref<1x5x125xi32, #tpu.memory_space<hbm>> -> memref<5x125xi32, #tpu.memory_space<hbm>>
      tpu.enqueue_dma source(%dma_start3A_30 : memref<5x125xi32, #tpu.memory_space<hbm>>) target(%arg6 : memref<5x125xi32, #tpu.memory_space<vmem>>) target_semaphore(%run_scoped3A : memref<!tpu.dma_semaphore, #tpu.memory_space<semaphore_mem>>)
      %dma_wait3A = arith.constant 0 : i32
      %dma_wait3A_31 = arith.constant 0 : i32
      %dma_wait3A_32 = tpu.memref_slice %arg3[%arg1, %dma_wait3A, %dma_wait3A_31] : memref<16x5x125xi32, #tpu.memory_space<hbm>> -> memref<1x5x125xi32, #tpu.memory_space<hbm>>
      %dma_wait3A_33 = tpu.memref_squeeze %dma_wait3A_32 : memref<1x5x125xi32, #tpu.memory_space<hbm>> -> memref<5x125xi32, #tpu.memory_space<hbm>>
      %dma_wait3A_34 = arith.constant 0 : i32
      %dma_wait3A_35 = arith.constant 0 : i32
      %dma_wait3A_36 = tpu.memref_slice %arg3[%arg1, %dma_wait3A_34, %dma_wait3A_35] : memref<16x5x125xi32, #tpu.memory_space<hbm>> -> memref<1x5x125xi32, #tpu.memory_space<hbm>>
      %dma_wait3A_37 = tpu.memref_squeeze %dma_wait3A_36 : memref<1x5x125xi32, #tpu.memory_space<hbm>> -> memref<5x125xi32, #tpu.memory_space<hbm>>
      tpu.wait_dma2 semaphore(%run_scoped3A : memref<!tpu.dma_semaphore, #tpu.memory_space<semaphore_mem>>) src(%dma_wait3A_37 : memref<5x125xi32, #tpu.memory_space<hbm>>) dst(%arg6 : memref<5x125xi32, #tpu.memory_space<vmem>>)
      tpu.yield
    }) : () -> ()
    "tpu.region"() ({
      %run_scoped3A = tpu.sem_alloc : memref<!tpu.dma_semaphore, #tpu.memory_space<semaphore_mem>>
      %dma_start3A = arith.constant 0 : i32
      %dma_start3A_24 = arith.constant 0 : i32
      %dma_start3A_25 = tpu.memref_slice %arg4[%add3A, %dma_start3A, %dma_start3A_24] : memref<32x5x125xi32, #tpu.memory_space<hbm>> -> memref<1x5x125xi32, #tpu.memory_space<hbm>>
      %dma_start3A_26 = tpu.memref_squeeze %dma_start3A_25 : memref<1x5x125xi32, #tpu.memory_space<hbm>> -> memref<5x125xi32, #tpu.memory_space<hbm>>
      %dma_start3A_27 = arith.constant 0 : i32
      %dma_start3A_28 = arith.constant 0 : i32
      %dma_start3A_29 = tpu.memref_slice %arg4[%add3A, %dma_start3A_27, %dma_start3A_28] : memref<32x5x125xi32, #tpu.memory_space<hbm>> -> memref<1x5x125xi32, #tpu.memory_space<hbm>>
      %dma_start3A_30 = tpu.memref_squeeze %dma_start3A_29 : memref<1x5x125xi32, #tpu.memory_space<hbm>> -> memref<5x125xi32, #tpu.memory_space<hbm>>
      tpu.enqueue_dma source(%dma_start3A_30 : memref<5x125xi32, #tpu.memory_space<hbm>>) target(%arg7 : memref<5x125xi32, #tpu.memory_space<vmem>>) target_semaphore(%run_scoped3A : memref<!tpu.dma_semaphore, #tpu.memory_space<semaphore_mem>>)
      %dma_wait3A = arith.constant 0 : i32
      %dma_wait3A_31 = arith.constant 0 : i32
      %dma_wait3A_32 = tpu.memref_slice %arg4[%add3A, %dma_wait3A, %dma_wait3A_31] : memref<32x5x125xi32, #tpu.memory_space<hbm>> -> memref<1x5x125xi32, #tpu.memory_space<hbm>>
      %dma_wait3A_33 = tpu.memref_squeeze %dma_wait3A_32 : memref<1x5x125xi32, #tpu.memory_space<hbm>> -> memref<5x125xi32, #tpu.memory_space<hbm>>
      %dma_wait3A_34 = arith.constant 0 : i32
      %dma_wait3A_35 = arith.constant 0 : i32
      %dma_wait3A_36 = tpu.memref_slice %arg4[%add3A, %dma_wait3A_34, %dma_wait3A_35] : memref<32x5x125xi32, #tpu.memory_space<hbm>> -> memref<1x5x125xi32, #tpu.memory_space<hbm>>
      %dma_wait3A_37 = tpu.memref_squeeze %dma_wait3A_36 : memref<1x5x125xi32, #tpu.memory_space<hbm>> -> memref<5x125xi32, #tpu.memory_space<hbm>>
      tpu.wait_dma2 semaphore(%run_scoped3A : memref<!tpu.dma_semaphore, #tpu.memory_space<semaphore_mem>>) src(%dma_wait3A_37 : memref<5x125xi32, #tpu.memory_space<hbm>>) dst(%arg7 : memref<5x125xi32, #tpu.memory_space<vmem>>)
      tpu.yield
    }) : () -> ()
    %broadcast_in_dim3A = arith.constant 0.000000e+00 : f32
    %broadcast_in_dim3A_1 = vector.broadcast %broadcast_in_dim3A : f32 to vector<16xf32>
    %scan3A = arith.constant 0 : i32
    %scan3A_2 = arith.constant 0 : i32
    %scan3A_3 = arith.constant 8 : i32
    %scan3A_4 = arith.addi %scan3A_2, %scan3A_3 : i32
    %scan3A_5 = arith.constant 1 : i32
    %scan3A_6 = scf.for %scan3A_24 = %scan3A_2 to %scan3A_4 step %scan3A_5 iter_args(%scan3A_25 = %scan3A) -> (i32)  : i32 {
      %swap3A = arith.index_cast %scan3A_24 : i32 to index
      %swap3A_26 = arith.constant 0 : index
      %swap3A_27 = tpu.vector_load %arg8[%swap3A, %swap3A_26] {strides = array<i32>} : memref<125x128xf32, #tpu.memory_space<vmem>>, vector<1x16xf32>,
      %swap3A_28 = vector.shape_cast %swap3A_27 : vector<1x16xf32> to vector<16xf32>
      %swap3A_29 = vector.shape_cast %broadcast_in_dim3A_1 : vector<16xf32> to vector<1x16xf32>
      tpu.vector_store %arg8[%swap3A, %swap3A_26], %swap3A_29 {strides = array<i32>} : memref<125x128xf32, #tpu.memory_space<vmem>>, vector<1x16xf32>,
      %swap3A_30 = arith.index_cast %scan3A_24 : i32 to index
      %swap3A_31 = arith.constant 16 : index
      %swap3A_32 = tpu.vector_load %arg8[%swap3A_30, %swap3A_31] {strides = array<i32>} : memref<125x128xf32, #tpu.memory_space<vmem>>, vector<1x16xf32>,
      %swap3A_33 = vector.shape_cast %swap3A_32 : vector<1x16xf32> to vector<16xf32>
      %swap3A_34 = vector.shape_cast %broadcast_in_dim3A_1 : vector<16xf32> to vector<1x16xf32>
      tpu.vector_store %arg8[%swap3A_30, %swap3A_31], %swap3A_34 {strides = array<i32>} : memref<125x128xf32, #tpu.memory_space<vmem>>, vector<1x16xf32>,
      %swap3A_35 = arith.index_cast %scan3A_24 : i32 to index
      %swap3A_36 = arith.constant 32 : index
      %swap3A_37 = tpu.vector_load %arg8[%swap3A_35, %swap3A_36] {strides = array<i32>} : memref<125x128xf32, #tpu.memory_space<vmem>>, vector<1x16xf32>,
      %swap3A_38 = vector.shape_cast %swap3A_37 : vector<1x16xf32> to vector<16xf32>
      %swap3A_39 = vector.shape_cast %broadcast_in_dim3A_1 : vector<16xf32> to vector<1x16xf32>
      tpu.vector_store %arg8[%swap3A_35, %swap3A_36], %swap3A_39 {strides = array<i32>} : memref<125x128xf32, #tpu.memory_space<vmem>>, vector<1x16xf32>,
      %swap3A_40 = arith.index_cast %scan3A_24 : i32 to index
      %swap3A_41 = arith.constant 48 : index
      %swap3A_42 = tpu.vector_load %arg8[%swap3A_40, %swap3A_41] {strides = array<i32>} : memref<125x128xf32, #tpu.memory_space<vmem>>, vector<1x16xf32>,
      %swap3A_43 = vector.shape_cast %swap3A_42 : vector<1x16xf32> to vector<16xf32>
      %swap3A_44 = vector.shape_cast %broadcast_in_dim3A_1 : vector<16xf32> to vector<1x16xf32>
      tpu.vector_store %arg8[%swap3A_40, %swap3A_41], %swap3A_44 {strides = array<i32>} : memref<125x128xf32, #tpu.memory_space<vmem>>, vector<1x16xf32>,
      %swap3A_45 = arith.index_cast %scan3A_24 : i32 to index
      %swap3A_46 = arith.constant 64 : index
      %swap3A_47 = tpu.vector_load %arg8[%swap3A_45, %swap3A_46] {strides = array<i32>} : memref<125x128xf32, #tpu.memory_space<vmem>>, vector<1x16xf32>,
      %swap3A_48 = vector.shape_cast %swap3A_47 : vector<1x16xf32> to vector<16xf32>
      %swap3A_49 = vector.shape_cast %broadcast_in_dim3A_1 : vector<16xf32> to vector<1x16xf32>
      tpu.vector_store %arg8[%swap3A_45, %swap3A_46], %swap3A_49 {strides = array<i32>} : memref<125x128xf32, #tpu.memory_space<vmem>>, vector<1x16xf32>,
      %swap3A_50 = arith.index_cast %scan3A_24 : i32 to index
      %swap3A_51 = arith.constant 80 : index
      %swap3A_52 = tpu.vector_load %arg8[%swap3A_50, %swap3A_51] {strides = array<i32>} : memref<125x128xf32, #tpu.memory_space<vmem>>, vector<1x16xf32>,
      %swap3A_53 = vector.shape_cast %swap3A_52 : vector<1x16xf32> to vector<16xf32>
      %swap3A_54 = vector.shape_cast %broadcast_in_dim3A_1 : vector<16xf32> to vector<1x16xf32>
      tpu.vector_store %arg8[%swap3A_50, %swap3A_51], %swap3A_54 {strides = array<i32>} : memref<125x128xf32, #tpu.memory_space<vmem>>, vector<1x16xf32>,
      %swap3A_55 = arith.index_cast %scan3A_24 : i32 to index
      %swap3A_56 = arith.constant 96 : index
      %swap3A_57 = tpu.vector_load %arg8[%swap3A_55, %swap3A_56] {strides = array<i32>} : memref<125x128xf32, #tpu.memory_space<vmem>>, vector<1x16xf32>,
      %swap3A_58 = vector.shape_cast %swap3A_57 : vector<1x16xf32> to vector<16xf32>
      %swap3A_59 = vector.shape_cast %broadcast_in_dim3A_1 : vector<16xf32> to vector<1x16xf32>
      tpu.vector_store %arg8[%swap3A_55, %swap3A_56], %swap3A_59 {strides = array<i32>} : memref<125x128xf32, #tpu.memory_space<vmem>>, vector<1x16xf32>,
      %swap3A_60 = arith.index_cast %scan3A_24 : i32 to index
      %swap3A_61 = arith.constant 112 : index
      %swap3A_62 = tpu.vector_load %arg8[%swap3A_60, %swap3A_61] {strides = array<i32>} : memref<125x128xf32, #tpu.memory_space<vmem>>, vector<1x16xf32>,
      %swap3A_63 = vector.shape_cast %swap3A_62 : vector<1x16xf32> to vector<16xf32>
      %swap3A_64 = vector.shape_cast %broadcast_in_dim3A_1 : vector<16xf32> to vector<1x16xf32>
      tpu.vector_store %arg8[%swap3A_60, %swap3A_61], %swap3A_64 {strides = array<i32>} : memref<125x128xf32, #tpu.memory_space<vmem>>, vector<1x16xf32>,
      %scan3A_65 = arith.constant 0 : i32
      scf.yield %scan3A_65 : i32
    }
    %scan3A_7 = arith.constant 8 : i32
    %mul3A_8 = arith.constant 8 : i32
    %mul3A_9 = arith.muli %arg1, %mul3A_8 : i32
    "tpu.region"() ({
      %run_scoped3A = tpu.sem_alloc : memref<!tpu.dma_semaphore, #tpu.memory_space<semaphore_mem>>
      %dma_start3A = arith.constant 0 : i32
      %dma_start3A_24 = arith.constant 0 : i32
      %dma_start3A_25 = tpu.memref_slice %arg8[%dma_start3A, %dma_start3A_24] : memref<125x128xf32, #tpu.memory_space<vmem>> -> memref<8x128xf32, #tpu.memory_space<vmem>>
      %dma_start3A_26 = arith.constant 0 : i32
      %dma_start3A_27 = tpu.memref_slice %arg9[%mul3A_9, %dma_start3A_26] : memref<128x128xf32, #tpu.memory_space<vmem_shared>> -> memref<8x128xf32, #tpu.memory_space<vmem_shared>>
      %dma_start3A_28 = arith.constant 0 : i32
      %dma_start3A_29 = tpu.memref_slice %arg9[%mul3A_9, %dma_start3A_28] : memref<128x128xf32, #tpu.memory_space<vmem_shared>> -> memref<8x128xf32, #tpu.memory_space<vmem_shared>>
      %dma_start3A_30 = arith.constant 0 : i32
      %dma_start3A_31 = arith.constant 0 : i32
      %dma_start3A_32 = tpu.memref_slice %arg8[%dma_start3A_30, %dma_start3A_31] : memref<125x128xf32, #tpu.memory_space<vmem>> -> memref<8x128xf32, #tpu.memory_space<vmem>>
      tpu.enqueue_dma source(%dma_start3A_32 : memref<8x128xf32, #tpu.memory_space<vmem>>) target(%dma_start3A_29 : memref<8x128xf32, #tpu.memory_space<vmem_shared>>) target_semaphore(%run_scoped3A : memref<!tpu.dma_semaphore, #tpu.memory_space<semaphore_mem>>)
      %dma_wait3A = arith.constant 0 : i32
      %dma_wait3A_33 = arith.constant 0 : i32
      %dma_wait3A_34 = tpu.memref_slice %arg8[%dma_wait3A, %dma_wait3A_33] : memref<125x128xf32, #tpu.memory_space<vmem>> -> memref<8x128xf32, #tpu.memory_space<vmem>>
      %dma_wait3A_35 = arith.constant 0 : i32
      %dma_wait3A_36 = tpu.memref_slice %arg9[%mul3A_9, %dma_wait3A_35] : memref<128x128xf32, #tpu.memory_space<vmem_shared>> -> memref<8x128xf32, #tpu.memory_space<vmem_shared>>
      %dma_wait3A_37 = arith.constant 0 : i32
      %dma_wait3A_38 = tpu.memref_slice %arg9[%mul3A_9, %dma_wait3A_37] : memref<128x128xf32, #tpu.memory_space<vmem_shared>> -> memref<8x128xf32, #tpu.memory_space<vmem_shared>>
      %dma_wait3A_39 = arith.constant 0 : i32
      %dma_wait3A_40 = arith.constant 0 : i32
      %dma_wait3A_41 = tpu.memref_slice %arg8[%dma_wait3A_39, %dma_wait3A_40] : memref<125x128xf32, #tpu.memory_space<vmem>> -> memref<8x128xf32, #tpu.memory_space<vmem>>
      tpu.wait_dma2 semaphore(%run_scoped3A : memref<!tpu.dma_semaphore, #tpu.memory_space<semaphore_mem>>) src(%dma_wait3A_41 : memref<8x128xf32, #tpu.memory_space<vmem>>) dst(%dma_wait3A_38 : memref<8x128xf32, #tpu.memory_space<vmem_shared>>)
      tpu.yield
    }) : () -> ()
    %barrier3A = arith.constant 0 : index
    tpu.barrier barrier_id(%barrier3A)
    %scan3A_10 = arith.constant 0 : i32
    %scan3A_11 = arith.constant 0 : i32
    %scan3A_12 = arith.constant 5 : i32
    %scan3A_13 = arith.addi %scan3A_11, %scan3A_12 : i32
    %scan3A_14 = arith.constant 1 : i32
    scf.for %scan3A_24 = %scan3A_11 to %scan3A_13 step %scan3A_14  : i32 {
      %dma_start3A = arith.constant 0 : i32
      %dma_start3A_25 = tpu.memref_slice %arg7[%scan3A_24, %dma_start3A] : memref<5x125xi32, #tpu.memory_space<vmem>> -> memref<1x125xi32, #tpu.memory_space<vmem>>
      %dma_start3A_26 = tpu.memref_squeeze %dma_start3A_25 : memref<1x125xi32, #tpu.memory_space<vmem>> -> memref<125xi32, #tpu.memory_space<vmem>>
      %dma_start3A_27 = arith.constant 0 : i32
      %dma_start3A_28 = arith.constant 0 : i32
      %dma_start3A_29 = tpu.memref_slice %arg2[%dma_start3A_27, %dma_start3A_28] : memref<20000x128xf32, #tpu.memory_space<hbm>> -> memref<20000x128xf32, #tpu.memory_space<hbm>>
      tpu.enqueue_indirect_dma source(%dma_start3A_29 : memref<20000x128xf32, #tpu.memory_space<hbm>>) target(%arg8 : memref<125x128xf32, #tpu.memory_space<vmem>>) offsets(%dma_start3A_26 : memref<125xi32, #tpu.memory_space<vmem>>) semaphore(%arg10 : memref<!tpu.dma_semaphore, #tpu.memory_space<semaphore_mem>>)
      %dma_wait3A = arith.constant 0 : i32
      %dma_wait3A_30 = tpu.memref_slice %arg7[%scan3A_24, %dma_wait3A] : memref<5x125xi32, #tpu.memory_space<vmem>> -> memref<1x125xi32, #tpu.memory_space<vmem>>
      %dma_wait3A_31 = tpu.memref_squeeze %dma_wait3A_30 : memref<1x125xi32, #tpu.memory_space<vmem>> -> memref<125xi32, #tpu.memory_space<vmem>>
      %dma_wait3A_32 = arith.constant 0 : i32
      %dma_wait3A_33 = arith.constant 0 : i32
      %dma_wait3A_34 = tpu.memref_slice %arg2[%dma_wait3A_32, %dma_wait3A_33] : memref<20000x128xf32, #tpu.memory_space<hbm>> -> memref<20000x128xf32, #tpu.memory_space<hbm>>
      tpu.wait_indirect_dma semaphore(%arg10 : memref<!tpu.dma_semaphore, #tpu.memory_space<semaphore_mem>>) src(%dma_wait3A_34 : memref<20000x128xf32, #tpu.memory_space<hbm>>) dst(%arg8 : memref<125x128xf32, #tpu.memory_space<vmem>>)
      "tpu.region"() ({
        %run_scoped3A = tpu.sem_alloc : memref<!tpu.dma_semaphore, #tpu.memory_space<semaphore_mem>>
        %dma_start3A_35 = arith.constant 0 : i32
        %dma_start3A_36 = tpu.memref_slice %arg6[%scan3A_24, %dma_start3A_35] : memref<5x125xi32, #tpu.memory_space<vmem>> -> memref<1x125xi32, #tpu.memory_space<vmem>>
        %dma_start3A_37 = tpu.memref_squeeze %dma_start3A_36 : memref<1x125xi32, #tpu.memory_space<vmem>> -> memref<125xi32, #tpu.memory_space<vmem>>
        %dma_start3A_38 = arith.constant 0 : i32
        %dma_start3A_39 = arith.constant 0 : i32
        %dma_start3A_40 = tpu.memref_slice %arg9[%dma_start3A_38, %dma_start3A_39] : memref<128x128xf32, #tpu.memory_space<vmem_shared>> -> memref<128x128xf32, #tpu.memory_space<vmem_shared>>
        tpu.enqueue_indirect_dma source(%arg8 : memref<125x128xf32, #tpu.memory_space<vmem>>) target(%dma_start3A_40 : memref<128x128xf32, #tpu.memory_space<vmem_shared>>) offsets(%dma_start3A_37 : memref<125xi32, #tpu.memory_space<vmem>>) semaphore(%run_scoped3A : memref<!tpu.dma_semaphore, #tpu.memory_space<semaphore_mem>>) {add = true}
        %dma_wait3A_41 = arith.constant 0 : i32
        %dma_wait3A_42 = tpu.memref_slice %arg6[%scan3A_24, %dma_wait3A_41] : memref<5x125xi32, #tpu.memory_space<vmem>> -> memref<1x125xi32, #tpu.memory_space<vmem>>
        %dma_wait3A_43 = tpu.memref_squeeze %dma_wait3A_42 : memref<1x125xi32, #tpu.memory_space<vmem>> -> memref<125xi32, #tpu.memory_space<vmem>>
        %dma_wait3A_44 = arith.constant 0 : i32
        %dma_wait3A_45 = arith.constant 0 : i32
        %dma_wait3A_46 = tpu.memref_slice %arg9[%dma_wait3A_44, %dma_wait3A_45] : memref<128x128xf32, #tpu.memory_space<vmem_shared>> -> memref<128x128xf32, #tpu.memory_space<vmem_shared>>
        tpu.wait_indirect_dma semaphore(%run_scoped3A : memref<!tpu.dma_semaphore, #tpu.memory_space<semaphore_mem>>) src(%arg8 : memref<125x128xf32, #tpu.memory_space<vmem>>) dst(%dma_wait3A_46 : memref<128x128xf32, #tpu.memory_space<vmem_shared>>)
        tpu.yield
      }) : () -> ()
    }
    %scan3A_15 = arith.constant 5 : i32
    %barrier3A_16 = arith.constant 0 : index
    tpu.barrier barrier_id(%barrier3A_16)
    %mul3A_17 = arith.constant 8 : i32
    %mul3A_18 = arith.muli %arg1, %mul3A_17 : i32
    %mul3A_19 = arith.constant 128 : i32
    %mul3A_20 = arith.muli %arg0, %mul3A_19 : i32
    %mul3A_21 = arith.constant 8 : i32
    %mul3A_22 = arith.muli %arg1, %mul3A_21 : i32
    %add3A_23 = arith.addi %mul3A_20, %mul3A_22 : i32
    "tpu.region"() ({
      %run_scoped3A = tpu.sem_alloc : memref<!tpu.dma_semaphore, #tpu.memory_space<semaphore_mem>>
      %dma_start3A = arith.constant 0 : i32
      %dma_start3A_24 = tpu.memref_slice %arg5[%add3A_23, %dma_start3A] : memref<256x128xf32, #tpu.memory_space<hbm>> -> memref<8x128xf32, #tpu.memory_space<hbm>>
      %dma_start3A_25 = arith.constant 0 : i32
      %dma_start3A_26 = tpu.memref_slice %arg9[%mul3A_18, %dma_start3A_25] : memref<128x128xf32, #tpu.memory_space<vmem_shared>> -> memref<8x128xf32, #tpu.memory_space<vmem_shared>>
      tpu.enqueue_dma source(%dma_start3A_26 : memref<8x128xf32, #tpu.memory_space<vmem_shared>>) target(%dma_start3A_24 : memref<8x128xf32, #tpu.memory_space<hbm>>) target_semaphore(%run_scoped3A : memref<!tpu.dma_semaphore, #tpu.memory_space<semaphore_mem>>)
      %dma_wait3A = arith.constant 0 : i32
      %dma_wait3A_27 = tpu.memref_slice %arg5[%add3A_23, %dma_wait3A] : memref<256x128xf32, #tpu.memory_space<hbm>> -> memref<8x128xf32, #tpu.memory_space<hbm>>
      %dma_wait3A_28 = arith.constant 0 : i32
      %dma_wait3A_29 = tpu.memref_slice %arg9[%mul3A_18, %dma_wait3A_28] : memref<128x128xf32, #tpu.memory_space<vmem_shared>> -> memref<8x128xf32, #tpu.memory_space<vmem_shared>>
      tpu.wait_dma2 semaphore(%run_scoped3A : memref<!tpu.dma_semaphore, #tpu.memory_space<semaphore_mem>>) src(%dma_wait3A_29 : memref<8x128xf32, #tpu.memory_space<vmem_shared>>) dst(%dma_wait3A_27 : memref<8x128xf32, #tpu.memory_space<hbm>>)
      tpu.yield
    }) : () -> ()
    return
  }
}

module attributes {stable_mosaic.version = 14 : i64} {
  func.func @body(%arg0: i32, %arg1: i32, %arg2: memref<5000x128xf32, #tpu.memory_space<vmem>>, %arg3: memref<5000x128xf32, #tpu.memory_space<vmem>>, %arg4: memref<128x128xf32, #tpu.memory_space<vmem>>, %arg5: memref<128x128xf32, #tpu.memory_space<vmem>>, %arg6: memref<5000x128xf32, #tpu.memory_space<vmem>>, %arg7: memref<128x128xf32, #tpu.memory_space<vmem>>, %arg8: memref<5000x128xf32, #tpu.memory_space<vmem>>, %arg9: memref<5000x128xf32, #tpu.memory_space<vmem>>, %arg10: memref<2x128xf32, #tpu.memory_space<vmem>>, %arg11: memref<5000x128xf32, #tpu.memory_space<vmem>>) attributes {dimension_semantics = [#tpu.dimension_semantics<arbitrary>, #tpu.dimension_semantics<arbitrary>], iteration_bounds = array<i64: 2, 2>, scalar_prefetch = 0 : i64, scratch_operands = 0 : i64, tpu.core_type = #tpu.core_type<tc>, window_params = [{transform_indices = @transform_0, window_bounds = array<i64: 5000, 128>}, {transform_indices = @transform_1, window_bounds = array<i64: 5000, 128>}, {transform_indices = @transform_2, window_bounds = array<i64: 128, 128>}, {transform_indices = @transform_3, window_bounds = array<i64: 128, 128>}, {transform_indices = @transform_4, window_bounds = array<i64: 5000, 128>}, {transform_indices = @transform_5, window_bounds = array<i64: 128, 128>}, {transform_indices = @transform_6, window_bounds = array<i64: 5000, 128>}, {transform_indices = @transform_7, window_bounds = array<i64: 5000, 128>}, {pipeline_mode = #tpu.pipeline_mode<synchronous>, transform_indices = @transform_8, window_bounds = array<i64: 2, 128>}, {transform_indices = @transform_9, window_bounds = array<i64: 5000, 128>}]} {
    %get3A = arith.constant 0 : index
    %get3A_0 = arith.constant 0 : index
    %get3A_1 = vector.load %arg8[%get3A, %get3A_0] : memref<5000x128xf32, #tpu.memory_space<vmem>>, vector<5000x1xf32>
    %get3A_2 = arith.constant 0 : index
    %get3A_3 = arith.constant 0 : index
    %get3A_4 = vector.load %arg9[%get3A_2, %get3A_3] : memref<5000x128xf32, #tpu.memory_space<vmem>>, vector<5000x1xf32>
    %add3A = arith.addf %get3A_1, %get3A_4 : vector<5000x1xf32>
    %max3A = arith.constant 1.000000e+00 : f32
    %max3A_5 = vector.broadcast %max3A : f32 to vector<5000x1xf32>
    %max3A_6 = arith.maximumf %add3A, %max3A_5 : vector<5000x1xf32>
    %div3A = arith.constant 1.000000e+00 : f32
    %div3A_7 = vector.broadcast %div3A : f32 to vector<5000x1xf32>
    %div3A_8 = arith.divf %div3A_7, %max3A_6 : vector<5000x1xf32>
    %get3A_9 = arith.constant 0 : index
    %get3A_10 = arith.constant 0 : index
    %get3A_11 = vector.load %arg2[%get3A_9, %get3A_10] : memref<5000x128xf32, #tpu.memory_space<vmem>>, vector<5000x128xf32>
    %get3A_12 = arith.constant 0 : index
    %get3A_13 = arith.constant 0 : index
    %get3A_14 = vector.load %arg4[%get3A_12, %get3A_13] : memref<128x128xf32, #tpu.memory_space<vmem>>, vector<128x128xf32>
    %dot_general3A = arith.constant dense<0.000000e+00> : vector<5000x128xf32>
    %dot_general3A_15 = tpu.matmul %get3A_11, %get3A_14, %dot_general3A {dimension_numbers = #tpu.dot_dimension_numbers<[1], [0], [0], [1], [0, 0, 1, 1], [], []>, transpose_lhs_hint = false} : vector<5000x128xf32>, vector<128x128xf32>, vector<5000x128xf32> -> vector<5000x128xf32>
    %add3A_16 = arith.constant 0.000000e+00 : f32
    %add3A_17 = vector.broadcast %add3A_16 : f32 to vector<5000x128xf32>
    %add3A_18 = arith.addf %add3A_17, %dot_general3A_15 : vector<5000x128xf32>
    %get3A_19 = arith.constant 0 : index
    %get3A_20 = arith.constant 0 : index
    %get3A_21 = vector.load %arg3[%get3A_19, %get3A_20] : memref<5000x128xf32, #tpu.memory_space<vmem>>, vector<5000x128xf32>
    %get3A_22 = arith.constant 0 : index
    %get3A_23 = arith.constant 0 : index
    %get3A_24 = vector.load %arg5[%get3A_22, %get3A_23] : memref<128x128xf32, #tpu.memory_space<vmem>>, vector<128x128xf32>
    %dot_general3A_25 = arith.constant dense<0.000000e+00> : vector<5000x128xf32>
    %dot_general3A_26 = tpu.matmul %get3A_21, %get3A_24, %dot_general3A_25 {dimension_numbers = #tpu.dot_dimension_numbers<[1], [0], [0], [1], [0, 0, 1, 1], [], []>, transpose_lhs_hint = false} : vector<5000x128xf32>, vector<128x128xf32>, vector<5000x128xf32> -> vector<5000x128xf32>
    %add3A_27 = arith.addf %add3A_18, %dot_general3A_26 : vector<5000x128xf32>
    %get3A_28 = arith.constant 0 : index
    %get3A_29 = arith.constant 0 : index
    %get3A_30 = vector.load %arg6[%get3A_28, %get3A_29] : memref<5000x128xf32, #tpu.memory_space<vmem>>, vector<5000x128xf32>
    %get3A_31 = arith.constant 0 : index
    %get3A_32 = arith.constant 0 : index
    %get3A_33 = vector.load %arg7[%get3A_31, %get3A_32] : memref<128x128xf32, #tpu.memory_space<vmem>>, vector<128x128xf32>
    %dot_general3A_34 = arith.constant dense<0.000000e+00> : vector<5000x128xf32>
    %dot_general3A_35 = tpu.matmul %get3A_30, %get3A_33, %dot_general3A_34 {dimension_numbers = #tpu.dot_dimension_numbers<[1], [0], [0], [1], [0, 0, 1, 1], [], []>, transpose_lhs_hint = false} : vector<5000x128xf32>, vector<128x128xf32>, vector<5000x128xf32> -> vector<5000x128xf32>
    %add3A_36 = arith.constant 0.000000e+00 : f32
    %add3A_37 = vector.broadcast %add3A_36 : f32 to vector<5000x128xf32>
    %add3A_38 = arith.addf %add3A_37, %dot_general3A_35 : vector<5000x128xf32>
    %get3A_39 = arith.index_cast %arg1 : i32 to index
    %get3A_40 = arith.constant 0 : index
    %get3A_41 = vector.load %arg10[%get3A_39, %get3A_40] : memref<2x128xf32, #tpu.memory_space<vmem>>, vector<1x128xf32>
    %mul3A = vector.broadcast %div3A_8 : vector<5000x1xf32> to vector<5000x128xf32>
    %mul3A_42 = arith.mulf %add3A_27, %mul3A : vector<5000x128xf32>
    %add3A_43 = vector.broadcast %get3A_41 : vector<1x128xf32> to vector<5000x128xf32>
    %add3A_44 = arith.addf %mul3A_42, %add3A_43 : vector<5000x128xf32>
    %add3A_45 = arith.addf %add3A_44, %add3A_38 : vector<5000x128xf32>
    %max3A_46 = arith.constant 0.000000e+00 : f32
    %max3A_47 = vector.broadcast %max3A_46 : f32 to vector<5000x128xf32>
    %max3A_48 = arith.maximumf %add3A_45, %max3A_47 : vector<5000x128xf32>
    %swap3A = arith.constant 0 : index
    %swap3A_49 = arith.constant 0 : index
    %swap3A_50 = vector.load %arg11[%swap3A, %swap3A_49] : memref<5000x128xf32, #tpu.memory_space<vmem>>, vector<5000x128xf32>
    tpu.vector_store %arg11[%swap3A, %swap3A_49], %max3A_48 {strides = array<i32>} : memref<5000x128xf32, #tpu.memory_space<vmem>>, vector<5000x128xf32>,
    return
  }
  func.func @transform_0(%arg0: i32, %arg1: i32) -> (i32, i32) {
    %c0_i32 = arith.constant 0 : i32
    %c0_i32_0 = arith.constant 0 : i32
    return %arg0, %c0_i32 : i32, i32
  }
  func.func @transform_1(%arg0: i32, %arg1: i32) -> (i32, i32) {
    %c0_i32 = arith.constant 0 : i32
    %c0_i32_0 = arith.constant 0 : i32
    return %arg0, %c0_i32 : i32, i32
  }
  func.func @transform_2(%arg0: i32, %arg1: i32) -> (i32, i32) {
    %c0_i32 = arith.constant 0 : i32
    %c0_i32_0 = arith.constant 0 : i32
    return %c0_i32, %arg1 : i32, i32
  }
  func.func @transform_3(%arg0: i32, %arg1: i32) -> (i32, i32) {
    %c0_i32 = arith.constant 0 : i32
    %c0_i32_0 = arith.constant 0 : i32
    return %c0_i32, %arg1 : i32, i32
  }
  func.func @transform_4(%arg0: i32, %arg1: i32) -> (i32, i32) {
    %c0_i32 = arith.constant 0 : i32
    %c0_i32_0 = arith.constant 0 : i32
    return %arg0, %c0_i32 : i32, i32
  }
  func.func @transform_5(%arg0: i32, %arg1: i32) -> (i32, i32) {
    %c0_i32 = arith.constant 0 : i32
    %c0_i32_0 = arith.constant 0 : i32
    return %c0_i32, %arg1 : i32, i32
  }
  func.func @transform_6(%arg0: i32, %arg1: i32) -> (i32, i32) {
    %c0_i32 = arith.constant 0 : i32
    %c0_i32_0 = arith.constant 0 : i32
    return %arg0, %c0_i32 : i32, i32
  }
  func.func @transform_7(%arg0: i32, %arg1: i32) -> (i32, i32) {
    %c0_i32 = arith.constant 0 : i32
    %c0_i32_0 = arith.constant 0 : i32
    return %arg0, %c0_i32 : i32, i32
  }
  func.func @transform_8(%arg0: i32, %arg1: i32) -> (i32, i32) {
    %c0_i32 = arith.constant 0 : i32
    %c0_i32_0 = arith.constant 0 : i32
    %c0_i32_1 = arith.constant 0 : i32
    return %c0_i32, %c0_i32_0 : i32, i32
  }
  func.func @transform_9(%arg0: i32, %arg1: i32) -> (i32, i32) {
    %mul3A = arith.constant 2 : i32
    %mul3A_0 = arith.muli %arg1, %mul3A : i32
    %add3A = arith.addi %mul3A_0, %arg0 : i32
    %c0_i32 = arith.constant 0 : i32
    %c0_i32_1 = arith.constant 0 : i32
    return %add3A, %c0_i32 : i32, i32
  }
}

module attributes {stable_mosaic.version = 14 : i64} {
  func.func @body(%arg0: i32, %arg1: i32, %arg2: memref<5000x128xf32, #tpu.memory_space<vmem>>, %arg3: memref<5000x128xf32, #tpu.memory_space<vmem>>, %arg4: memref<128x128xf32, #tpu.memory_space<vmem>>, %arg5: memref<128x128xf32, #tpu.memory_space<vmem>>, %arg6: memref<5000x128xf32, #tpu.memory_space<vmem>>, %arg7: memref<5000x128xf32, #tpu.memory_space<vmem>>, %arg8: memref<128x128xf32, #tpu.memory_space<vmem>>, %arg9: memref<128x128xf32, #tpu.memory_space<vmem>>, %arg10: memref<5000x128xf32, #tpu.memory_space<vmem>>, %arg11: memref<5000x128xf32, #tpu.memory_space<vmem>>, %arg12: memref<2x128xf32, #tpu.memory_space<vmem>>, %arg13: memref<5000x128xf32, #tpu.memory_space<vmem>>) attributes {dimension_semantics = [#tpu.dimension_semantics<arbitrary>, #tpu.dimension_semantics<arbitrary>], iteration_bounds = array<i64: 2, 2>, scalar_prefetch = 0 : i64, scratch_operands = 0 : i64, tpu.core_type = #tpu.core_type<tc>, window_params = [{transform_indices = @transform_0, window_bounds = array<i64: 5000, 128>}, {transform_indices = @transform_1, window_bounds = array<i64: 5000, 128>}, {transform_indices = @transform_2, window_bounds = array<i64: 128, 128>}, {transform_indices = @transform_3, window_bounds = array<i64: 128, 128>}, {transform_indices = @transform_4, window_bounds = array<i64: 5000, 128>}, {transform_indices = @transform_5, window_bounds = array<i64: 5000, 128>}, {transform_indices = @transform_6, window_bounds = array<i64: 128, 128>}, {transform_indices = @transform_7, window_bounds = array<i64: 128, 128>}, {transform_indices = @transform_8, window_bounds = array<i64: 5000, 128>}, {transform_indices = @transform_9, window_bounds = array<i64: 5000, 128>}, {pipeline_mode = #tpu.pipeline_mode<synchronous>, transform_indices = @transform_10, window_bounds = array<i64: 2, 128>}, {transform_indices = @transform_11, window_bounds = array<i64: 5000, 128>}]} {
    %get3A = arith.constant 0 : index
    %get3A_0 = arith.constant 0 : index
    %get3A_1 = vector.load %arg10[%get3A, %get3A_0] : memref<5000x128xf32, #tpu.memory_space<vmem>>, vector<5000x1xf32>
    %get3A_2 = arith.constant 0 : index
    %get3A_3 = arith.constant 0 : index
    %get3A_4 = vector.load %arg11[%get3A_2, %get3A_3] : memref<5000x128xf32, #tpu.memory_space<vmem>>, vector<5000x1xf32>
    %add3A = arith.addf %get3A_1, %get3A_4 : vector<5000x1xf32>
    %max3A = arith.constant 1.000000e+00 : f32
    %max3A_5 = vector.broadcast %max3A : f32 to vector<5000x1xf32>
    %max3A_6 = arith.maximumf %add3A, %max3A_5 : vector<5000x1xf32>
    %div3A = arith.constant 1.000000e+00 : f32
    %div3A_7 = vector.broadcast %div3A : f32 to vector<5000x1xf32>
    %div3A_8 = arith.divf %div3A_7, %max3A_6 : vector<5000x1xf32>
    %get3A_9 = arith.constant 0 : index
    %get3A_10 = arith.constant 0 : index
    %get3A_11 = vector.load %arg2[%get3A_9, %get3A_10] : memref<5000x128xf32, #tpu.memory_space<vmem>>, vector<5000x128xf32>
    %get3A_12 = arith.constant 0 : index
    %get3A_13 = arith.constant 0 : index
    %get3A_14 = vector.load %arg4[%get3A_12, %get3A_13] : memref<128x128xf32, #tpu.memory_space<vmem>>, vector<128x128xf32>
    %dot_general3A = arith.constant dense<0.000000e+00> : vector<5000x128xf32>
    %dot_general3A_15 = tpu.matmul %get3A_11, %get3A_14, %dot_general3A {dimension_numbers = #tpu.dot_dimension_numbers<[1], [0], [0], [1], [0, 0, 1, 1], [], []>, transpose_lhs_hint = false} : vector<5000x128xf32>, vector<128x128xf32>, vector<5000x128xf32> -> vector<5000x128xf32>
    %add3A_16 = arith.constant 0.000000e+00 : f32
    %add3A_17 = vector.broadcast %add3A_16 : f32 to vector<5000x128xf32>
    %add3A_18 = arith.addf %add3A_17, %dot_general3A_15 : vector<5000x128xf32>
    %get3A_19 = arith.constant 0 : index
    %get3A_20 = arith.constant 0 : index
    %get3A_21 = vector.load %arg3[%get3A_19, %get3A_20] : memref<5000x128xf32, #tpu.memory_space<vmem>>, vector<5000x128xf32>
    %get3A_22 = arith.constant 0 : index
    %get3A_23 = arith.constant 0 : index
    %get3A_24 = vector.load %arg5[%get3A_22, %get3A_23] : memref<128x128xf32, #tpu.memory_space<vmem>>, vector<128x128xf32>
    %dot_general3A_25 = arith.constant dense<0.000000e+00> : vector<5000x128xf32>
    %dot_general3A_26 = tpu.matmul %get3A_21, %get3A_24, %dot_general3A_25 {dimension_numbers = #tpu.dot_dimension_numbers<[1], [0], [0], [1], [0, 0, 1, 1], [], []>, transpose_lhs_hint = false} : vector<5000x128xf32>, vector<128x128xf32>, vector<5000x128xf32> -> vector<5000x128xf32>
    %add3A_27 = arith.addf %add3A_18, %dot_general3A_26 : vector<5000x128xf32>
    %get3A_28 = arith.constant 0 : index
    %get3A_29 = arith.constant 0 : index
    %get3A_30 = vector.load %arg6[%get3A_28, %get3A_29] : memref<5000x128xf32, #tpu.memory_space<vmem>>, vector<5000x128xf32>
    %get3A_31 = arith.constant 0 : index
    %get3A_32 = arith.constant 0 : index
    %get3A_33 = vector.load %arg8[%get3A_31, %get3A_32] : memref<128x128xf32, #tpu.memory_space<vmem>>, vector<128x128xf32>
    %dot_general3A_34 = arith.constant dense<0.000000e+00> : vector<5000x128xf32>
    %dot_general3A_35 = tpu.matmul %get3A_30, %get3A_33, %dot_general3A_34 {dimension_numbers = #tpu.dot_dimension_numbers<[1], [0], [0], [1], [0, 0, 1, 1], [], []>, transpose_lhs_hint = false} : vector<5000x128xf32>, vector<128x128xf32>, vector<5000x128xf32> -> vector<5000x128xf32>
    %add3A_36 = arith.constant 0.000000e+00 : f32
    %add3A_37 = vector.broadcast %add3A_36 : f32 to vector<5000x128xf32>
    %add3A_38 = arith.addf %add3A_37, %dot_general3A_35 : vector<5000x128xf32>
    %get3A_39 = arith.constant 0 : index
    %get3A_40 = arith.constant 0 : index
    %get3A_41 = vector.load %arg7[%get3A_39, %get3A_40] : memref<5000x128xf32, #tpu.memory_space<vmem>>, vector<5000x128xf32>
    %get3A_42 = arith.constant 0 : index
    %get3A_43 = arith.constant 0 : index
    %get3A_44 = vector.load %arg9[%get3A_42, %get3A_43] : memref<128x128xf32, #tpu.memory_space<vmem>>, vector<128x128xf32>
    %dot_general3A_45 = arith.constant dense<0.000000e+00> : vector<5000x128xf32>
    %dot_general3A_46 = tpu.matmul %get3A_41, %get3A_44, %dot_general3A_45 {dimension_numbers = #tpu.dot_dimension_numbers<[1], [0], [0], [1], [0, 0, 1, 1], [], []>, transpose_lhs_hint = false} : vector<5000x128xf32>, vector<128x128xf32>, vector<5000x128xf32> -> vector<5000x128xf32>
    %add3A_47 = arith.addf %add3A_38, %dot_general3A_46 : vector<5000x128xf32>
    %get3A_48 = arith.index_cast %arg1 : i32 to index
    %get3A_49 = arith.constant 0 : index
    %get3A_50 = vector.load %arg12[%get3A_48, %get3A_49] : memref<2x128xf32, #tpu.memory_space<vmem>>, vector<1x128xf32>
    %mul3A = vector.broadcast %div3A_8 : vector<5000x1xf32> to vector<5000x128xf32>
    %mul3A_51 = arith.mulf %add3A_27, %mul3A : vector<5000x128xf32>
    %add3A_52 = vector.broadcast %get3A_50 : vector<1x128xf32> to vector<5000x128xf32>
    %add3A_53 = arith.addf %mul3A_51, %add3A_52 : vector<5000x128xf32>
    %add3A_54 = arith.addf %add3A_53, %add3A_47 : vector<5000x128xf32>
    %max3A_55 = arith.constant 0.000000e+00 : f32
    %max3A_56 = vector.broadcast %max3A_55 : f32 to vector<5000x128xf32>
    %max3A_57 = arith.maximumf %add3A_54, %max3A_56 : vector<5000x128xf32>
    %swap3A = arith.constant 0 : index
    %swap3A_58 = arith.constant 0 : index
    %swap3A_59 = vector.load %arg13[%swap3A, %swap3A_58] : memref<5000x128xf32, #tpu.memory_space<vmem>>, vector<5000x128xf32>
    tpu.vector_store %arg13[%swap3A, %swap3A_58], %max3A_57 {strides = array<i32>} : memref<5000x128xf32, #tpu.memory_space<vmem>>, vector<5000x128xf32>,
    return
  }
  func.func @transform_0(%arg0: i32, %arg1: i32) -> (i32, i32) {
    %c0_i32 = arith.constant 0 : i32
    %c0_i32_0 = arith.constant 0 : i32
    return %arg0, %c0_i32 : i32, i32
  }
  func.func @transform_1(%arg0: i32, %arg1: i32) -> (i32, i32) {
    %c0_i32 = arith.constant 0 : i32
    %c0_i32_0 = arith.constant 0 : i32
    return %arg0, %c0_i32 : i32, i32
  }
  func.func @transform_2(%arg0: i32, %arg1: i32) -> (i32, i32) {
    %c0_i32 = arith.constant 0 : i32
    %c0_i32_0 = arith.constant 0 : i32
    return %c0_i32, %arg1 : i32, i32
  }
  func.func @transform_3(%arg0: i32, %arg1: i32) -> (i32, i32) {
    %c0_i32 = arith.constant 0 : i32
    %c0_i32_0 = arith.constant 0 : i32
    return %c0_i32, %arg1 : i32, i32
  }
  func.func @transform_4(%arg0: i32, %arg1: i32) -> (i32, i32) {
    %c0_i32 = arith.constant 0 : i32
    %c0_i32_0 = arith.constant 0 : i32
    return %arg0, %c0_i32 : i32, i32
  }
  func.func @transform_5(%arg0: i32, %arg1: i32) -> (i32, i32) {
    %c0_i32 = arith.constant 0 : i32
    %c0_i32_0 = arith.constant 0 : i32
    return %arg0, %c0_i32 : i32, i32
  }
  func.func @transform_6(%arg0: i32, %arg1: i32) -> (i32, i32) {
    %c0_i32 = arith.constant 0 : i32
    %c0_i32_0 = arith.constant 0 : i32
    return %c0_i32, %arg1 : i32, i32
  }
  func.func @transform_7(%arg0: i32, %arg1: i32) -> (i32, i32) {
    %c0_i32 = arith.constant 0 : i32
    %c0_i32_0 = arith.constant 0 : i32
    return %c0_i32, %arg1 : i32, i32
  }
  func.func @transform_8(%arg0: i32, %arg1: i32) -> (i32, i32) {
    %c0_i32 = arith.constant 0 : i32
    %c0_i32_0 = arith.constant 0 : i32
    return %arg0, %c0_i32 : i32, i32
  }
  func.func @transform_9(%arg0: i32, %arg1: i32) -> (i32, i32) {
    %c0_i32 = arith.constant 0 : i32
    %c0_i32_0 = arith.constant 0 : i32
    return %arg0, %c0_i32 : i32, i32
  }
  func.func @transform_10(%arg0: i32, %arg1: i32) -> (i32, i32) {
    %c0_i32 = arith.constant 0 : i32
    %c0_i32_0 = arith.constant 0 : i32
    %c0_i32_1 = arith.constant 0 : i32
    return %c0_i32, %c0_i32_0 : i32, i32
  }
  func.func @transform_11(%arg0: i32, %arg1: i32) -> (i32, i32) {
    %mul3A = arith.constant 2 : i32
    %mul3A_0 = arith.muli %arg1, %mul3A : i32
    %add3A = arith.addi %mul3A_0, %arg0 : i32
    %c0_i32 = arith.constant 0 : i32
    %c0_i32_1 = arith.constant 0 : i32
    return %add3A, %c0_i32 : i32, i32
  }
}

module attributes {stable_mosaic.version = 14 : i64} {
  func.func @_head_body(%arg0: memref<128x128xf32, #tpu.memory_space<vmem>>, %arg1: memref<128x128xf32, #tpu.memory_space<vmem>>, %arg2: memref<128x256xf32, #tpu.memory_space<vmem>>, %arg3: memref<128x256xf32, #tpu.memory_space<vmem>>, %arg4: memref<1x256xf32, #tpu.memory_space<vmem>>, %arg5: memref<256x128xf32, #tpu.memory_space<vmem>>, %arg6: memref<1x128xf32, #tpu.memory_space<vmem>>, %arg7: memref<128x128xf32, #tpu.memory_space<vmem>>) attributes {dimension_semantics = [], scalar_prefetch = 0 : i64, scratch_operands = 0 : i64, tpu.core_type = #tpu.core_type<tc>} {
    %get3A = arith.constant 0 : index
    %get3A_0 = arith.constant 0 : index
    %get3A_1 = vector.load %arg0[%get3A, %get3A_0] : memref<128x128xf32, #tpu.memory_space<vmem>>, vector<128x128xf32>
    %get3A_2 = arith.constant 0 : index
    %get3A_3 = arith.constant 0 : index
    %get3A_4 = vector.load %arg2[%get3A_2, %get3A_3] : memref<128x256xf32, #tpu.memory_space<vmem>>, vector<128x256xf32>
    %dot_general3A = arith.constant dense<0.000000e+00> : vector<128x256xf32>
    %dot_general3A_5 = tpu.matmul %get3A_1, %get3A_4, %dot_general3A {dimension_numbers = #tpu.dot_dimension_numbers<[1], [0], [0], [1], [0, 0, 1, 1], [], []>, transpose_lhs_hint = false} : vector<128x128xf32>, vector<128x256xf32>, vector<128x256xf32> -> vector<128x256xf32>
    %get3A_6 = arith.constant 0 : index
    %get3A_7 = arith.constant 0 : index
    %get3A_8 = vector.load %arg1[%get3A_6, %get3A_7] : memref<128x128xf32, #tpu.memory_space<vmem>>, vector<128x128xf32>
    %get3A_9 = arith.constant 0 : index
    %get3A_10 = arith.constant 0 : index
    %get3A_11 = vector.load %arg3[%get3A_9, %get3A_10] : memref<128x256xf32, #tpu.memory_space<vmem>>, vector<128x256xf32>
    %dot_general3A_12 = arith.constant dense<0.000000e+00> : vector<128x256xf32>
    %dot_general3A_13 = tpu.matmul %get3A_8, %get3A_11, %dot_general3A_12 {dimension_numbers = #tpu.dot_dimension_numbers<[1], [0], [0], [1], [0, 0, 1, 1], [], []>, transpose_lhs_hint = false} : vector<128x128xf32>, vector<128x256xf32>, vector<128x256xf32> -> vector<128x256xf32>
    %add3A = arith.addf %dot_general3A_5, %dot_general3A_13 : vector<128x256xf32>
    %get3A_14 = arith.constant 0 : index
    %get3A_15 = arith.constant 0 : index
    %get3A_16 = vector.load %arg4[%get3A_14, %get3A_15] : memref<1x256xf32, #tpu.memory_space<vmem>>, vector<1x256xf32>
    %add3A_17 = vector.broadcast %get3A_16 : vector<1x256xf32> to vector<128x256xf32>
    %add3A_18 = arith.addf %add3A, %add3A_17 : vector<128x256xf32>
    %max3A = arith.constant 0.000000e+00 : f32
    %max3A_19 = vector.broadcast %max3A : f32 to vector<128x256xf32>
    %max3A_20 = arith.maximumf %add3A_18, %max3A_19 : vector<128x256xf32>
    %get3A_21 = arith.constant 0 : index
    %get3A_22 = arith.constant 0 : index
    %get3A_23 = vector.load %arg5[%get3A_21, %get3A_22] : memref<256x128xf32, #tpu.memory_space<vmem>>, vector<256x128xf32>
    %dot_general3A_24 = arith.constant dense<0.000000e+00> : vector<128x128xf32>
    %dot_general3A_25 = tpu.matmul %max3A_20, %get3A_23, %dot_general3A_24 {dimension_numbers = #tpu.dot_dimension_numbers<[1], [0], [0], [1], [0, 0, 1, 1], [], []>, transpose_lhs_hint = false} : vector<128x256xf32>, vector<256x128xf32>, vector<128x128xf32> -> vector<128x128xf32>
    %get3A_26 = arith.constant 0 : index
    %get3A_27 = arith.constant 0 : index
    %get3A_28 = vector.load %arg6[%get3A_26, %get3A_27] : memref<1x128xf32, #tpu.memory_space<vmem>>, vector<1x128xf32>
    %add3A_29 = vector.broadcast %get3A_28 : vector<1x128xf32> to vector<128x128xf32>
    %add3A_30 = arith.addf %dot_general3A_25, %add3A_29 : vector<128x128xf32>
    %swap3A = arith.constant 0 : index
    %swap3A_31 = arith.constant 0 : index
    %swap3A_32 = vector.load %arg7[%swap3A, %swap3A_31] : memref<128x128xf32, #tpu.memory_space<vmem>>, vector<128x128xf32>
    tpu.vector_store %arg7[%swap3A, %swap3A_31], %add3A_30 {strides = array<i32>} : memref<128x128xf32, #tpu.memory_space<vmem>>, vector<128x128xf32>,
    return
  }
}

</mosaic_0001>

<sc_bundles>
// kernel: kernel.11.cloned.1.call-start
scs
__scs_entry_jumppad:
0x0: {  	(pc) =	sbr.rel $0x88, $3  }
0x1: {  	(tag) =	ssettag $0x0;
	lr =	simm.s32 $0x1  }
0x2: {  	[smem:$0x3F91] =	sst lr;
	_ =	strace $0xD0000000  }
0x3: {  	_ = 	snop  }
0x4: {  	_ = 	snop  }
0x5: {  	_ = 	snop  }
0x6: {  	_ = 	snop  }
0x7: {  	_ = 	snop  }
__scs_overlays_trampoline_lowered:
0x8: {  	[smem:$0x3FA0] =	sst s0  }
0x9: {  	[smem:$0x3FA1] =	sst s1  }
0xa: {  	[smem:$0x3FA2] =	sst s2  }
0xb: {  	[smem:$0x3FA3] =	sst s3  }
0xc: {  	[smem:$0x3FA4] =	sst s4  }
0xd: {  	[smem:$0x3FA5] =	sst s5  }
0xe: {  	[smem:$0x3FA6] =	sst s6  }
0xf: {  	[smem:$0x3FA7] =	sst s7  }
0x10: {  	[smem:$0x3FA8] =	sst s8  }
0x11: {  	[smem:$0x3FA9] =	sst s9;
	s0 =	simm.s32 @!p0 $0x0  }
0x12: {  	s1 =	sld [smem:$0x3F8F];
	s0 =	simm.s32 @p0 $0x1  }
0x13: {  	[smem:$0x3FAA] =	sst s0;
	s0 =	simm.s32 @!p1 $0x0  }
0x14: {  	s2 =	sld [smem:$0x3F8E];
	s0 =	simm.s32 @p1 $0x1  }
0x15: {  	[smem:$0x3FAB] =	sst s0;
	s0 =	simm.s32 @!p2 $0x0  }
0x16: {  	s3 =	sld [smem:$0x3FDB];
	s0 =	simm.s32 @p2 $0x1  }
0x17: {  	s4 =	simm.s32 $0x1BF5;
	[smem:$0x3FAD] =	sst s0  }
0x18: {  	s0 =	sld [smem:$0x3F90];
	_ =	swait.ge [sflag:s4], $0x0  }
0x19: {  	s7 =	sld [smem:$0x3F91]  }
0x1a: {  	s8 =	sadd.s32 $0xFFFFE003, lr  }
0x1b: {  	s9 =	sadd.s32 $0xFFFFFEF7, lr;
	s5 =	simm.s32 $0xFFFFFFFF;
	p2 =	slt.u32 s8, $0xFFFFF086  }
0x1c: {  	p1 =	slt.u32 s9, $0xF7A;
	s5 =	simm.s32 @!p2 $0x0  }
0x1d: {  	s5 =	simm.s32 @p1 $0x1;
	p0 =	seq.s32 s7, s2  }
0x1e: {  	s7 =	smul.u32 @!p0 $0xF7A, s2;
	p2 =	seq.s32 @!p0 s5, $0x0  }
0x1f: {  	s9 =	smul.u32 $0xF7A, s1;
	s8 =	simm.s32 @!p0 $0x1BF5;
	p2 =	por !p2, p0  }
0x20: {  	[sflag:s8] =	ssyncset.s32 @!p0 $0xFFFFF086;
	s6 =	sadd.s32 @!p0 s3, s7;
	s7 =	simm.s32 @!p0 $0x108  }
0x21: {  	s3 =	sadd.s32 s3, s9;
	s6 =	sadd.s32 @!p0 $0x88, s6;
	s7 =	simm.s32 @p2 $0x1082  }
0x22: {  	[simem:s7], [sflag:s8] =	dma.local @!p0 [hbm:s6], $0xF7A  }
0x23: {  	s9 =	sor.u32 $0xD0000000, s2;
	s6 =	simm.s32 $0x108;
	_ =	swait.ge @!p0 [sflag:s8], $0x0  }
0x24: {  	s3 =	sadd.s32 $0x88, s3;
	s6 =	simm.s32 @!p1 $0x1082;
	[sflag:s4] =	ssyncset.s32 $0xFFFFF086  }
0x25: {  	[simem:s6], [sflag:s4] =	dma.local [hbm:s3], $0xF7A  }
0x26: {  	[smem:$0x3F91] =	sst s1;
	(tag) =	ssettag s2;
	_ =	strace s9  }
0x27: {  	s1 =	sld [smem:$0x3FA1]  }
0x28: {  	s2 =	sld [smem:$0x3FA2]  }
0x29: {  	s4 =	sld [smem:$0x3FA4]  }
0x2a: {  	p0 =	seq.s32 s5, $0x0;
	s5 =	sld [smem:$0x3FA5]  }
0x2b: {  	s6 =	sld [smem:$0x3FA6]  }
0x2c: {  	s7 =	sld [smem:$0x3FA7]  }
0x2d: {  	s3 =	simm.s32 $0x108;
	s8 =	sld [smem:$0x3FA8]  }
0x2e: {  	s3 =	simm.s32 @!p0 $0x1082;
	s9 =	sld [smem:$0x3FA9]  }
0x2f: {  	lr =	sadd.s32 s0, s3;
	s0 =	sld [smem:$0x3FA0]  }
0x30: {  	s3 =	sld [smem:$0x3FA3]  }
0x31: {  	[smem:$0x3FAC] =	sst s10  }
0x32: {  	s10 =	sld [smem:$0x3FAA];
	_ =	sdelay $0x3  }
0x33: {  	p0 =	seq.s32 s10, $0x1;
	s10 =	sld [smem:$0x3FAC];
	_ =	sdelay $0x3  }
0x34: {  	[smem:$0x3FAC] =	sst s10  }
0x35: {  	s10 =	sld [smem:$0x3FAB];
	_ =	sdelay $0x3  }
0x36: {  	p1 =	seq.s32 s10, $0x1;
	s10 =	sld [smem:$0x3FAC];
	_ =	sdelay $0x3  }
0x37: {  	[smem:$0x3FAC] =	sst s10  }
0x38: {  	s10 =	sld [smem:$0x3FAD]  }
0x39: {  	_ = 	snop;
	(pc) =	sbr.ind lr, $3  }
0x3a: {  	_ = 	snop  }
0x3b: {  	_ = 	snop  }
0x3c: {  	p2 =	seq.s32 s10, $0x1;
	s10 =	sld [smem:$0x3FAC]  }
0x3d: {  	_ =	shalt  }
0x3e: {  	_ =	shalt  }
0x3f: {  	_ =	shalt  }
0x40: {  	_ =	shalt  }
0x41: {  	_ =	shalt  }
0x42: {  	_ =	shalt  }
0x43: {  	_ =	shalt  }
0x44: {  	_ =	shalt  }
0x45: {  	_ =	shalt  }
0x46: {  	_ =	shalt  }
0x47: {  	_ =	shalt  }
0x48: {  	_ =	shalt  }
0x49: {  	_ =	shalt  }
0x4a: {  	_ =	shalt  }
0x4b: {  	_ =	shalt  }
0x4c: {  	_ =	shalt  }
0x4d: {  	_ =	shalt  }
0x4e: {  	_ =	shalt  }
0x4f: {  	_ =	shalt  }
0x50: {  	_ =	shalt  }
0x51: {  	_ =	shalt  }
0x52: {  	_ =	shalt  }
0x53: {  	_ =	shalt  }
0x54: {  	_ =	shalt  }
0x55: {  	_ =	shalt  }
0x56: {  	_ =	shalt  }
0x57: {  	_ =	shalt  }
0x58: {  	_ =	shalt  }
0x59: {  	_ =	shalt  }
0x5a: {  	_ =	shalt  }
0x5b: {  	_ =	shalt  }
0x5c: {  	_ =	shalt  }
0x5d: {  	_ =	shalt  }
0x5e: {  	_ =	shalt  }
0x5f: {  	_ =	shalt  }
0x60: {  	_ =	shalt  }
0x61: {  	_ =	shalt  }
0x62: {  	_ =	shalt  }
0x63: {  	_ =	shalt  }
0x64: {  	_ =	shalt  }
0x65: {  	_ =	shalt  }
0x66: {  	_ =	shalt  }
0x67: {  	_ =	shalt  }
0x68: {  	_ =	shalt  }
0x69: {  	_ =	shalt  }
0x6a: {  	_ =	shalt  }
0x6b: {  	_ =	shalt  }
0x6c: {  	_ =	shalt  }
0x6d: {  	_ =	shalt  }
0x6e: {  	_ =	shalt  }
0x6f: {  	_ =	shalt  }
0x70: {  	_ =	shalt  }
0x71: {  	_ =	shalt  }
0x72: {  	_ =	shalt  }
0x73: {  	_ =	shalt  }
0x74: {  	_ =	shalt  }
0x75: {  	_ =	shalt  }
0x76: {  	_ =	shalt  }
0x77: {  	_ =	shalt  }
0x78: {  	_ =	shalt  }
0x79: {  	_ =	shalt  }
0x7a: {  	_ =	shalt  }
0x7b: {  	_ =	shalt  }
0x7c: {  	_ =	shalt  }
0x7d: {  	_ =	shalt  }
0x7e: {  	_ =	shalt  }
0x7f: {  	_ =	shalt  }
0x80: {  	_ =	shalt  }
0x81: {  	_ =	shalt  }
0x82: {  	_ =	shalt  }
0x83: {  	_ =	shalt  }
0x84: {  	_ =	shalt  }
0x85: {  	_ =	shalt  }
0x86: {  	_ =	shalt  }
0x87: {  	_ =	shalt  }
.Lfunc_end0:
.L_simem_size_0:
called_computation_lowered:
.L_overlay_start_0:
0x88: {  	s2 =	sld [smem:$0x3FD9]  }
0x89: {  	s3 =	sld [smem:$0x3FFE];
	_ =	sdelay $0x1  }
0x8a: {  	s1 =	srdreg.scid  }
0x8b: {  	s0 =	sand.u32 $0x1, s1  }
0x8c: {  	s16 =	sshll.u32 s0, $0xA;
	s2 =	sadd.s32 s3, s2  }
0x8d: {  	s2 =	sadd.s32 s2, s16  }
0x8e: {  	[smem:$0x3FB8] =	sst s2  }
0x8f: {  	_ = 	snop  }
0x90: {  	(tm) =	ssettm $0x1  }
0x91: {  	s17 =	sld [smem:$0x3FFB];
	_ =	sdelay $0x3  }
0x92: {  	_ =	strace s17  }
0x93: {  	s2 =	sld [smem:$0x3FFC];
	_ =	sdelay $0x3  }
0x94: {  	_ =	strace s2  }
0x95: {  	s2 =	sld [smem:$0x3FFD];
	_ =	sdelay $0x3  }
0x96: {  	_ =	strace s2  }
0x97: {  	_ =	strace $0x8FFFFFFF  }
0x98: {  	s18 =	sld [smem:$0x3FDB];
	_ =	sdelay $0x1  }
0x99: {  	s19 =	simm.s32 $_scs_section_size  }
0x9a: {  	s4 =	simm.s32 $_size__tile_overlayer_lowered;
	s5 =	simm.s32 $_tile_overlayer_lowered  }
0x9b: {  	s22 =	simm.s32 $0x1BFF;
	s21 =	sshll.u32 s5, $0x1;
	s2 =	sadd.s32 s19, s18  }
0x9c: {  	s6 =	simm.s32 $0x0;
	s20 =	sshll.u32 s4, $0x1;
	s4 =	sadd.s32 s21, s2  }
0x9d: {  	[timem:s6], [sflag:s22] =	dma.local [hbm:s4], s20  }
0x9e: {  	_ =	swait.ge [sflag:s22], s20  }
0x9f: {  	s3 =	ssub.s32 $0x0, s20;
	[sflag:s22] =	ssyncset.done $0x0  }
0xa0: {  	[sflag:s22] =	ssyncadd.s32 s3;
	_ =	sdelay $0x1  }
0xa1: {  	s23 =	simm.s32 $0x1B8B  }
0xa2: {  	_ =	swait.ge [sflag:s23], $0x1  }
0xa3: {  	[sflag:s23] =	ssyncset.done $0x0  }
0xa4: {  	s25 =	simm.s32 $0x1B8E;
	s24 =	sld [smem:$0x3FFE];
	[sflag:s23] =	ssyncadd.s32 $0xFFFFFFFF  }
0xa5: {  	s26 =	simm.s32 $execute0_lowered;
	[smem:$0x3FD2] =	sst s25  }
0xa6: {  	s4 =	sshll.u32 s26, $0x1;
	_ =	strace $0x80000046;
	[dreg:$0x1] =	wrdreg $0xFFFFFFFF  }
0xa7: {  	s28 =	simm.s32 $_size_execute0_lowered;
	s2 =	sadd.s32 s2, s4;
	[dreg:$0x0] =	wrdreg $0x0  }
0xa8: {  	s4 =	sshll.u32 s28, $0x1;
	[dreg:$0x2] =	wrdreg s2  }
0xa9: {  	[dreg:$0x3] =	wrdreg s4  }
0xaa: {  	[dreg:$0x4] =	wrdreg $0xC0  }
0xab: {  	_ =	task [dreg:s6], $0x5FFFF  }
0xac: {  	[dreg:$0x1] =	wrdreg $0xFFFFFFFF  }
0xad: {  	[dreg:$0x0] =	wrdreg $0x60  }
0xae: {  	[dreg:$0x2] =	wrdreg s24  }
0xaf: {  	[dreg:$0x3] =	wrdreg $0xA8000  }
0xb0: {  	[dreg:$0x4] =	wrdreg $0x9  }
0xb1: {  	_ =	task.clear_ibuf [dreg:s6], $0x5FFFF;
	_ =	strace $0x90000046  }
0xb2: {  	s29 =	simm.s32 $0x9;
	_ =	strace $0x80000048  }
0xb3: {  	_ =	swait.ge [sflag:s29], $0x1  }
0xb4: {  	[sflag:s29] =	ssyncadd.s32 $0xFFFFFFFF  }
0xb5: {  	_ =	strace $0x90000048  }
0xb6: {  	_ =	sfence  }
0xb7: {  	s30 =	sld [smem:$0x0];
	_ =	sdelay $0x2  }
0xb8: {  	s31 =	sshll.u32 s1, $0xD;
	s1 =	sshrl.u32 s1, $0x2  }
0xb9: {  	s3 =	sand.u32 $0x4000, s31;
	s1 =	sadd.s32 s1, s30  }
0xba: {  	s0 =	sor.u32 s3, s0;
	s1 =	sshll.u32 s1, $0x11  }
0xbb: {  	s0 =	sor.u32 s1, s0  }
0xbc: {  	s0 =	sadd.s32 $0x8F2B, s0  }
0xbd: {  	[sflag:s0] =	ssyncadd.remote.s32 $0x1  }
0xbe: {  	_ =	sfence.sel $0xFFFF  }
0xbf: {  	[dreg:$0x0] =	wrdreg $0xFFFFFFFF;
	(pc) =	sbr.abs _section_cstart, $3  }
0xc0: {  	[dreg:$0x1] =	wrdreg $0xFFFFFFFF  }
0xc1: {  	_ =	task.clear_ibuf [dreg:s6], $0x2FFFF;
	_ =	strace $0x9FFFFFFF  }
0xc2: {  	(tm) =	ssettm $0x7FFFFFFF  }
0xc3: {  	_ =	shalt  }
tec
execute0_lowered:
.L_overlay_start_1:
0x0: {  	(tag) =	ssettag $0x1  }
0x1: {  	s0 =	srdreg.scid;
	s6 =	rddreg [dreg:$0x0]  }
0x2: {  	s2 =	rddreg [dreg:$0x1];
	s3 =	simm.s32 $0x0;
	s14 =	simm.s32 $0x2800  }
0x3: {  	s15 =	simm.s32 $0x3;
	s16 =	simm.s32 $0x1400;
	s17 =	simm.s32 $0x80  }
0x4: {  	s18 =	simm.s32 $0x6800;
	s19 =	simm.s32 $0x1;
	s20 =	simm.s32 $0x2  }
0x5: {  	s21 =	simm.s32 $0x2700;
	s5 =	sand.u32 $0x1, s0;
	s0 =	stileid.u32  }
0x6: {  	s22 =	simm.s32 $0x2780;
	[smem:$0x7FF] =	sst s3;
	s8 =	smul.u32 $0x2800, s0  }
0x7: {  	s4 =	sadd.s32 $0x5800, s6;
	s1 =	sshll.u32 s5, $0x4;
	s9 =	smul.u32 $0x28000, s5  }
0x8: {  	s10 =	smul.u32 $0x50000, s0;
	s29 =	ssub.s32 $0x2, s5;
	s1 =	sor.u32 s0, s1  }
0x9: {  	s31 =	sshrl.u32 s29, $0x1;
	s7 =	smul.u32 $0x280, s1;
	s1 =	rddreg [dreg:$0x2]  }
0xa: {  	_ =	strace $0x80000047;
	s28 =	sadd.s32 s8, s9;
	s30 =	sshrl.u32 s10, $0x2  }
0xb: {  	s13 =	ssub.s32 s29, s31;
	s12 =	sadd.s32 s28, s6;
	s5 =	sadd.s32 s30, s2  }
0xc: {  	s13 =	smax.u32 s13, $0x1;
	s11 =	sadd.s32 s7, s6;
	s6 =	sadd.s32 $0x4000, s5  }
0xd: {  	s7 =	sadd.s32 $0x8000, s5;
	s8 =	sadd.s32 $0xC000, s5;
	s9 =	sadd.s32 $0x10000, s5  }
0xe: {  	v0 =	vimm.f32 $0.0e+00;
	s12 =	sadd.s32 $0x5DA00, s12;
	s10 =	sadd.s32 $0x58A00, s11;
	s11 =	sadd.s32 $0x53A00, s11  }
.LBB2_1:
0xf: {  	s23 =	simm.s32 $0x0;
	s24 =	simm.s32 $0x200  }
.LBB2_2:
0x10: {  	p0 =	sne.s32 s24, $0xFE00;
	[tilespmem:s23+$0x2870] =	vst v0  }
0x11: {  	[tilespmem:s23+$0x2800] =	vst v0  }
0x12: {  	[tilespmem:s23+$0x2810] =	vst v0  }
.Ltmp0:
0x13: {  	[tilespmem:s23+$0x2820] =	vst v0;
	(pc) =	sbr.rel @p0 .LBB2_2-.Ltmp0, $4  }
0x14: {  	[tilespmem:s23+$0x2830] =	vst v0  }
0x15: {  	[tilespmem:s23+$0x2840] =	vst v0  }
0x16: {  	[tilespmem:s23+$0x2850] =	vst v0  }
0x17: {  	[tilespmem:s23+$0x2860] =	vst v0;
	s23 =	sshra.s32 s24, $0x2;
	s24 =	sadd.s32 $0x200, s24  }
0x18: {  	[tilespmem:s23+$0x2870] =	vst v0  }
0x19: {  	[tilespmem:s23+$0x2800] =	vst v0  }
0x1a: {  	[tilespmem:s23+$0x2810] =	vst v0  }
0x1b: {  	[tilespmem:s23+$0x2820] =	vst v0  }
0x1c: {  	[tilespmem:s23+$0x2830] =	vst v0  }
0x1d: {  	[tilespmem:s23+$0x2840] =	vst v0  }
0x1e: {  	[tilespmem:s23+$0x2850] =	vst v0  }
0x1f: {  	[tilespmem:s23+$0x2860] =	vst v0  }
0x20: {  	[spmem:s5] =	stream.linear.scatter [tilespmem:s14], [sflag:$0x3], $0x4000, $0x38;
	[tilespmem:$0x1E800] =	vst v63  }
0x21: {  	_ =	swait.ge [sflag:s15], $0x4000  }
0x22: {  	[sflag:s15] =	ssyncset.done $0x0  }
0x23: {  	[sflag:s15] =	ssyncadd.s32 $0xFFFFC000  }
0x24: {  	[spmem:s6] =	stream.linear.scatter [tilespmem:s14], [sflag:$0x3], $0x4000, $0x38;
	[tilespmem:$0x1E800] =	vst v63  }
0x25: {  	_ =	swait.ge [sflag:s15], $0x4000  }
0x26: {  	[sflag:s15] =	ssyncset.done $0x0  }
0x27: {  	[sflag:s15] =	ssyncadd.s32 $0xFFFFC000  }
0x28: {  	[spmem:s7] =	stream.linear.scatter [tilespmem:s14], [sflag:$0x3], $0x4000, $0x38;
	[tilespmem:$0x1E800] =	vst v63  }
0x29: {  	_ =	swait.ge [sflag:s15], $0x4000  }
0x2a: {  	[sflag:s15] =	ssyncset.done $0x0  }
0x2b: {  	[sflag:s15] =	ssyncadd.s32 $0xFFFFC000  }
0x2c: {  	[spmem:s8] =	stream.linear.scatter [tilespmem:s14], [sflag:$0x3], $0x4000, $0x38;
	[tilespmem:$0x1E800] =	vst v63  }
0x2d: {  	_ =	swait.ge [sflag:s15], $0x4000  }
0x2e: {  	[sflag:s15] =	ssyncset.done $0x0  }
0x2f: {  	[sflag:s15] =	ssyncadd.s32 $0xFFFFC000  }
0x30: {  	[spmem:s9] =	stream.linear.scatter [tilespmem:s14], [sflag:$0x3], $0x4000, $0x38;
	[tilespmem:$0x1E800] =	vst v63  }
0x31: {  	_ =	swait.ge [sflag:s15], $0x4000  }
0x32: {  	[sflag:s15] =	ssyncset.done $0x0  }
0x33: {  	[sflag:s15] =	ssyncadd.s32 $0xFFFFC000  }
0x34: {  	s28 =	simm.s32 $0x0;
	[bflag:$0x0] =	sbarrier.arrive $0xFFFF  }
0x35: {  	[tilespmem:s28], [sflag:$0x3] =	stream.linear.gather [hbm4b:s10+s28], $0x1400, $0x38;
	[tilespmem:$0x1E800] =	vst v63  }
0x36: {  	_ =	swait.ge [sflag:s15], $0x1400  }
0x37: {  	[sflag:s15] =	ssyncset.done $0x0  }
0x38: {  	[sflag:s15] =	ssyncadd.s32 $0xFFFFEC00  }
0x39: {  	[tilespmem:s16], [sflag:$0x3] =	stream.linear.gather [hbm4b:s11+s28], $0x1400, $0x38;
	[tilespmem:$0x1E800] =	vst v63  }
0x3a: {  	_ =	swait.ge [sflag:s15], $0x1400  }
0x3b: {  	[sflag:s15] =	ssyncset.done $0x0  }
0x3c: {  	[sflag:s15] =	ssyncadd.s32 $0xFFFFEC00  }
0x3d: {  	[tilespmem:s14], [sflag:$0x1] =	stream.indirect.gather [hbm4b:s4+s17], $0x80, s28, s17, $0xb8;
	[tilespmem:$0x1E800] =	vst v63  }
0x3e: {  	_ = 	snop  }
0x3f: {  	[tilespmem:s18], [sflag:$0x2] =	stream.indirect.gather [hbm4b:s4+s17], $0x80, s17, s17, $0xb8;
	[tilespmem:$0x1E800] =	vst v63  }
0x40: {  	_ =	swait.ge [sflag:s19], $0x4000  }
0x41: {  	[sflag:s19] =	ssyncset.done $0x0  }
0x42: {  	s29 =	simm.s32 $0x1400;
	[sflag:s19] =	ssyncadd.s32 $0xFFFFC000  }
0x43: {  	[spmem:s2] =	stream.indirect.scatter.add.f32 [tilespmem:s14], [sflag:$0x3], $0x80, s29, s17, $0xb8;
	[tilespmem:$0x1E800] =	vst v63  }
0x44: {  	_ =	swait.ge [sflag:s15], $0x4000  }
0x45: {  	[sflag:s15] =	ssyncset.done $0x0  }
0x46: {  	s30 =	simm.s32 $0x100;
	[sflag:s15] =	ssyncadd.s32 $0xFFFFC000  }
0x47: {  	[tilespmem:s14], [sflag:$0x1] =	stream.indirect.gather [hbm4b:s4+s17], $0x80, s30, s17, $0xb8;
	[tilespmem:$0x1E800] =	vst v63  }
0x48: {  	_ =	swait.ge [sflag:s20], $0x4000  }
0x49: {  	[sflag:s20] =	ssyncset.done $0x0  }
0x4a: {  	s31 =	simm.s32 $0x1480;
	[sflag:s20] =	ssyncadd.s32 $0xFFFFC000  }
0x4b: {  	[spmem:s2] =	stream.indirect.scatter.add.f32 [tilespmem:s18], [sflag:$0x3], $0x80, s31, s17, $0xb8;
	[tilespmem:$0x1E800] =	vst v63  }
0x4c: {  	_ =	swait.ge [sflag:s15], $0x4000  }
0x4d: {  	[sflag:s15] =	ssyncset.done $0x0  }
0x4e: {  	s23 =	simm.s32 $0x400;
	s24 =	simm.s32 $0x180;
	[sflag:s15] =	ssyncadd.s32 $0xFFFFC000  }
.LBB2_4:
0x4f: {  	[tilespmem:s18], [sflag:$0x2] =	stream.indirect.gather [hbm4b:s4+s17], $0x80, s24, s17, $0xb8;
	[tilespmem:$0x1E800] =	vst v63  }
0x50: {  	s24 =	smov.u32 s23  }
0x51: {  	p0 =	sne.s32 s23, $0x4800;
	s23 =	sadd.s32 $0x400, s23;
	_ =	swait.ge [sflag:s19], $0x4000  }
0x52: {  	s24 =	sshra.s32 s24, $0x2;
	[sflag:s19] =	ssyncset.done $0x0  }
0x53: {  	s25 =	sadd.s32 $0x1400, s24;
	[sflag:s19] =	ssyncadd.s32 $0xFFFFC000  }
0x54: {  	[spmem:s2] =	stream.indirect.scatter.add.f32 [tilespmem:s14], [sflag:$0x3], $0x80, s25, s17, $0xb8;
	[tilespmem:$0x1E800] =	vst v63  }
0x55: {  	_ =	swait.ge [sflag:s15], $0x4000  }
0x56: {  	[sflag:s15] =	ssyncset.done $0x0  }
0x57: {  	s25 =	sadd.s32 $0x100, s24;
	[sflag:s15] =	ssyncadd.s32 $0xFFFFC000  }
0x58: {  	[tilespmem:s14], [sflag:$0x1] =	stream.indirect.gather [hbm4b:s4+s17], $0x80, s25, s17, $0xb8;
	[tilespmem:$0x1E800] =	vst v63  }
0x59: {  	_ =	swait.ge [sflag:s20], $0x4000  }
0x5a: {  	[sflag:s20] =	ssyncset.done $0x0  }
.Ltmp1:
0x5b: {  	s25 =	sadd.s32 $0x1480, s24;
	[sflag:s20] =	ssyncadd.s32 $0xFFFFC000;
	(pc) =	sbr.rel @p0 .LBB2_4-.Ltmp1, $4  }
0x5c: {  	[spmem:s2] =	stream.indirect.scatter.add.f32 [tilespmem:s18], [sflag:$0x3], $0x80, s25, s17, $0xb8;
	[tilespmem:$0x1E800] =	vst v63  }
0x5d: {  	_ =	swait.ge [sflag:s15], $0x4000  }
0x5e: {  	[sflag:s15] =	ssyncset.done $0x0  }
0x5f: {  	s24 =	sadd.s32 $0x180, s24;
	[sflag:s15] =	ssyncadd.s32 $0xFFFFC000  }
0x60: {  	[tilespmem:s18], [sflag:$0x2] =	stream.indirect.gather [hbm4b:s4+s17], $0x80, s24, s17, $0xb8;
	[tilespmem:$0x1E800] =	vst v63  }
0x61: {  	_ =	swait.ge [sflag:s19], $0x4000  }
0x62: {  	[sflag:s19] =	ssyncset.done $0x0  }
0x63: {  	[sflag:s19] =	ssyncadd.s32 $0xFFFFC000  }
0x64: {  	[spmem:s2] =	stream.indirect.scatter.add.f32 [tilespmem:s14], [sflag:$0x3], $0x80, s21, s17, $0xb8;
	[tilespmem:$0x1E800] =	vst v63  }
0x65: {  	_ =	swait.ge [sflag:s15], $0x4000  }
0x66: {  	[sflag:s15] =	ssyncset.done $0x0  }
0x67: {  	[sflag:s15] =	ssyncadd.s32 $0xFFFFC000  }
0x68: {  	_ =	swait.ge [sflag:s20], $0x4000  }
0x69: {  	[sflag:s20] =	ssyncset.done $0x0  }
0x6a: {  	[sflag:s20] =	ssyncadd.s32 $0xFFFFC000  }
0x6b: {  	[spmem:s2] =	stream.indirect.scatter.add.f32 [tilespmem:s18], [sflag:$0x3], $0x80, s22, s17, $0xb8;
	[tilespmem:$0x1E800] =	vst v63  }
0x6c: {  	_ =	swait.ge [sflag:s15], $0x4000  }
0x6d: {  	s23 =	sshll.u32 s0, $0x6;
	s3 =	sadd.s32 $0x1, s3;
	[sflag:s15] =	ssyncset.done $0x0  }
0x6e: {  	s31 =	sshrl.u32 s5, $0x3;
	p0 =	sne.s32 s3, s13;
	[sflag:s15] =	ssyncadd.s32 $0xFFFFC000  }
.Ltmp2:
0x6f: {  	s23 =	sor.u32 $0x1C03, s23;
	[bflag:$0x0] =	sbarrier.arrive $0xFFFF;
	(pc) =	sbr.rel @p0 .LBB2_1-.Ltmp2, $4  }
0x70: {  	[hbm:s12], [sflag:s23] =	dma.local [spmem:s31], $0x2800  }
0x71: {  	_ =	swait.ge [sflag:s15], $0x2800  }
0x72: {  	[sflag:s15] =	ssyncset.done $0x0  }
0x73: {  	[sflag:s15] =	ssyncadd.s32 $0xFFFFD800  }
0x74: {  	_ =	sfence.sel $0x180000  }
0x75: {  	[bflag:$0x0] =	sbarrier.arrive $0xFFFF  }
0x76: {  	p0 =	sne.s32 s0, $0x0;
	_ =	strace $0x90000047  }
0x77: {  	s0 =	sadd.s32 @!p0 $0x100000, s1;
	[bflag:$0x2] =	sbarrier.arrive $0xFFFF  }
0x78: {  	[sflag:s0] =	ssyncadd.tile.s32 @!p0 $0x1;
	_ =	shalt  }
.Lfunc_end2:
_tile_overlayer_lowered:
.L_overlay_start_2:
0x79: {  	(tag) =	ssettag $0x2  }
0x7a: {  	s0 =	rddreg [dreg:$0x0];
	s2 =	stileid.u32  }
0x7b: {  	s1 =	rddreg [dreg:$0x1];
	p0 =	sne.s32 s2, $0x0  }
0x7c: {  	s3 =	rddreg [dreg:$0x2];
	[bflag:$0x3] =	sbarrier.arrive $0xFFFF;
	s2 =	simm.s32 @!p0 $0x1C03  }
0x7d: {  	[timem:s3], [sflag:s2] =	dma.local @!p0 [hbm:s0], s1  }
0x7e: {  	s0 =	simm.s32 @!p0 $0x3  }
0x7f: {  	_ =	swait.ge @!p0 [sflag:s0], s1  }
0x80: {  	s1 =	ssub.s32 @!p0 $0x0, s1;
	[sflag:s0] =	ssyncset.done @!p0 $0x0  }
0x81: {  	[sflag:s0] =	ssyncadd.s32 @!p0 s1  }
0x82: {  	[bflag:$0x3] =	sbarrier.arrive $0xFFFF  }
0x83: {  	_ =	shalt  }

// kernel: kernel.14.cloned.1.call-start
scs
__scs_entry_jumppad:
0x0: {  	(pc) =	sbr.rel $0x88, $3  }
0x1: {  	(tag) =	ssettag $0x0;
	lr =	simm.s32 $0x1  }
0x2: {  	[smem:$0x3F91] =	sst lr;
	_ =	strace $0xD0000000  }
0x3: {  	_ = 	snop  }
0x4: {  	_ = 	snop  }
0x5: {  	_ = 	snop  }
0x6: {  	_ = 	snop  }
0x7: {  	_ = 	snop  }
__scs_overlays_trampoline_lowered:
0x8: {  	[smem:$0x3FA0] =	sst s0  }
0x9: {  	[smem:$0x3FA1] =	sst s1  }
0xa: {  	[smem:$0x3FA2] =	sst s2  }
0xb: {  	[smem:$0x3FA3] =	sst s3  }
0xc: {  	[smem:$0x3FA4] =	sst s4  }
0xd: {  	[smem:$0x3FA5] =	sst s5  }
0xe: {  	[smem:$0x3FA6] =	sst s6  }
0xf: {  	[smem:$0x3FA7] =	sst s7  }
0x10: {  	[smem:$0x3FA8] =	sst s8  }
0x11: {  	[smem:$0x3FA9] =	sst s9;
	s0 =	simm.s32 @!p0 $0x0  }
0x12: {  	s1 =	sld [smem:$0x3F8F];
	s0 =	simm.s32 @p0 $0x1  }
0x13: {  	[smem:$0x3FAA] =	sst s0;
	s0 =	simm.s32 @!p1 $0x0  }
0x14: {  	s2 =	sld [smem:$0x3F8E];
	s0 =	simm.s32 @p1 $0x1  }
0x15: {  	[smem:$0x3FAB] =	sst s0;
	s0 =	simm.s32 @!p2 $0x0  }
0x16: {  	s3 =	sld [smem:$0x3FDB];
	s0 =	simm.s32 @p2 $0x1  }
0x17: {  	s4 =	simm.s32 $0x1BF5;
	[smem:$0x3FAD] =	sst s0  }
0x18: {  	s0 =	sld [smem:$0x3F90];
	_ =	swait.ge [sflag:s4], $0x0  }
0x19: {  	s7 =	sld [smem:$0x3F91]  }
0x1a: {  	s8 =	sadd.s32 $0xFFFFE003, lr  }
0x1b: {  	s9 =	sadd.s32 $0xFFFFFEF7, lr;
	s5 =	simm.s32 $0xFFFFFFFF;
	p2 =	slt.u32 s8, $0xFFFFF086  }
0x1c: {  	p1 =	slt.u32 s9, $0xF7A;
	s5 =	simm.s32 @!p2 $0x0  }
0x1d: {  	s5 =	simm.s32 @p1 $0x1;
	p0 =	seq.s32 s7, s2  }
0x1e: {  	s7 =	smul.u32 @!p0 $0xF7A, s2;
	p2 =	seq.s32 @!p0 s5, $0x0  }
0x1f: {  	s9 =	smul.u32 $0xF7A, s1;
	s8 =	simm.s32 @!p0 $0x1BF5;
	p2 =	por !p2, p0  }
0x20: {  	[sflag:s8] =	ssyncset.s32 @!p0 $0xFFFFF086;
	s6 =	sadd.s32 @!p0 s3, s7;
	s7 =	simm.s32 @!p0 $0x108  }
0x21: {  	s3 =	sadd.s32 s3, s9;
	s6 =	sadd.s32 @!p0 $0x88, s6;
	s7 =	simm.s32 @p2 $0x1082  }
0x22: {  	[simem:s7], [sflag:s8] =	dma.local @!p0 [hbm:s6], $0xF7A  }
0x23: {  	s9 =	sor.u32 $0xD0000000, s2;
	s6 =	simm.s32 $0x108;
	_ =	swait.ge @!p0 [sflag:s8], $0x0  }
0x24: {  	s3 =	sadd.s32 $0x88, s3;
	s6 =	simm.s32 @!p1 $0x1082;
	[sflag:s4] =	ssyncset.s32 $0xFFFFF086  }
0x25: {  	[simem:s6], [sflag:s4] =	dma.local [hbm:s3], $0xF7A  }
0x26: {  	[smem:$0x3F91] =	sst s1;
	(tag) =	ssettag s2;
	_ =	strace s9  }
0x27: {  	s1 =	sld [smem:$0x3FA1]  }
0x28: {  	s2 =	sld [smem:$0x3FA2]  }
0x29: {  	s4 =	sld [smem:$0x3FA4]  }
0x2a: {  	p0 =	seq.s32 s5, $0x0;
	s5 =	sld [smem:$0x3FA5]  }
0x2b: {  	s6 =	sld [smem:$0x3FA6]  }
0x2c: {  	s7 =	sld [smem:$0x3FA7]  }
0x2d: {  	s3 =	simm.s32 $0x108;
	s8 =	sld [smem:$0x3FA8]  }
0x2e: {  	s3 =	simm.s32 @!p0 $0x1082;
	s9 =	sld [smem:$0x3FA9]  }
0x2f: {  	lr =	sadd.s32 s0, s3;
	s0 =	sld [smem:$0x3FA0]  }
0x30: {  	s3 =	sld [smem:$0x3FA3]  }
0x31: {  	[smem:$0x3FAC] =	sst s10  }
0x32: {  	s10 =	sld [smem:$0x3FAA];
	_ =	sdelay $0x3  }
0x33: {  	p0 =	seq.s32 s10, $0x1;
	s10 =	sld [smem:$0x3FAC];
	_ =	sdelay $0x3  }
0x34: {  	[smem:$0x3FAC] =	sst s10  }
0x35: {  	s10 =	sld [smem:$0x3FAB];
	_ =	sdelay $0x3  }
0x36: {  	p1 =	seq.s32 s10, $0x1;
	s10 =	sld [smem:$0x3FAC];
	_ =	sdelay $0x3  }
0x37: {  	[smem:$0x3FAC] =	sst s10  }
0x38: {  	s10 =	sld [smem:$0x3FAD]  }
0x39: {  	_ = 	snop;
	(pc) =	sbr.ind lr, $3  }
0x3a: {  	_ = 	snop  }
0x3b: {  	_ = 	snop  }
0x3c: {  	p2 =	seq.s32 s10, $0x1;
	s10 =	sld [smem:$0x3FAC]  }
0x3d: {  	_ =	shalt  }
0x3e: {  	_ =	shalt  }
0x3f: {  	_ =	shalt  }
0x40: {  	_ =	shalt  }
0x41: {  	_ =	shalt  }
0x42: {  	_ =	shalt  }
0x43: {  	_ =	shalt  }
0x44: {  	_ =	shalt  }
0x45: {  	_ =	shalt  }
0x46: {  	_ =	shalt  }
0x47: {  	_ =	shalt  }
0x48: {  	_ =	shalt  }
0x49: {  	_ =	shalt  }
0x4a: {  	_ =	shalt  }
0x4b: {  	_ =	shalt  }
0x4c: {  	_ =	shalt  }
0x4d: {  	_ =	shalt  }
0x4e: {  	_ =	shalt  }
0x4f: {  	_ =	shalt  }
0x50: {  	_ =	shalt  }
0x51: {  	_ =	shalt  }
0x52: {  	_ =	shalt  }
0x53: {  	_ =	shalt  }
0x54: {  	_ =	shalt  }
0x55: {  	_ =	shalt  }
0x56: {  	_ =	shalt  }
0x57: {  	_ =	shalt  }
0x58: {  	_ =	shalt  }
0x59: {  	_ =	shalt  }
0x5a: {  	_ =	shalt  }
0x5b: {  	_ =	shalt  }
0x5c: {  	_ =	shalt  }
0x5d: {  	_ =	shalt  }
0x5e: {  	_ =	shalt  }
0x5f: {  	_ =	shalt  }
0x60: {  	_ =	shalt  }
0x61: {  	_ =	shalt  }
0x62: {  	_ =	shalt  }
0x63: {  	_ =	shalt  }
0x64: {  	_ =	shalt  }
0x65: {  	_ =	shalt  }
0x66: {  	_ =	shalt  }
0x67: {  	_ =	shalt  }
0x68: {  	_ =	shalt  }
0x69: {  	_ =	shalt  }
0x6a: {  	_ =	shalt  }
0x6b: {  	_ =	shalt  }
0x6c: {  	_ =	shalt  }
0x6d: {  	_ =	shalt  }
0x6e: {  	_ =	shalt  }
0x6f: {  	_ =	shalt  }
0x70: {  	_ =	shalt  }
0x71: {  	_ =	shalt  }
0x72: {  	_ =	shalt  }
0x73: {  	_ =	shalt  }
0x74: {  	_ =	shalt  }
0x75: {  	_ =	shalt  }
0x76: {  	_ =	shalt  }
0x77: {  	_ =	shalt  }
0x78: {  	_ =	shalt  }
0x79: {  	_ =	shalt  }
0x7a: {  	_ =	shalt  }
0x7b: {  	_ =	shalt  }
0x7c: {  	_ =	shalt  }
0x7d: {  	_ =	shalt  }
0x7e: {  	_ =	shalt  }
0x7f: {  	_ =	shalt  }
0x80: {  	_ =	shalt  }
0x81: {  	_ =	shalt  }
0x82: {  	_ =	shalt  }
0x83: {  	_ =	shalt  }
0x84: {  	_ =	shalt  }
0x85: {  	_ =	shalt  }
0x86: {  	_ =	shalt  }
0x87: {  	_ =	shalt  }
.Lfunc_end0:
.L_simem_size_0:
called_computation.1_lowered:
.L_overlay_start_0:
0x88: {  	s2 =	sld [smem:$0x3FD9]  }
0x89: {  	s3 =	sld [smem:$0x3FFE];
	_ =	sdelay $0x1  }
0x8a: {  	s1 =	srdreg.scid  }
0x8b: {  	s0 =	sand.u32 $0x1, s1  }
0x8c: {  	s17 =	sshll.u32 s0, $0xA;
	s2 =	sadd.s32 s3, s2  }
0x8d: {  	s2 =	sadd.s32 s2, s17  }
0x8e: {  	[smem:$0x3FB8] =	sst s2  }
0x8f: {  	_ = 	snop  }
0x90: {  	(tm) =	ssettm $0x1  }
0x91: {  	s18 =	sld [smem:$0x3FFB];
	_ =	sdelay $0x3  }
0x92: {  	_ =	strace s18  }
0x93: {  	s2 =	sld [smem:$0x3FFC];
	_ =	sdelay $0x3  }
0x94: {  	_ =	strace s2  }
0x95: {  	s2 =	sld [smem:$0x3FFD];
	_ =	sdelay $0x3  }
0x96: {  	_ =	strace s2  }
0x97: {  	_ =	strace $0x8FFFFFFF  }
0x98: {  	s19 =	sld [smem:$0x3FDB];
	_ =	sdelay $0x1  }
0x99: {  	s20 =	simm.s32 $_scs_section_size  }
0x9a: {  	s4 =	simm.s32 $_size__tile_overlayer_lowered;
	s5 =	simm.s32 $_tile_overlayer_lowered  }
0x9b: {  	s6 =	simm.s32 $0x1BFF;
	s21 =	sshll.u32 s5, $0x1;
	s3 =	sadd.s32 s20, s19  }
0x9c: {  	s22 =	simm.s32 $0x0;
	s4 =	sshll.u32 s4, $0x1;
	s5 =	sadd.s32 s21, s3  }
0x9d: {  	[timem:s22], [sflag:s6] =	dma.local [hbm:s5], s4  }
0x9e: {  	_ =	swait.ge [sflag:s6], s4  }
0x9f: {  	s4 =	ssub.s32 $0x0, s4;
	[sflag:s6] =	ssyncset.done $0x0  }
0xa0: {  	[sflag:s6] =	ssyncadd.s32 s4;
	_ =	sdelay $0x1  }
0xa1: {  	s23 =	simm.s32 $0x1B8B  }
0xa2: {  	_ =	swait.ge [sflag:s23], $0x1  }
0xa3: {  	[sflag:s23] =	ssyncset.done $0x0  }
0xa4: {  	[sflag:s23] =	ssyncadd.s32 $0xFFFFFFFF  }
0xa5: {  	s4 =	sld [smem:$0x0]  }
0xa6: {  	s5 =	sand.u32 $0xFFFFFFFE, s1  }
0xa7: {  	p0 =	sne.s32 s1, s5  }
0xa8: {  	s5 =	sshll.u32 @p0 s5, $0xE  }
0xa9: {  	s5 =	sadd.s32 @p0 $0x11B8D, s5;
	s6 =	sshll.u32 @p0 s4, $0x11  }
0xaa: {  	s5 =	sor.u32 @p0 s6, s5  }
0xab: {  	[sflag:s5] =	ssyncadd.remote.s32 @p0 $0x1;
	_ =	sdelay $0x1  }
0xac: {  	s5 =	simm.s32 @p0 $0x1B8D  }
0xad: {  	_ =	swait.eq @p0 [sflag:s5], $0x1  }
0xae: {  	[sflag:s5] =	ssyncadd.s32 @p0 $0xFFFFFFFF  }
0xaf: {  	s6 =	sshll.u32 @!p0 s1, $0xE  }
0xb0: {  	s6 =	sor.u32 @!p0 $0x4000, s6;
	s5 =	simm.s32 @!p0 $0x1B8D  }
0xb1: {  	s4 =	sshll.u32 @!p0 s4, $0x11;
	s6 =	sadd.s32 @!p0 $0x11B8D, s6;
	_ =	swait.eq @!p0 [sflag:s5], $0x1  }
0xb2: {  	s4 =	sor.u32 @!p0 s4, s6;
	[sflag:s5] =	ssyncadd.s32 @!p0 $0xFFFFFFFF  }
0xb3: {  	s25 =	simm.s32 $0x1B8E;
	s24 =	sld [smem:$0x3FFE];
	[sflag:s4] =	ssyncadd.remote.s32 @!p0 $0x1  }
0xb4: {  	s26 =	simm.s32 $execute0_lowered;
	[smem:$0x3FD2] =	sst s25  }
0xb5: {  	s5 =	sshll.u32 s26, $0x1;
	_ =	strace $0x80000049;
	[dreg:$0x1] =	wrdreg $0xFFFFFFFF  }
0xb6: {  	s28 =	simm.s32 $_size_execute0_lowered;
	s3 =	sadd.s32 s3, s5;
	[dreg:$0x0] =	wrdreg $0x0  }
0xb7: {  	s5 =	sshll.u32 s28, $0x1;
	[dreg:$0x2] =	wrdreg s3  }
0xb8: {  	[dreg:$0x3] =	wrdreg s5  }
0xb9: {  	[dreg:$0x4] =	wrdreg $0xC0  }
0xba: {  	_ =	task [dreg:s22], $0x5FFFF  }
0xbb: {  	[dreg:$0x1] =	wrdreg $0xFFFFFFFF  }
0xbc: {  	[dreg:$0x0] =	wrdreg $0x60  }
0xbd: {  	[dreg:$0x2] =	wrdreg s24  }
0xbe: {  	[dreg:$0x3] =	wrdreg $0x54000  }
0xbf: {  	[dreg:$0x4] =	wrdreg $0xA  }
0xc0: {  	_ =	task.clear_ibuf [dreg:s22], $0x5FFFF;
	_ =	strace $0x90000049  }
0xc1: {  	s29 =	simm.s32 $0xA;
	_ =	strace $0x8000004B  }
0xc2: {  	_ =	swait.ge [sflag:s29], $0x1  }
0xc3: {  	[sflag:s29] =	ssyncadd.s32 $0xFFFFFFFF  }
0xc4: {  	_ =	strace $0x9000004B  }
0xc5: {  	_ =	sfence  }
0xc6: {  	s30 =	sld [smem:$0x0];
	_ =	sdelay $0x2  }
0xc7: {  	s31 =	sshll.u32 s1, $0xD;
	s1 =	sshrl.u32 s1, $0x2  }
0xc8: {  	s4 =	sand.u32 $0x4000, s31;
	s1 =	sadd.s32 s1, s30  }
0xc9: {  	s0 =	sor.u32 s4, s0;
	s1 =	sshll.u32 s1, $0x11  }
0xca: {  	s0 =	sor.u32 s1, s0  }
0xcb: {  	s0 =	sadd.s32 $0x8F2B, s0  }
0xcc: {  	[sflag:s0] =	ssyncadd.remote.s32 $0x1  }
0xcd: {  	_ =	sfence.sel $0xFFFF  }
0xce: {  	[dreg:$0x0] =	wrdreg $0xFFFFFFFF;
	(pc) =	sbr.abs _section_cstart, $3  }
0xcf: {  	[dreg:$0x1] =	wrdreg $0xFFFFFFFF  }
0xd0: {  	_ =	task.clear_ibuf [dreg:s22], $0x2FFFF;
	_ =	strace $0x9FFFFFFF  }
0xd1: {  	(tm) =	ssettm $0x7FFFFFFF  }
tec
execute0_lowered:
.L_overlay_start_1:
0x0: {  	(tag) =	ssettag $0x1  }
0x1: {  	s5 =	rddreg [dreg:$0x0]  }
0x2: {  	s0 =	srdreg.scid;
	s2 =	rddreg [dreg:$0x1];
	s3 =	simm.s32 $0x0  }
0x3: {  	s12 =	simm.s32 $0x1;
	s4 =	sand.u32 $0x1, s0;
	s0 =	stileid.u32  }
0x4: {  	s13 =	simm.s32 $0x1400;
	s14 =	simm.s32 $0x80;
	s7 =	smul.u32 $0x2800, s0  }
0x5: {  	s17 =	simm.s32 $0x0;
	[smem:$0x7FF] =	sst s3;
	s8 =	smul.u32 $0x28000, s4  }
0x6: {  	s1 =	sshll.u32 s4, $0x4;
	s9 =	smul.u32 $0x50000, s0;
	s29 =	ssub.s32 $0x2, s4  }
0x7: {  	s15 =	sshll.u32 s0, $0x6;
	s1 =	sor.u32 s0, s1;
	s31 =	sshrl.u32 s29, $0x1  }
0x8: {  	s15 =	sor.u32 $0x1C01, s15;
	s6 =	smul.u32 $0x280, s1;
	s1 =	rddreg [dreg:$0x2]  }
0x9: {  	_ =	strace $0x8000004A;
	s7 =	sadd.s32 s7, s8;
	s30 =	sshrl.u32 s9, $0x2  }
0xa: {  	s11 =	ssub.s32 s29, s31;
	s10 =	sadd.s32 s7, s5;
	s4 =	sadd.s32 s30, s2  }
0xb: {  	s11 =	smax.u32 s11, $0x1;
	s6 =	sadd.s32 s6, s5;
	s7 =	sadd.s32 $0x8000, s4  }
0xc: {  	s8 =	sadd.s32 $0xC000, s4;
	s9 =	sadd.s32 $0x10000, s4;
	s10 =	sadd.s32 $0xADA00, s10  }
0xd: {  	v0 =	vimm.f32 $0.0e+00;
	v1 =	vimm.f32 $1.000000000e+00;
	s16 =	sshrl.u32 s4, $0x3;
	s5 =	sadd.s32 $0x53A00, s6;
	s6 =	sadd.s32 $0x4000, s4  }
.LBB2_1:
0xe: {  	[tilespmem:s3], [sflag:$0x1] =	stream.linear.gather [hbm4b:s5+s3], $0x1400, $0x38;
	[tilespmem:$0x19400] =	vst v63  }
0xf: {  	_ =	swait.ge [sflag:s12], $0x1400  }
0x10: {  	[sflag:s12] =	ssyncset.done $0x0  }
0x11: {  	s18 =	simm.s32 $0x0;
	s19 =	simm.s32 $0x200;
	[sflag:s12] =	ssyncadd.s32 $0xFFFFEC00  }
.LBB2_2:
0x12: {  	p0 =	sne.s32 s19, $0xFE00;
	[tilespmem:s18+$0x1470] =	vst v0  }
0x13: {  	[tilespmem:s18+$0x1400] =	vst v0  }
0x14: {  	[tilespmem:s18+$0x1410] =	vst v0  }
.Ltmp0:
0x15: {  	[tilespmem:s18+$0x1420] =	vst v0;
	(pc) =	sbr.rel @p0 .LBB2_2-.Ltmp0, $4  }
0x16: {  	[tilespmem:s18+$0x1430] =	vst v0  }
0x17: {  	[tilespmem:s18+$0x1440] =	vst v0  }
0x18: {  	[tilespmem:s18+$0x1450] =	vst v0  }
0x19: {  	[tilespmem:s18+$0x1460] =	vst v0;
	s18 =	sshra.s32 s19, $0x2;
	s19 =	sadd.s32 $0x200, s19  }
0x1a: {  	[tilespmem:s18+$0x1470] =	vst v0  }
0x1b: {  	[tilespmem:s18+$0x1400] =	vst v0  }
0x1c: {  	[tilespmem:s18+$0x1410] =	vst v0  }
0x1d: {  	[tilespmem:s18+$0x1420] =	vst v0  }
0x1e: {  	[tilespmem:s18+$0x1430] =	vst v0  }
0x1f: {  	[tilespmem:s18+$0x1440] =	vst v0  }
0x20: {  	[tilespmem:s18+$0x1450] =	vst v0  }
0x21: {  	[tilespmem:s18+$0x1460] =	vst v0  }
0x22: {  	[spmem:s4] =	stream.linear.scatter [tilespmem:s13], [sflag:$0x1], $0x4000, $0x38;
	[tilespmem:$0x19400] =	vst v63  }
0x23: {  	_ =	swait.ge [sflag:s12], $0x4000  }
0x24: {  	[sflag:s12] =	ssyncset.done $0x0  }
0x25: {  	[sflag:s12] =	ssyncadd.s32 $0xFFFFC000  }
0x26: {  	[spmem:s6] =	stream.linear.scatter [tilespmem:s13], [sflag:$0x1], $0x4000, $0x38;
	[tilespmem:$0x19400] =	vst v63  }
0x27: {  	_ =	swait.ge [sflag:s12], $0x4000  }
0x28: {  	[sflag:s12] =	ssyncset.done $0x0  }
0x29: {  	[sflag:s12] =	ssyncadd.s32 $0xFFFFC000  }
0x2a: {  	[spmem:s7] =	stream.linear.scatter [tilespmem:s13], [sflag:$0x1], $0x4000, $0x38;
	[tilespmem:$0x19400] =	vst v63  }
0x2b: {  	_ =	swait.ge [sflag:s12], $0x4000  }
0x2c: {  	[sflag:s12] =	ssyncset.done $0x0  }
0x2d: {  	[sflag:s12] =	ssyncadd.s32 $0xFFFFC000  }
0x2e: {  	[spmem:s8] =	stream.linear.scatter [tilespmem:s13], [sflag:$0x1], $0x4000, $0x38;
	[tilespmem:$0x19400] =	vst v63  }
0x2f: {  	_ =	swait.ge [sflag:s12], $0x4000  }
0x30: {  	[sflag:s12] =	ssyncset.done $0x0  }
0x31: {  	[sflag:s12] =	ssyncadd.s32 $0xFFFFC000  }
0x32: {  	[spmem:s9] =	stream.linear.scatter [tilespmem:s13], [sflag:$0x1], $0x4000, $0x38;
	[tilespmem:$0x19400] =	vst v63  }
0x33: {  	_ =	swait.ge [sflag:s12], $0x4000  }
0x34: {  	[sflag:s12] =	ssyncset.done $0x0  }
0x35: {  	s18 =	simm.s32 $0x200;
	s19 =	simm.s32 $0x0;
	[sflag:s12] =	ssyncadd.s32 $0xFFFFC000  }
.LBB2_4:
0x36: {  	p0 =	sne.s32 s18, $0xFE00;
	[tilespmem:s19+$0x1400] =	vst v1;
	s19 =	smov.u32 s18;
	s18 =	sadd.s32 $0x200, s18  }
.Ltmp1:
0x37: {  	(pc) =	sbr.rel @p0 .LBB2_4-.Ltmp1, $2  }
0x38: {  	_ =	sdelay $0x2  }
0x39: {  	s19 =	sshra.s32 s19, $0x2  }
0x3a: {  	[tilespmem:s19+$0x1400] =	vst v1  }
0x3b: {  	s18 =	simm.s32 $0x0;
	[bflag:$0x0] =	sbarrier.arrive $0xFFFF  }
0x3c: {  	[spmem:s2] =	stream.indirect.scatter.add.f32 [tilespmem:s13], [sflag:$0x1], $0x80, s18, s14, $0xb8;
	[tilespmem:$0x19400] =	vst v63  }
0x3d: {  	_ =	swait.ge [sflag:s12], $0x4000  }
0x3e: {  	s18 =	simm.s32 $0x200;
	[sflag:s12] =	ssyncset.done $0x0  }
.LBB2_6:
0x3f: {  	s19 =	sshra.s32 s18, $0x2;
	[sflag:s12] =	ssyncadd.s32 $0xFFFFC000;
	p0 =	sne.s32 s18, $0x4E00  }
0x40: {  	[spmem:s2] =	stream.indirect.scatter.add.f32 [tilespmem:s13], [sflag:$0x1], $0x80, s19, s14, $0xb8;
	[tilespmem:$0x19400] =	vst v63  }
.Ltmp2:
0x41: {  	_ = 	snop;
	(pc) =	sbr.rel @p0 .LBB2_6-.Ltmp2, $4  }
0x42: {  	_ = 	snop  }
0x43: {  	s18 =	sadd.s32 $0x200, s18  }
0x44: {  	_ =	swait.ge [sflag:s12], $0x4000  }
0x45: {  	[sflag:s12] =	ssyncset.done $0x0  }
0x46: {  	s17 =	sadd.s32 $0x1, s17  }
0x47: {  	[sflag:s12] =	ssyncadd.s32 $0xFFFFC000;
	p0 =	sne.s32 s17, s11  }
.Ltmp3:
0x48: {  	[bflag:$0x0] =	sbarrier.arrive $0xFFFF;
	(pc) =	sbr.rel @p0 .LBB2_1-.Ltmp3, $4  }
0x49: {  	[hbm:s10], [sflag:s15] =	dma.local [spmem:s16], $0x2800  }
0x4a: {  	_ =	swait.ge [sflag:s12], $0x2800  }
0x4b: {  	[sflag:s12] =	ssyncset.done $0x0  }
0x4c: {  	[sflag:s12] =	ssyncadd.s32 $0xFFFFD800  }
0x4d: {  	_ =	sfence.sel $0x180000  }
0x4e: {  	[bflag:$0x0] =	sbarrier.arrive $0xFFFF  }
0x4f: {  	p0 =	sne.s32 s0, $0x0;
	_ =	strace $0x9000004A  }
0x50: {  	s0 =	sadd.s32 @!p0 $0x100000, s1;
	[bflag:$0x2] =	sbarrier.arrive $0xFFFF  }
0x51: {  	[sflag:s0] =	ssyncadd.tile.s32 @!p0 $0x1;
	_ =	shalt  }
.Lfunc_end2:
_tile_overlayer_lowered:
.L_overlay_start_2:
0x52: {  	(tag) =	ssettag $0x2  }
0x53: {  	s0 =	rddreg [dreg:$0x0];
	s2 =	stileid.u32  }
0x54: {  	s1 =	rddreg [dreg:$0x1];
	p0 =	sne.s32 s2, $0x0  }
0x55: {  	s3 =	rddreg [dreg:$0x2];
	[bflag:$0x3] =	sbarrier.arrive $0xFFFF;
	s2 =	simm.s32 @!p0 $0x1C01  }
0x56: {  	[timem:s3], [sflag:s2] =	dma.local @!p0 [hbm:s0], s1  }
0x57: {  	s0 =	simm.s32 @!p0 $0x1  }
0x58: {  	_ =	swait.ge @!p0 [sflag:s0], s1  }
0x59: {  	s1 =	ssub.s32 @!p0 $0x0, s1;
	[sflag:s0] =	ssyncset.done @!p0 $0x0  }
0x5a: {  	[sflag:s0] =	ssyncadd.s32 @!p0 s1  }
0x5b: {  	[bflag:$0x3] =	sbarrier.arrive $0xFFFF  }
0x5c: {  	_ =	shalt  }

// kernel: kernel.17.cloned.1.call-start
scs
__scs_entry_jumppad:
0x0: {  	(pc) =	sbr.rel $0x88, $3  }
0x1: {  	(tag) =	ssettag $0x0;
	lr =	simm.s32 $0x1  }
0x2: {  	[smem:$0x3F91] =	sst lr;
	_ =	strace $0xD0000000  }
0x3: {  	_ = 	snop  }
0x4: {  	_ = 	snop  }
0x5: {  	_ = 	snop  }
0x6: {  	_ = 	snop  }
0x7: {  	_ = 	snop  }
__scs_overlays_trampoline_lowered:
0x8: {  	[smem:$0x3FA0] =	sst s0  }
0x9: {  	[smem:$0x3FA1] =	sst s1  }
0xa: {  	[smem:$0x3FA2] =	sst s2  }
0xb: {  	[smem:$0x3FA3] =	sst s3  }
0xc: {  	[smem:$0x3FA4] =	sst s4  }
0xd: {  	[smem:$0x3FA5] =	sst s5  }
0xe: {  	[smem:$0x3FA6] =	sst s6  }
0xf: {  	[smem:$0x3FA7] =	sst s7  }
0x10: {  	[smem:$0x3FA8] =	sst s8  }
0x11: {  	[smem:$0x3FA9] =	sst s9;
	s0 =	simm.s32 @!p0 $0x0  }
0x12: {  	s1 =	sld [smem:$0x3F8F];
	s0 =	simm.s32 @p0 $0x1  }
0x13: {  	[smem:$0x3FAA] =	sst s0;
	s0 =	simm.s32 @!p1 $0x0  }
0x14: {  	s2 =	sld [smem:$0x3F8E];
	s0 =	simm.s32 @p1 $0x1  }
0x15: {  	[smem:$0x3FAB] =	sst s0;
	s0 =	simm.s32 @!p2 $0x0  }
0x16: {  	s3 =	sld [smem:$0x3FDB];
	s0 =	simm.s32 @p2 $0x1  }
0x17: {  	s4 =	simm.s32 $0x1BF5;
	[smem:$0x3FAD] =	sst s0  }
0x18: {  	s0 =	sld [smem:$0x3F90];
	_ =	swait.ge [sflag:s4], $0x0  }
0x19: {  	s7 =	sld [smem:$0x3F91]  }
0x1a: {  	s8 =	sadd.s32 $0xFFFFE003, lr  }
0x1b: {  	s9 =	sadd.s32 $0xFFFFFEF7, lr;
	s5 =	simm.s32 $0xFFFFFFFF;
	p2 =	slt.u32 s8, $0xFFFFF086  }
0x1c: {  	p1 =	slt.u32 s9, $0xF7A;
	s5 =	simm.s32 @!p2 $0x0  }
0x1d: {  	s5 =	simm.s32 @p1 $0x1;
	p0 =	seq.s32 s7, s2  }
0x1e: {  	s7 =	smul.u32 @!p0 $0xF7A, s2;
	p2 =	seq.s32 @!p0 s5, $0x0  }
0x1f: {  	s9 =	smul.u32 $0xF7A, s1;
	s8 =	simm.s32 @!p0 $0x1BF5;
	p2 =	por !p2, p0  }
0x20: {  	[sflag:s8] =	ssyncset.s32 @!p0 $0xFFFFF086;
	s6 =	sadd.s32 @!p0 s3, s7;
	s7 =	simm.s32 @!p0 $0x108  }
0x21: {  	s3 =	sadd.s32 s3, s9;
	s6 =	sadd.s32 @!p0 $0x88, s6;
	s7 =	simm.s32 @p2 $0x1082  }
0x22: {  	[simem:s7], [sflag:s8] =	dma.local @!p0 [hbm:s6], $0xF7A  }
0x23: {  	s9 =	sor.u32 $0xD0000000, s2;
	s6 =	simm.s32 $0x108;
	_ =	swait.ge @!p0 [sflag:s8], $0x0  }
0x24: {  	s3 =	sadd.s32 $0x88, s3;
	s6 =	simm.s32 @!p1 $0x1082;
	[sflag:s4] =	ssyncset.s32 $0xFFFFF086  }
0x25: {  	[simem:s6], [sflag:s4] =	dma.local [hbm:s3], $0xF7A  }
0x26: {  	[smem:$0x3F91] =	sst s1;
	(tag) =	ssettag s2;
	_ =	strace s9  }
0x27: {  	s1 =	sld [smem:$0x3FA1]  }
0x28: {  	s2 =	sld [smem:$0x3FA2]  }
0x29: {  	s4 =	sld [smem:$0x3FA4]  }
0x2a: {  	p0 =	seq.s32 s5, $0x0;
	s5 =	sld [smem:$0x3FA5]  }
0x2b: {  	s6 =	sld [smem:$0x3FA6]  }
0x2c: {  	s7 =	sld [smem:$0x3FA7]  }
0x2d: {  	s3 =	simm.s32 $0x108;
	s8 =	sld [smem:$0x3FA8]  }
0x2e: {  	s3 =	simm.s32 @!p0 $0x1082;
	s9 =	sld [smem:$0x3FA9]  }
0x2f: {  	lr =	sadd.s32 s0, s3;
	s0 =	sld [smem:$0x3FA0]  }
0x30: {  	s3 =	sld [smem:$0x3FA3]  }
0x31: {  	[smem:$0x3FAC] =	sst s10  }
0x32: {  	s10 =	sld [smem:$0x3FAA];
	_ =	sdelay $0x3  }
0x33: {  	p0 =	seq.s32 s10, $0x1;
	s10 =	sld [smem:$0x3FAC];
	_ =	sdelay $0x3  }
0x34: {  	[smem:$0x3FAC] =	sst s10  }
0x35: {  	s10 =	sld [smem:$0x3FAB];
	_ =	sdelay $0x3  }
0x36: {  	p1 =	seq.s32 s10, $0x1;
	s10 =	sld [smem:$0x3FAC];
	_ =	sdelay $0x3  }
0x37: {  	[smem:$0x3FAC] =	sst s10  }
0x38: {  	s10 =	sld [smem:$0x3FAD]  }
0x39: {  	_ = 	snop;
	(pc) =	sbr.ind lr, $3  }
0x3a: {  	_ = 	snop  }
0x3b: {  	_ = 	snop  }
0x3c: {  	p2 =	seq.s32 s10, $0x1;
	s10 =	sld [smem:$0x3FAC]  }
0x3d: {  	_ =	shalt  }
0x3e: {  	_ =	shalt  }
0x3f: {  	_ =	shalt  }
0x40: {  	_ =	shalt  }
0x41: {  	_ =	shalt  }
0x42: {  	_ =	shalt  }
0x43: {  	_ =	shalt  }
0x44: {  	_ =	shalt  }
0x45: {  	_ =	shalt  }
0x46: {  	_ =	shalt  }
0x47: {  	_ =	shalt  }
0x48: {  	_ =	shalt  }
0x49: {  	_ =	shalt  }
0x4a: {  	_ =	shalt  }
0x4b: {  	_ =	shalt  }
0x4c: {  	_ =	shalt  }
0x4d: {  	_ =	shalt  }
0x4e: {  	_ =	shalt  }
0x4f: {  	_ =	shalt  }
0x50: {  	_ =	shalt  }
0x51: {  	_ =	shalt  }
0x52: {  	_ =	shalt  }
0x53: {  	_ =	shalt  }
0x54: {  	_ =	shalt  }
0x55: {  	_ =	shalt  }
0x56: {  	_ =	shalt  }
0x57: {  	_ =	shalt  }
0x58: {  	_ =	shalt  }
0x59: {  	_ =	shalt  }
0x5a: {  	_ =	shalt  }
0x5b: {  	_ =	shalt  }
0x5c: {  	_ =	shalt  }
0x5d: {  	_ =	shalt  }
0x5e: {  	_ =	shalt  }
0x5f: {  	_ =	shalt  }
0x60: {  	_ =	shalt  }
0x61: {  	_ =	shalt  }
0x62: {  	_ =	shalt  }
0x63: {  	_ =	shalt  }
0x64: {  	_ =	shalt  }
0x65: {  	_ =	shalt  }
0x66: {  	_ =	shalt  }
0x67: {  	_ =	shalt  }
0x68: {  	_ =	shalt  }
0x69: {  	_ =	shalt  }
0x6a: {  	_ =	shalt  }
0x6b: {  	_ =	shalt  }
0x6c: {  	_ =	shalt  }
0x6d: {  	_ =	shalt  }
0x6e: {  	_ =	shalt  }
0x6f: {  	_ =	shalt  }
0x70: {  	_ =	shalt  }
0x71: {  	_ =	shalt  }
0x72: {  	_ =	shalt  }
0x73: {  	_ =	shalt  }
0x74: {  	_ =	shalt  }
0x75: {  	_ =	shalt  }
0x76: {  	_ =	shalt  }
0x77: {  	_ =	shalt  }
0x78: {  	_ =	shalt  }
0x79: {  	_ =	shalt  }
0x7a: {  	_ =	shalt  }
0x7b: {  	_ =	shalt  }
0x7c: {  	_ =	shalt  }
0x7d: {  	_ =	shalt  }
0x7e: {  	_ =	shalt  }
0x7f: {  	_ =	shalt  }
0x80: {  	_ =	shalt  }
0x81: {  	_ =	shalt  }
0x82: {  	_ =	shalt  }
0x83: {  	_ =	shalt  }
0x84: {  	_ =	shalt  }
0x85: {  	_ =	shalt  }
0x86: {  	_ =	shalt  }
0x87: {  	_ =	shalt  }
.Lfunc_end0:
.L_simem_size_0:
called_computation.2_lowered:
.L_overlay_start_0:
0x88: {  	s2 =	sld [smem:$0x3FD9]  }
0x89: {  	s3 =	sld [smem:$0x3FFE];
	_ =	sdelay $0x1  }
0x8a: {  	s1 =	srdreg.scid  }
0x8b: {  	s0 =	sand.u32 $0x1, s1  }
0x8c: {  	s16 =	sshll.u32 s0, $0xA;
	s2 =	sadd.s32 s3, s2  }
0x8d: {  	s2 =	sadd.s32 s2, s16  }
0x8e: {  	[smem:$0x3FB8] =	sst s2  }
0x8f: {  	_ = 	snop  }
0x90: {  	(tm) =	ssettm $0x1  }
0x91: {  	s17 =	sld [smem:$0x3FFB];
	_ =	sdelay $0x3  }
0x92: {  	_ =	strace s17  }
0x93: {  	s2 =	sld [smem:$0x3FFC];
	_ =	sdelay $0x3  }
0x94: {  	_ =	strace s2  }
0x95: {  	s2 =	sld [smem:$0x3FFD];
	_ =	sdelay $0x3  }
0x96: {  	_ =	strace s2  }
0x97: {  	_ =	strace $0x8FFFFFFF  }
0x98: {  	s18 =	sld [smem:$0x3FDB];
	_ =	sdelay $0x1  }
0x99: {  	s19 =	simm.s32 $_scs_section_size  }
0x9a: {  	s4 =	simm.s32 $_size__tile_overlayer_lowered;
	s5 =	simm.s32 $_tile_overlayer_lowered  }
0x9b: {  	s22 =	simm.s32 $0x1BFF;
	s21 =	sshll.u32 s5, $0x1;
	s2 =	sadd.s32 s19, s18  }
0x9c: {  	s6 =	simm.s32 $0x0;
	s20 =	sshll.u32 s4, $0x1;
	s4 =	sadd.s32 s21, s2  }
0x9d: {  	[timem:s6], [sflag:s22] =	dma.local [hbm:s4], s20  }
0x9e: {  	_ =	swait.ge [sflag:s22], s20  }
0x9f: {  	s3 =	ssub.s32 $0x0, s20;
	[sflag:s22] =	ssyncset.done $0x0  }
0xa0: {  	[sflag:s22] =	ssyncadd.s32 s3;
	_ =	sdelay $0x1  }
0xa1: {  	s23 =	simm.s32 $0x1B8B  }
0xa2: {  	_ =	swait.ge [sflag:s23], $0x1  }
0xa3: {  	[sflag:s23] =	ssyncset.done $0x0  }
0xa4: {  	s25 =	simm.s32 $0x1B8E;
	s24 =	sld [smem:$0x3FFE];
	[sflag:s23] =	ssyncadd.s32 $0xFFFFFFFF  }
0xa5: {  	s26 =	simm.s32 $execute0_lowered;
	[smem:$0x3FD2] =	sst s25  }
0xa6: {  	s4 =	sshll.u32 s26, $0x1;
	_ =	strace $0x8000004C;
	[dreg:$0x1] =	wrdreg $0xFFFFFFFF  }
0xa7: {  	s28 =	simm.s32 $_size_execute0_lowered;
	s2 =	sadd.s32 s2, s4;
	[dreg:$0x0] =	wrdreg $0x0  }
0xa8: {  	s4 =	sshll.u32 s28, $0x1;
	[dreg:$0x2] =	wrdreg s2  }
0xa9: {  	[dreg:$0x3] =	wrdreg s4  }
0xaa: {  	[dreg:$0x4] =	wrdreg $0xC0  }
0xab: {  	_ =	task [dreg:s6], $0x5FFFF  }
0xac: {  	[dreg:$0x1] =	wrdreg $0xFFFFFFFF  }
0xad: {  	[dreg:$0x0] =	wrdreg $0x60  }
0xae: {  	[dreg:$0x2] =	wrdreg s24  }
0xaf: {  	[dreg:$0x3] =	wrdreg $0xA8000  }
0xb0: {  	[dreg:$0x4] =	wrdreg $0x9  }
0xb1: {  	_ =	task.clear_ibuf [dreg:s6], $0x5FFFF;
	_ =	strace $0x9000004C  }
0xb2: {  	s29 =	simm.s32 $0x9;
	_ =	strace $0x8000004E  }
0xb3: {  	_ =	swait.ge [sflag:s29], $0x1  }
0xb4: {  	[sflag:s29] =	ssyncadd.s32 $0xFFFFFFFF  }
0xb5: {  	_ =	strace $0x9000004E  }
0xb6: {  	_ =	sfence  }
0xb7: {  	s30 =	sld [smem:$0x0];
	_ =	sdelay $0x2  }
0xb8: {  	s31 =	sshll.u32 s1, $0xD;
	s1 =	sshrl.u32 s1, $0x2  }
0xb9: {  	s3 =	sand.u32 $0x4000, s31;
	s1 =	sadd.s32 s1, s30  }
0xba: {  	s0 =	sor.u32 s3, s0;
	s1 =	sshll.u32 s1, $0x11  }
0xbb: {  	s0 =	sor.u32 s1, s0  }
0xbc: {  	s0 =	sadd.s32 $0x8F2B, s0  }
0xbd: {  	[sflag:s0] =	ssyncadd.remote.s32 $0x1  }
0xbe: {  	_ =	sfence.sel $0xFFFF  }
0xbf: {  	[dreg:$0x0] =	wrdreg $0xFFFFFFFF;
	(pc) =	sbr.abs _section_cstart, $3  }
0xc0: {  	[dreg:$0x1] =	wrdreg $0xFFFFFFFF  }
0xc1: {  	_ =	task.clear_ibuf [dreg:s6], $0x2FFFF;
	_ =	strace $0x9FFFFFFF  }
0xc2: {  	(tm) =	ssettm $0x7FFFFFFF  }
0xc3: {  	_ =	shalt  }
tec
execute0_lowered:
.L_overlay_start_1:
0x0: {  	(tag) =	ssettag $0x1  }
0x1: {  	s6 =	rddreg [dreg:$0x0]  }
0x2: {  	s0 =	srdreg.scid;
	s2 =	rddreg [dreg:$0x1];
	s3 =	simm.s32 $0x0  }
0x3: {  	s16 =	simm.s32 $0x1400;
	s17 =	simm.s32 $0x80;
	s18 =	simm.s32 $0x6800  }
0x4: {  	s19 =	simm.s32 $0x1;
	s5 =	sand.u32 $0x1, s0;
	s0 =	stileid.u32  }
0x5: {  	s20 =	simm.s32 $0x2;
	s21 =	simm.s32 $0x2700;
	s8 =	smul.u32 $0x500, s0  }
0x6: {  	s22 =	simm.s32 $0x2780;
	[smem:$0x7FF] =	sst s3;
	s9 =	smul.u32 $0x2800, s0  }
0x7: {  	s4 =	sadd.s32 $0x7FC00, s6;
	s1 =	sshll.u32 s5, $0x4;
	s10 =	smul.u32 $0x28000, s5  }
0x8: {  	s11 =	smul.u32 $0x50000, s0;
	s29 =	ssub.s32 $0x2, s5;
	s1 =	sor.u32 s0, s1  }
0x9: {  	s31 =	sshrl.u32 s29, $0x1;
	s7 =	smul.u32 $0x500, s1;
	s1 =	rddreg [dreg:$0x2]  }
0xa: {  	_ =	strace $0x8000004D;
	s13 =	sadd.s32 s8, s6;
	s28 =	sadd.s32 s9, s10  }
0xb: {  	s30 =	sshrl.u32 s11, $0x2;
	s15 =	ssub.s32 s29, s31;
	s14 =	sadd.s32 s28, s6  }
0xc: {  	s5 =	sadd.s32 s30, s2;
	s11 =	sadd.s32 $0x53A00, s13;
	s13 =	smax.u32 s15, $0x1  }
0xd: {  	s15 =	simm.s32 $0x3;
	s12 =	sadd.s32 s7, s6;
	s6 =	sadd.s32 $0x4000, s5  }
0xe: {  	s7 =	sadd.s32 $0x8000, s5;
	s8 =	sadd.s32 $0xC000, s5;
	s9 =	sadd.s32 $0x10000, s5  }
0xf: {  	v0 =	vimm.f32 $0.0e+00;
	s10 =	sadd.s32 $0xFDA00, s12;
	s12 =	sadd.s32 $0x107A00, s14;
	s14 =	simm.s32 $0x2800  }
.LBB2_1:
0x10: {  	s23 =	simm.s32 $0x0;
	s24 =	simm.s32 $0x200  }
.LBB2_2:
0x11: {  	p0 =	sne.s32 s24, $0xFE00;
	[tilespmem:s23+$0x2870] =	vst v0  }
0x12: {  	[tilespmem:s23+$0x2800] =	vst v0  }
0x13: {  	[tilespmem:s23+$0x2810] =	vst v0  }
.Ltmp0:
0x14: {  	[tilespmem:s23+$0x2820] =	vst v0;
	(pc) =	sbr.rel @p0 .LBB2_2-.Ltmp0, $4  }
0x15: {  	[tilespmem:s23+$0x2830] =	vst v0  }
0x16: {  	[tilespmem:s23+$0x2840] =	vst v0  }
0x17: {  	[tilespmem:s23+$0x2850] =	vst v0  }
0x18: {  	[tilespmem:s23+$0x2860] =	vst v0;
	s23 =	sshra.s32 s24, $0x2;
	s24 =	sadd.s32 $0x200, s24  }
0x19: {  	[tilespmem:s23+$0x2870] =	vst v0  }
0x1a: {  	[tilespmem:s23+$0x2800] =	vst v0  }
0x1b: {  	[tilespmem:s23+$0x2810] =	vst v0  }
0x1c: {  	[tilespmem:s23+$0x2820] =	vst v0  }
0x1d: {  	[tilespmem:s23+$0x2830] =	vst v0  }
0x1e: {  	[tilespmem:s23+$0x2840] =	vst v0  }
0x1f: {  	[tilespmem:s23+$0x2850] =	vst v0  }
0x20: {  	[tilespmem:s23+$0x2860] =	vst v0  }
0x21: {  	[spmem:s5] =	stream.linear.scatter [tilespmem:s14], [sflag:$0x3], $0x4000, $0x38;
	[tilespmem:$0x1E800] =	vst v63  }
0x22: {  	_ =	swait.ge [sflag:s15], $0x4000  }
0x23: {  	[sflag:s15] =	ssyncset.done $0x0  }
0x24: {  	[sflag:s15] =	ssyncadd.s32 $0xFFFFC000  }
0x25: {  	[spmem:s6] =	stream.linear.scatter [tilespmem:s14], [sflag:$0x3], $0x4000, $0x38;
	[tilespmem:$0x1E800] =	vst v63  }
0x26: {  	_ =	swait.ge [sflag:s15], $0x4000  }
0x27: {  	[sflag:s15] =	ssyncset.done $0x0  }
0x28: {  	[sflag:s15] =	ssyncadd.s32 $0xFFFFC000  }
0x29: {  	[spmem:s7] =	stream.linear.scatter [tilespmem:s14], [sflag:$0x3], $0x4000, $0x38;
	[tilespmem:$0x1E800] =	vst v63  }
0x2a: {  	_ =	swait.ge [sflag:s15], $0x4000  }
0x2b: {  	[sflag:s15] =	ssyncset.done $0x0  }
0x2c: {  	[sflag:s15] =	ssyncadd.s32 $0xFFFFC000  }
0x2d: {  	[spmem:s8] =	stream.linear.scatter [tilespmem:s14], [sflag:$0x3], $0x4000, $0x38;
	[tilespmem:$0x1E800] =	vst v63  }
0x2e: {  	_ =	swait.ge [sflag:s15], $0x4000  }
0x2f: {  	[sflag:s15] =	ssyncset.done $0x0  }
0x30: {  	[sflag:s15] =	ssyncadd.s32 $0xFFFFC000  }
0x31: {  	[spmem:s9] =	stream.linear.scatter [tilespmem:s14], [sflag:$0x3], $0x4000, $0x38;
	[tilespmem:$0x1E800] =	vst v63  }
0x32: {  	_ =	swait.ge [sflag:s15], $0x4000  }
0x33: {  	[sflag:s15] =	ssyncset.done $0x0  }
0x34: {  	[sflag:s15] =	ssyncadd.s32 $0xFFFFC000  }
0x35: {  	s28 =	simm.s32 $0x0;
	[bflag:$0x0] =	sbarrier.arrive $0xFFFF  }
0x36: {  	[tilespmem:s28], [sflag:$0x3] =	stream.linear.gather [hbm4b:s10+s28], $0x1400, $0x38;
	[tilespmem:$0x1E800] =	vst v63  }
0x37: {  	_ =	swait.ge [sflag:s15], $0x1400  }
0x38: {  	[sflag:s15] =	ssyncset.done $0x0  }
0x39: {  	[sflag:s15] =	ssyncadd.s32 $0xFFFFEC00  }
0x3a: {  	[tilespmem:s16], [sflag:$0x3] =	stream.linear.gather [hbm4b:s11+s28], $0x1400, $0x38;
	[tilespmem:$0x1E800] =	vst v63  }
0x3b: {  	_ =	swait.ge [sflag:s15], $0x1400  }
0x3c: {  	[sflag:s15] =	ssyncset.done $0x0  }
0x3d: {  	[sflag:s15] =	ssyncadd.s32 $0xFFFFEC00  }
0x3e: {  	[tilespmem:s14], [sflag:$0x1] =	stream.indirect.gather [hbm4b:s4+s17], $0x80, s28, s17, $0xb8;
	[tilespmem:$0x1E800] =	vst v63  }
0x3f: {  	_ = 	snop  }
0x40: {  	[tilespmem:s18], [sflag:$0x2] =	stream.indirect.gather [hbm4b:s4+s17], $0x80, s17, s17, $0xb8;
	[tilespmem:$0x1E800] =	vst v63  }
0x41: {  	_ =	swait.ge [sflag:s19], $0x4000  }
0x42: {  	[sflag:s19] =	ssyncset.done $0x0  }
0x43: {  	s29 =	simm.s32 $0x1400;
	[sflag:s19] =	ssyncadd.s32 $0xFFFFC000  }
0x44: {  	[spmem:s2] =	stream.indirect.scatter.add.f32 [tilespmem:s14], [sflag:$0x3], $0x80, s29, s17, $0xb8;
	[tilespmem:$0x1E800] =	vst v63  }
0x45: {  	_ =	swait.ge [sflag:s15], $0x4000  }
0x46: {  	[sflag:s15] =	ssyncset.done $0x0  }
0x47: {  	s30 =	simm.s32 $0x100;
	[sflag:s15] =	ssyncadd.s32 $0xFFFFC000  }
0x48: {  	[tilespmem:s14], [sflag:$0x1] =	stream.indirect.gather [hbm4b:s4+s17], $0x80, s30, s17, $0xb8;
	[tilespmem:$0x1E800] =	vst v63  }
0x49: {  	_ =	swait.ge [sflag:s20], $0x4000  }
0x4a: {  	[sflag:s20] =	ssyncset.done $0x0  }
0x4b: {  	s31 =	simm.s32 $0x1480;
	[sflag:s20] =	ssyncadd.s32 $0xFFFFC000  }
0x4c: {  	[spmem:s2] =	stream.indirect.scatter.add.f32 [tilespmem:s18], [sflag:$0x3], $0x80, s31, s17, $0xb8;
	[tilespmem:$0x1E800] =	vst v63  }
0x4d: {  	_ =	swait.ge [sflag:s15], $0x4000  }
0x4e: {  	[sflag:s15] =	ssyncset.done $0x0  }
0x4f: {  	s23 =	simm.s32 $0x400;
	s24 =	simm.s32 $0x180;
	[sflag:s15] =	ssyncadd.s32 $0xFFFFC000  }
.LBB2_4:
0x50: {  	[tilespmem:s18], [sflag:$0x2] =	stream.indirect.gather [hbm4b:s4+s17], $0x80, s24, s17, $0xb8;
	[tilespmem:$0x1E800] =	vst v63  }
0x51: {  	s24 =	smov.u32 s23  }
0x52: {  	p0 =	sne.s32 s23, $0x4800;
	s23 =	sadd.s32 $0x400, s23;
	_ =	swait.ge [sflag:s19], $0x4000  }
0x53: {  	s24 =	sshra.s32 s24, $0x2;
	[sflag:s19] =	ssyncset.done $0x0  }
0x54: {  	s25 =	sadd.s32 $0x1400, s24;
	[sflag:s19] =	ssyncadd.s32 $0xFFFFC000  }
0x55: {  	[spmem:s2] =	stream.indirect.scatter.add.f32 [tilespmem:s14], [sflag:$0x3], $0x80, s25, s17, $0xb8;
	[tilespmem:$0x1E800] =	vst v63  }
0x56: {  	_ =	swait.ge [sflag:s15], $0x4000  }
0x57: {  	[sflag:s15] =	ssyncset.done $0x0  }
0x58: {  	s25 =	sadd.s32 $0x100, s24;
	[sflag:s15] =	ssyncadd.s32 $0xFFFFC000  }
0x59: {  	[tilespmem:s14], [sflag:$0x1] =	stream.indirect.gather [hbm4b:s4+s17], $0x80, s25, s17, $0xb8;
	[tilespmem:$0x1E800] =	vst v63  }
0x5a: {  	_ =	swait.ge [sflag:s20], $0x4000  }
0x5b: {  	[sflag:s20] =	ssyncset.done $0x0  }
.Ltmp1:
0x5c: {  	s25 =	sadd.s32 $0x1480, s24;
	[sflag:s20] =	ssyncadd.s32 $0xFFFFC000;
	(pc) =	sbr.rel @p0 .LBB2_4-.Ltmp1, $4  }
0x5d: {  	[spmem:s2] =	stream.indirect.scatter.add.f32 [tilespmem:s18], [sflag:$0x3], $0x80, s25, s17, $0xb8;
	[tilespmem:$0x1E800] =	vst v63  }
0x5e: {  	_ =	swait.ge [sflag:s15], $0x4000  }
0x5f: {  	[sflag:s15] =	ssyncset.done $0x0  }
0x60: {  	s24 =	sadd.s32 $0x180, s24;
	[sflag:s15] =	ssyncadd.s32 $0xFFFFC000  }
0x61: {  	[tilespmem:s18], [sflag:$0x2] =	stream.indirect.gather [hbm4b:s4+s17], $0x80, s24, s17, $0xb8;
	[tilespmem:$0x1E800] =	vst v63  }
0x62: {  	_ =	swait.ge [sflag:s19], $0x4000  }
0x63: {  	[sflag:s19] =	ssyncset.done $0x0  }
0x64: {  	[sflag:s19] =	ssyncadd.s32 $0xFFFFC000  }
0x65: {  	[spmem:s2] =	stream.indirect.scatter.add.f32 [tilespmem:s14], [sflag:$0x3], $0x80, s21, s17, $0xb8;
	[tilespmem:$0x1E800] =	vst v63  }
0x66: {  	_ =	swait.ge [sflag:s15], $0x4000  }
0x67: {  	[sflag:s15] =	ssyncset.done $0x0  }
0x68: {  	[sflag:s15] =	ssyncadd.s32 $0xFFFFC000  }
0x69: {  	_ =	swait.ge [sflag:s20], $0x4000  }
0x6a: {  	[sflag:s20] =	ssyncset.done $0x0  }
0x6b: {  	[sflag:s20] =	ssyncadd.s32 $0xFFFFC000  }
0x6c: {  	[spmem:s2] =	stream.indirect.scatter.add.f32 [tilespmem:s18], [sflag:$0x3], $0x80, s22, s17, $0xb8;
	[tilespmem:$0x1E800] =	vst v63  }
0x6d: {  	_ =	swait.ge [sflag:s15], $0x4000  }
0x6e: {  	[sflag:s15] =	ssyncset.done $0x0  }
0x6f: {  	s23 =	sadd.s32 $0x280, s10;
	s26 =	simm.s32 $0x0;
	[sflag:s15] =	ssyncadd.s32 $0xFFFFC000  }
0x70: {  	[tilespmem:s26], [sflag:$0x3] =	stream.linear.gather [hbm4b:s23+s26], $0x1400, $0x38;
	[tilespmem:$0x1E800] =	vst v63  }
0x71: {  	_ =	swait.ge [sflag:s15], $0x1400  }
0x72: {  	[sflag:s15] =	ssyncset.done $0x0  }
0x73: {  	s28 =	sadd.s32 $0x280, s11;
	[sflag:s15] =	ssyncadd.s32 $0xFFFFEC00  }
0x74: {  	[tilespmem:s16], [sflag:$0x3] =	stream.linear.gather [hbm4b:s28+s26], $0x1400, $0x38;
	[tilespmem:$0x1E800] =	vst v63  }
0x75: {  	_ =	swait.ge [sflag:s15], $0x1400  }
0x76: {  	[sflag:s15] =	ssyncset.done $0x0  }
0x77: {  	[sflag:s15] =	ssyncadd.s32 $0xFFFFEC00  }
0x78: {  	[tilespmem:s14], [sflag:$0x1] =	stream.indirect.gather [hbm4b:s4+s17], $0x80, s26, s17, $0xb8;
	[tilespmem:$0x1E800] =	vst v63  }
0x79: {  	_ = 	snop  }
0x7a: {  	[tilespmem:s18], [sflag:$0x2] =	stream.indirect.gather [hbm4b:s4+s17], $0x80, s17, s17, $0xb8;
	[tilespmem:$0x1E800] =	vst v63  }
0x7b: {  	_ =	swait.ge [sflag:s19], $0x4000  }
0x7c: {  	[sflag:s19] =	ssyncset.done $0x0  }
0x7d: {  	s29 =	simm.s32 $0x1400;
	[sflag:s19] =	ssyncadd.s32 $0xFFFFC000  }
0x7e: {  	[spmem:s2] =	stream.indirect.scatter.add.f32 [tilespmem:s14], [sflag:$0x3], $0x80, s29, s17, $0xb8;
	[tilespmem:$0x1E800] =	vst v63  }
0x7f: {  	_ =	swait.ge [sflag:s15], $0x4000  }
0x80: {  	[sflag:s15] =	ssyncset.done $0x0  }
0x81: {  	s30 =	simm.s32 $0x100;
	[sflag:s15] =	ssyncadd.s32 $0xFFFFC000  }
0x82: {  	[tilespmem:s14], [sflag:$0x1] =	stream.indirect.gather [hbm4b:s4+s17], $0x80, s30, s17, $0xb8;
	[tilespmem:$0x1E800] =	vst v63  }
0x83: {  	_ =	swait.ge [sflag:s20], $0x4000  }
0x84: {  	[sflag:s20] =	ssyncset.done $0x0  }
0x85: {  	s31 =	simm.s32 $0x1480;
	[sflag:s20] =	ssyncadd.s32 $0xFFFFC000  }
0x86: {  	[spmem:s2] =	stream.indirect.scatter.add.f32 [tilespmem:s18], [sflag:$0x3], $0x80, s31, s17, $0xb8;
	[tilespmem:$0x1E800] =	vst v63  }
0x87: {  	_ =	swait.ge [sflag:s15], $0x4000  }
0x88: {  	[sflag:s15] =	ssyncset.done $0x0  }
0x89: {  	s24 =	simm.s32 $0x180;
	s23 =	simm.s32 $0x400;
	[sflag:s15] =	ssyncadd.s32 $0xFFFFC000  }
.LBB2_6:
0x8a: {  	[tilespmem:s18], [sflag:$0x2] =	stream.indirect.gather [hbm4b:s4+s17], $0x80, s24, s17, $0xb8;
	[tilespmem:$0x1E800] =	vst v63  }
0x8b: {  	s24 =	smov.u32 s23  }
0x8c: {  	p0 =	sne.s32 s23, $0x4800;
	s23 =	sadd.s32 $0x400, s23;
	_ =	swait.ge [sflag:s19], $0x4000  }
0x8d: {  	s24 =	sshra.s32 s24, $0x2;
	[sflag:s19] =	ssyncset.done $0x0  }
0x8e: {  	s25 =	sadd.s32 $0x1400, s24;
	[sflag:s19] =	ssyncadd.s32 $0xFFFFC000  }
0x8f: {  	[spmem:s2] =	stream.indirect.scatter.add.f32 [tilespmem:s14], [sflag:$0x3], $0x80, s25, s17, $0xb8;
	[tilespmem:$0x1E800] =	vst v63  }
0x90: {  	_ =	swait.ge [sflag:s15], $0x4000  }
0x91: {  	[sflag:s15] =	ssyncset.done $0x0  }
0x92: {  	s25 =	sadd.s32 $0x100, s24;
	[sflag:s15] =	ssyncadd.s32 $0xFFFFC000  }
0x93: {  	[tilespmem:s14], [sflag:$0x1] =	stream.indirect.gather [hbm4b:s4+s17], $0x80, s25, s17, $0xb8;
	[tilespmem:$0x1E800] =	vst v63  }
0x94: {  	_ =	swait.ge [sflag:s20], $0x4000  }
0x95: {  	[sflag:s20] =	ssyncset.done $0x0  }
.Ltmp2:
0x96: {  	s25 =	sadd.s32 $0x1480, s24;
	[sflag:s20] =	ssyncadd.s32 $0xFFFFC000;
	(pc) =	sbr.rel @p0 .LBB2_6-.Ltmp2, $4  }
0x97: {  	[spmem:s2] =	stream.indirect.scatter.add.f32 [tilespmem:s18], [sflag:$0x3], $0x80, s25, s17, $0xb8;
	[tilespmem:$0x1E800] =	vst v63  }
0x98: {  	_ =	swait.ge [sflag:s15], $0x4000  }
0x99: {  	[sflag:s15] =	ssyncset.done $0x0  }
0x9a: {  	s24 =	sadd.s32 $0x180, s24;
	[sflag:s15] =	ssyncadd.s32 $0xFFFFC000  }
0x9b: {  	[tilespmem:s18], [sflag:$0x2] =	stream.indirect.gather [hbm4b:s4+s17], $0x80, s24, s17, $0xb8;
	[tilespmem:$0x1E800] =	vst v63  }
0x9c: {  	_ =	swait.ge [sflag:s19], $0x4000  }
0x9d: {  	[sflag:s19] =	ssyncset.done $0x0  }
0x9e: {  	[sflag:s19] =	ssyncadd.s32 $0xFFFFC000  }
0x9f: {  	[spmem:s2] =	stream.indirect.scatter.add.f32 [tilespmem:s14], [sflag:$0x3], $0x80, s21, s17, $0xb8;
	[tilespmem:$0x1E800] =	vst v63  }
0xa0: {  	_ =	swait.ge [sflag:s15], $0x4000  }
0xa1: {  	[sflag:s15] =	ssyncset.done $0x0  }
0xa2: {  	[sflag:s15] =	ssyncadd.s32 $0xFFFFC000  }
0xa3: {  	_ =	swait.ge [sflag:s20], $0x4000  }
0xa4: {  	[sflag:s20] =	ssyncset.done $0x0  }
0xa5: {  	[sflag:s20] =	ssyncadd.s32 $0xFFFFC000  }
0xa6: {  	[spmem:s2] =	stream.indirect.scatter.add.f32 [tilespmem:s18], [sflag:$0x3], $0x80, s22, s17, $0xb8;
	[tilespmem:$0x1E800] =	vst v63  }
0xa7: {  	_ =	swait.ge [sflag:s15], $0x4000  }
0xa8: {  	s23 =	sshll.u32 s0, $0x6;
	s3 =	sadd.s32 $0x1, s3;
	[sflag:s15] =	ssyncset.done $0x0  }
0xa9: {  	s31 =	sshrl.u32 s5, $0x3;
	p0 =	sne.s32 s3, s13;
	[sflag:s15] =	ssyncadd.s32 $0xFFFFC000  }
.Ltmp3:
0xaa: {  	s23 =	sor.u32 $0x1C03, s23;
	[bflag:$0x0] =	sbarrier.arrive $0xFFFF;
	(pc) =	sbr.rel @p0 .LBB2_1-.Ltmp3, $4  }
0xab: {  	[hbm:s12], [sflag:s23] =	dma.local [spmem:s31], $0x2800  }
0xac: {  	_ =	swait.ge [sflag:s15], $0x2800  }
0xad: {  	[sflag:s15] =	ssyncset.done $0x0  }
0xae: {  	[sflag:s15] =	ssyncadd.s32 $0xFFFFD800  }
0xaf: {  	_ =	sfence.sel $0x180000  }
0xb0: {  	[bflag:$0x0] =	sbarrier.arrive $0xFFFF  }
0xb1: {  	p0 =	sne.s32 s0, $0x0;
	_ =	strace $0x9000004D  }
0xb2: {  	s0 =	sadd.s32 @!p0 $0x100000, s1;
	[bflag:$0x2] =	sbarrier.arrive $0xFFFF  }
0xb3: {  	[sflag:s0] =	ssyncadd.tile.s32 @!p0 $0x1;
	_ =	shalt  }
.Lfunc_end2:
_tile_overlayer_lowered:
.L_overlay_start_2:
0xb4: {  	(tag) =	ssettag $0x2  }
0xb5: {  	s0 =	rddreg [dreg:$0x0];
	s2 =	stileid.u32  }
0xb6: {  	s1 =	rddreg [dreg:$0x1];
	p0 =	sne.s32 s2, $0x0  }
0xb7: {  	s3 =	rddreg [dreg:$0x2];
	[bflag:$0x3] =	sbarrier.arrive $0xFFFF;
	s2 =	simm.s32 @!p0 $0x1C03  }
0xb8: {  	[timem:s3], [sflag:s2] =	dma.local @!p0 [hbm:s0], s1  }
0xb9: {  	s0 =	simm.s32 @!p0 $0x3  }
0xba: {  	_ =	swait.ge @!p0 [sflag:s0], s1  }
0xbb: {  	s1 =	ssub.s32 @!p0 $0x0, s1;
	[sflag:s0] =	ssyncset.done @!p0 $0x0  }
0xbc: {  	[sflag:s0] =	ssyncadd.s32 @!p0 s1  }
0xbd: {  	[bflag:$0x3] =	sbarrier.arrive $0xFFFF  }
0xbe: {  	_ =	shalt  }

// kernel: kernel.20.cloned.1.call-start
scs
__scs_entry_jumppad:
0x0: {  	(pc) =	sbr.rel $0x88, $3  }
0x1: {  	(tag) =	ssettag $0x0;
	lr =	simm.s32 $0x1  }
0x2: {  	[smem:$0x3F91] =	sst lr;
	_ =	strace $0xD0000000  }
0x3: {  	_ = 	snop  }
0x4: {  	_ = 	snop  }
0x5: {  	_ = 	snop  }
0x6: {  	_ = 	snop  }
0x7: {  	_ = 	snop  }
__scs_overlays_trampoline_lowered:
0x8: {  	[smem:$0x3FA0] =	sst s0  }
0x9: {  	[smem:$0x3FA1] =	sst s1  }
0xa: {  	[smem:$0x3FA2] =	sst s2  }
0xb: {  	[smem:$0x3FA3] =	sst s3  }
0xc: {  	[smem:$0x3FA4] =	sst s4  }
0xd: {  	[smem:$0x3FA5] =	sst s5  }
0xe: {  	[smem:$0x3FA6] =	sst s6  }
0xf: {  	[smem:$0x3FA7] =	sst s7  }
0x10: {  	[smem:$0x3FA8] =	sst s8  }
0x11: {  	[smem:$0x3FA9] =	sst s9;
	s0 =	simm.s32 @!p0 $0x0  }
0x12: {  	s1 =	sld [smem:$0x3F8F];
	s0 =	simm.s32 @p0 $0x1  }
0x13: {  	[smem:$0x3FAA] =	sst s0;
	s0 =	simm.s32 @!p1 $0x0  }
0x14: {  	s2 =	sld [smem:$0x3F8E];
	s0 =	simm.s32 @p1 $0x1  }
0x15: {  	[smem:$0x3FAB] =	sst s0;
	s0 =	simm.s32 @!p2 $0x0  }
0x16: {  	s3 =	sld [smem:$0x3FDB];
	s0 =	simm.s32 @p2 $0x1  }
0x17: {  	s4 =	simm.s32 $0x1BF5;
	[smem:$0x3FAD] =	sst s0  }
0x18: {  	s0 =	sld [smem:$0x3F90];
	_ =	swait.ge [sflag:s4], $0x0  }
0x19: {  	s7 =	sld [smem:$0x3F91]  }
0x1a: {  	s8 =	sadd.s32 $0xFFFFE003, lr  }
0x1b: {  	s9 =	sadd.s32 $0xFFFFFEF7, lr;
	s5 =	simm.s32 $0xFFFFFFFF;
	p2 =	slt.u32 s8, $0xFFFFF086  }
0x1c: {  	p1 =	slt.u32 s9, $0xF7A;
	s5 =	simm.s32 @!p2 $0x0  }
0x1d: {  	s5 =	simm.s32 @p1 $0x1;
	p0 =	seq.s32 s7, s2  }
0x1e: {  	s7 =	smul.u32 @!p0 $0xF7A, s2;
	p2 =	seq.s32 @!p0 s5, $0x0  }
0x1f: {  	s9 =	smul.u32 $0xF7A, s1;
	s8 =	simm.s32 @!p0 $0x1BF5;
	p2 =	por !p2, p0  }
0x20: {  	[sflag:s8] =	ssyncset.s32 @!p0 $0xFFFFF086;
	s6 =	sadd.s32 @!p0 s3, s7;
	s7 =	simm.s32 @!p0 $0x108  }
0x21: {  	s3 =	sadd.s32 s3, s9;
	s6 =	sadd.s32 @!p0 $0x88, s6;
	s7 =	simm.s32 @p2 $0x1082  }
0x22: {  	[simem:s7], [sflag:s8] =	dma.local @!p0 [hbm:s6], $0xF7A  }
0x23: {  	s9 =	sor.u32 $0xD0000000, s2;
	s6 =	simm.s32 $0x108;
	_ =	swait.ge @!p0 [sflag:s8], $0x0  }
0x24: {  	s3 =	sadd.s32 $0x88, s3;
	s6 =	simm.s32 @!p1 $0x1082;
	[sflag:s4] =	ssyncset.s32 $0xFFFFF086  }
0x25: {  	[simem:s6], [sflag:s4] =	dma.local [hbm:s3], $0xF7A  }
0x26: {  	[smem:$0x3F91] =	sst s1;
	(tag) =	ssettag s2;
	_ =	strace s9  }
0x27: {  	s1 =	sld [smem:$0x3FA1]  }
0x28: {  	s2 =	sld [smem:$0x3FA2]  }
0x29: {  	s4 =	sld [smem:$0x3FA4]  }
0x2a: {  	p0 =	seq.s32 s5, $0x0;
	s5 =	sld [smem:$0x3FA5]  }
0x2b: {  	s6 =	sld [smem:$0x3FA6]  }
0x2c: {  	s7 =	sld [smem:$0x3FA7]  }
0x2d: {  	s3 =	simm.s32 $0x108;
	s8 =	sld [smem:$0x3FA8]  }
0x2e: {  	s3 =	simm.s32 @!p0 $0x1082;
	s9 =	sld [smem:$0x3FA9]  }
0x2f: {  	lr =	sadd.s32 s0, s3;
	s0 =	sld [smem:$0x3FA0]  }
0x30: {  	s3 =	sld [smem:$0x3FA3]  }
0x31: {  	[smem:$0x3FAC] =	sst s10  }
0x32: {  	s10 =	sld [smem:$0x3FAA];
	_ =	sdelay $0x3  }
0x33: {  	p0 =	seq.s32 s10, $0x1;
	s10 =	sld [smem:$0x3FAC];
	_ =	sdelay $0x3  }
0x34: {  	[smem:$0x3FAC] =	sst s10  }
0x35: {  	s10 =	sld [smem:$0x3FAB];
	_ =	sdelay $0x3  }
0x36: {  	p1 =	seq.s32 s10, $0x1;
	s10 =	sld [smem:$0x3FAC];
	_ =	sdelay $0x3  }
0x37: {  	[smem:$0x3FAC] =	sst s10  }
0x38: {  	s10 =	sld [smem:$0x3FAD]  }
0x39: {  	_ = 	snop;
	(pc) =	sbr.ind lr, $3  }
0x3a: {  	_ = 	snop  }
0x3b: {  	_ = 	snop  }
0x3c: {  	p2 =	seq.s32 s10, $0x1;
	s10 =	sld [smem:$0x3FAC]  }
0x3d: {  	_ =	shalt  }
0x3e: {  	_ =	shalt  }
0x3f: {  	_ =	shalt  }
0x40: {  	_ =	shalt  }
0x41: {  	_ =	shalt  }
0x42: {  	_ =	shalt  }
0x43: {  	_ =	shalt  }
0x44: {  	_ =	shalt  }
0x45: {  	_ =	shalt  }
0x46: {  	_ =	shalt  }
0x47: {  	_ =	shalt  }
0x48: {  	_ =	shalt  }
0x49: {  	_ =	shalt  }
0x4a: {  	_ =	shalt  }
0x4b: {  	_ =	shalt  }
0x4c: {  	_ =	shalt  }
0x4d: {  	_ =	shalt  }
0x4e: {  	_ =	shalt  }
0x4f: {  	_ =	shalt  }
0x50: {  	_ =	shalt  }
0x51: {  	_ =	shalt  }
0x52: {  	_ =	shalt  }
0x53: {  	_ =	shalt  }
0x54: {  	_ =	shalt  }
0x55: {  	_ =	shalt  }
0x56: {  	_ =	shalt  }
0x57: {  	_ =	shalt  }
0x58: {  	_ =	shalt  }
0x59: {  	_ =	shalt  }
0x5a: {  	_ =	shalt  }
0x5b: {  	_ =	shalt  }
0x5c: {  	_ =	shalt  }
0x5d: {  	_ =	shalt  }
0x5e: {  	_ =	shalt  }
0x5f: {  	_ =	shalt  }
0x60: {  	_ =	shalt  }
0x61: {  	_ =	shalt  }
0x62: {  	_ =	shalt  }
0x63: {  	_ =	shalt  }
0x64: {  	_ =	shalt  }
0x65: {  	_ =	shalt  }
0x66: {  	_ =	shalt  }
0x67: {  	_ =	shalt  }
0x68: {  	_ =	shalt  }
0x69: {  	_ =	shalt  }
0x6a: {  	_ =	shalt  }
0x6b: {  	_ =	shalt  }
0x6c: {  	_ =	shalt  }
0x6d: {  	_ =	shalt  }
0x6e: {  	_ =	shalt  }
0x6f: {  	_ =	shalt  }
0x70: {  	_ =	shalt  }
0x71: {  	_ =	shalt  }
0x72: {  	_ =	shalt  }
0x73: {  	_ =	shalt  }
0x74: {  	_ =	shalt  }
0x75: {  	_ =	shalt  }
0x76: {  	_ =	shalt  }
0x77: {  	_ =	shalt  }
0x78: {  	_ =	shalt  }
0x79: {  	_ =	shalt  }
0x7a: {  	_ =	shalt  }
0x7b: {  	_ =	shalt  }
0x7c: {  	_ =	shalt  }
0x7d: {  	_ =	shalt  }
0x7e: {  	_ =	shalt  }
0x7f: {  	_ =	shalt  }
0x80: {  	_ =	shalt  }
0x81: {  	_ =	shalt  }
0x82: {  	_ =	shalt  }
0x83: {  	_ =	shalt  }
0x84: {  	_ =	shalt  }
0x85: {  	_ =	shalt  }
0x86: {  	_ =	shalt  }
0x87: {  	_ =	shalt  }
.Lfunc_end0:
.L_simem_size_0:
called_computation.3_lowered:
.L_overlay_start_0:
0x88: {  	s2 =	sld [smem:$0x3FD9]  }
0x89: {  	s3 =	sld [smem:$0x3FFE];
	_ =	sdelay $0x1  }
0x8a: {  	s1 =	srdreg.scid  }
0x8b: {  	s0 =	sand.u32 $0x1, s1  }
0x8c: {  	s16 =	sshll.u32 s0, $0xA;
	s2 =	sadd.s32 s3, s2  }
0x8d: {  	s2 =	sadd.s32 s2, s16  }
0x8e: {  	[smem:$0x3FB8] =	sst s2  }
0x8f: {  	_ = 	snop  }
0x90: {  	(tm) =	ssettm $0x1  }
0x91: {  	s17 =	sld [smem:$0x3FFB];
	_ =	sdelay $0x3  }
0x92: {  	_ =	strace s17  }
0x93: {  	s2 =	sld [smem:$0x3FFC];
	_ =	sdelay $0x3  }
0x94: {  	_ =	strace s2  }
0x95: {  	s2 =	sld [smem:$0x3FFD];
	_ =	sdelay $0x3  }
0x96: {  	_ =	strace s2  }
0x97: {  	_ =	strace $0x8FFFFFFF  }
0x98: {  	s18 =	sld [smem:$0x3FDB];
	_ =	sdelay $0x1  }
0x99: {  	s19 =	simm.s32 $_scs_section_size  }
0x9a: {  	s4 =	simm.s32 $_size__tile_overlayer_lowered;
	s5 =	simm.s32 $_tile_overlayer_lowered  }
0x9b: {  	s22 =	simm.s32 $0x1BFF;
	s21 =	sshll.u32 s5, $0x1;
	s2 =	sadd.s32 s19, s18  }
0x9c: {  	s6 =	simm.s32 $0x0;
	s20 =	sshll.u32 s4, $0x1;
	s4 =	sadd.s32 s21, s2  }
0x9d: {  	[timem:s6], [sflag:s22] =	dma.local [hbm:s4], s20  }
0x9e: {  	_ =	swait.ge [sflag:s22], s20  }
0x9f: {  	s3 =	ssub.s32 $0x0, s20;
	[sflag:s22] =	ssyncset.done $0x0  }
0xa0: {  	[sflag:s22] =	ssyncadd.s32 s3;
	_ =	sdelay $0x1  }
0xa1: {  	s23 =	simm.s32 $0x1B8B  }
0xa2: {  	_ =	swait.ge [sflag:s23], $0x1  }
0xa3: {  	[sflag:s23] =	ssyncset.done $0x0  }
0xa4: {  	s25 =	simm.s32 $0x1B8E;
	s24 =	sld [smem:$0x3FFE];
	[sflag:s23] =	ssyncadd.s32 $0xFFFFFFFF  }
0xa5: {  	s26 =	simm.s32 $execute0_lowered;
	[smem:$0x3FD2] =	sst s25  }
0xa6: {  	s4 =	sshll.u32 s26, $0x1;
	_ =	strace $0x8000004F;
	[dreg:$0x1] =	wrdreg $0xFFFFFFFF  }
0xa7: {  	s28 =	simm.s32 $_size_execute0_lowered;
	s2 =	sadd.s32 s2, s4;
	[dreg:$0x0] =	wrdreg $0x0  }
0xa8: {  	s4 =	sshll.u32 s28, $0x1;
	[dreg:$0x2] =	wrdreg s2  }
0xa9: {  	[dreg:$0x3] =	wrdreg s4  }
0xaa: {  	[dreg:$0x4] =	wrdreg $0xC0  }
0xab: {  	_ =	task [dreg:s6], $0x5FFFF  }
0xac: {  	[dreg:$0x1] =	wrdreg $0xFFFFFFFF  }
0xad: {  	[dreg:$0x0] =	wrdreg $0x60  }
0xae: {  	[dreg:$0x2] =	wrdreg s24  }
0xaf: {  	[dreg:$0x3] =	wrdreg $0xA8000  }
0xb0: {  	[dreg:$0x4] =	wrdreg $0x9  }
0xb1: {  	_ =	task.clear_ibuf [dreg:s6], $0x5FFFF;
	_ =	strace $0x9000004F  }
0xb2: {  	s29 =	simm.s32 $0x9;
	_ =	strace $0x80000051  }
0xb3: {  	_ =	swait.ge [sflag:s29], $0x1  }
0xb4: {  	[sflag:s29] =	ssyncadd.s32 $0xFFFFFFFF  }
0xb5: {  	_ =	strace $0x90000051  }
0xb6: {  	_ =	sfence  }
0xb7: {  	s30 =	sld [smem:$0x0];
	_ =	sdelay $0x2  }
0xb8: {  	s31 =	sshll.u32 s1, $0xD;
	s1 =	sshrl.u32 s1, $0x2  }
0xb9: {  	s3 =	sand.u32 $0x4000, s31;
	s1 =	sadd.s32 s1, s30  }
0xba: {  	s0 =	sor.u32 s3, s0;
	s1 =	sshll.u32 s1, $0x11  }
0xbb: {  	s0 =	sor.u32 s1, s0  }
0xbc: {  	s0 =	sadd.s32 $0x8F2B, s0  }
0xbd: {  	[sflag:s0] =	ssyncadd.remote.s32 $0x1  }
0xbe: {  	_ =	sfence.sel $0xFFFF  }
0xbf: {  	[dreg:$0x0] =	wrdreg $0xFFFFFFFF;
	(pc) =	sbr.abs _section_cstart, $3  }
0xc0: {  	[dreg:$0x1] =	wrdreg $0xFFFFFFFF  }
0xc1: {  	_ =	task.clear_ibuf [dreg:s6], $0x2FFFF;
	_ =	strace $0x9FFFFFFF  }
0xc2: {  	(tm) =	ssettm $0x7FFFFFFF  }
0xc3: {  	_ =	shalt  }
tec
execute0_lowered:
.L_overlay_start_1:
0x0: {  	(tag) =	ssettag $0x1  }
0x1: {  	s6 =	rddreg [dreg:$0x0]  }
0x2: {  	s0 =	srdreg.scid;
	s2 =	rddreg [dreg:$0x1];
	s3 =	simm.s32 $0x0  }
0x3: {  	s16 =	simm.s32 $0x1400;
	s17 =	simm.s32 $0x80;
	s18 =	simm.s32 $0x6800  }
0x4: {  	s19 =	simm.s32 $0x1;
	s5 =	sand.u32 $0x1, s0;
	s0 =	stileid.u32  }
0x5: {  	s20 =	simm.s32 $0x2;
	s21 =	simm.s32 $0x2700;
	s8 =	smul.u32 $0x500, s0  }
0x6: {  	s22 =	simm.s32 $0x2780;
	[smem:$0x7FF] =	sst s3;
	s9 =	smul.u32 $0x2800, s0  }
0x7: {  	s4 =	sadd.s32 $0x7FC00, s6;
	s1 =	sshll.u32 s5, $0x4;
	s10 =	smul.u32 $0x28000, s5  }
0x8: {  	s11 =	smul.u32 $0x50000, s0;
	s29 =	ssub.s32 $0x2, s5;
	s1 =	sor.u32 s0, s1  }
0x9: {  	s31 =	sshrl.u32 s29, $0x1;
	s7 =	smul.u32 $0x500, s1;
	s1 =	rddreg [dreg:$0x2]  }
0xa: {  	_ =	strace $0x80000050;
	s13 =	sadd.s32 s8, s6;
	s28 =	sadd.s32 s9, s10  }
0xb: {  	s30 =	sshrl.u32 s11, $0x2;
	s15 =	ssub.s32 s29, s31;
	s14 =	sadd.s32 s28, s6  }
0xc: {  	s5 =	sadd.s32 s30, s2;
	s11 =	sadd.s32 $0x53A00, s13;
	s13 =	smax.u32 s15, $0x1  }
0xd: {  	s15 =	simm.s32 $0x3;
	s12 =	sadd.s32 s7, s6;
	s6 =	sadd.s32 $0x4000, s5  }
0xe: {  	s7 =	sadd.s32 $0x8000, s5;
	s8 =	sadd.s32 $0xC000, s5;
	s9 =	sadd.s32 $0x10000, s5  }
0xf: {  	v0 =	vimm.f32 $0.0e+00;
	s10 =	sadd.s32 $0xFDA00, s12;
	s12 =	sadd.s32 $0x107A00, s14;
	s14 =	simm.s32 $0x2800  }
.LBB2_1:
0x10: {  	s23 =	simm.s32 $0x0;
	s24 =	simm.s32 $0x200  }
.LBB2_2:
0x11: {  	p0 =	sne.s32 s24, $0xFE00;
	[tilespmem:s23+$0x2870] =	vst v0  }
0x12: {  	[tilespmem:s23+$0x2800] =	vst v0  }
0x13: {  	[tilespmem:s23+$0x2810] =	vst v0  }
.Ltmp0:
0x14: {  	[tilespmem:s23+$0x2820] =	vst v0;
	(pc) =	sbr.rel @p0 .LBB2_2-.Ltmp0, $4  }
0x15: {  	[tilespmem:s23+$0x2830] =	vst v0  }
0x16: {  	[tilespmem:s23+$0x2840] =	vst v0  }
0x17: {  	[tilespmem:s23+$0x2850] =	vst v0  }
0x18: {  	[tilespmem:s23+$0x2860] =	vst v0;
	s23 =	sshra.s32 s24, $0x2;
	s24 =	sadd.s32 $0x200, s24  }
0x19: {  	[tilespmem:s23+$0x2870] =	vst v0  }
0x1a: {  	[tilespmem:s23+$0x2800] =	vst v0  }
0x1b: {  	[tilespmem:s23+$0x2810] =	vst v0  }
0x1c: {  	[tilespmem:s23+$0x2820] =	vst v0  }
0x1d: {  	[tilespmem:s23+$0x2830] =	vst v0  }
0x1e: {  	[tilespmem:s23+$0x2840] =	vst v0  }
0x1f: {  	[tilespmem:s23+$0x2850] =	vst v0  }
0x20: {  	[tilespmem:s23+$0x2860] =	vst v0  }
0x21: {  	[spmem:s5] =	stream.linear.scatter [tilespmem:s14], [sflag:$0x3], $0x4000, $0x38;
	[tilespmem:$0x1E800] =	vst v63  }
0x22: {  	_ =	swait.ge [sflag:s15], $0x4000  }
0x23: {  	[sflag:s15] =	ssyncset.done $0x0  }
0x24: {  	[sflag:s15] =	ssyncadd.s32 $0xFFFFC000  }
0x25: {  	[spmem:s6] =	stream.linear.scatter [tilespmem:s14], [sflag:$0x3], $0x4000, $0x38;
	[tilespmem:$0x1E800] =	vst v63  }
0x26: {  	_ =	swait.ge [sflag:s15], $0x4000  }
0x27: {  	[sflag:s15] =	ssyncset.done $0x0  }
0x28: {  	[sflag:s15] =	ssyncadd.s32 $0xFFFFC000  }
0x29: {  	[spmem:s7] =	stream.linear.scatter [tilespmem:s14], [sflag:$0x3], $0x4000, $0x38;
	[tilespmem:$0x1E800] =	vst v63  }
0x2a: {  	_ =	swait.ge [sflag:s15], $0x4000  }
0x2b: {  	[sflag:s15] =	ssyncset.done $0x0  }
0x2c: {  	[sflag:s15] =	ssyncadd.s32 $0xFFFFC000  }
0x2d: {  	[spmem:s8] =	stream.linear.scatter [tilespmem:s14], [sflag:$0x3], $0x4000, $0x38;
	[tilespmem:$0x1E800] =	vst v63  }
0x2e: {  	_ =	swait.ge [sflag:s15], $0x4000  }
0x2f: {  	[sflag:s15] =	ssyncset.done $0x0  }
0x30: {  	[sflag:s15] =	ssyncadd.s32 $0xFFFFC000  }
0x31: {  	[spmem:s9] =	stream.linear.scatter [tilespmem:s14], [sflag:$0x3], $0x4000, $0x38;
	[tilespmem:$0x1E800] =	vst v63  }
0x32: {  	_ =	swait.ge [sflag:s15], $0x4000  }
0x33: {  	[sflag:s15] =	ssyncset.done $0x0  }
0x34: {  	[sflag:s15] =	ssyncadd.s32 $0xFFFFC000  }
0x35: {  	s28 =	simm.s32 $0x0;
	[bflag:$0x0] =	sbarrier.arrive $0xFFFF  }
0x36: {  	[tilespmem:s28], [sflag:$0x3] =	stream.linear.gather [hbm4b:s10+s28], $0x1400, $0x38;
	[tilespmem:$0x1E800] =	vst v63  }
0x37: {  	_ =	swait.ge [sflag:s15], $0x1400  }
0x38: {  	[sflag:s15] =	ssyncset.done $0x0  }
0x39: {  	[sflag:s15] =	ssyncadd.s32 $0xFFFFEC00  }
0x3a: {  	[tilespmem:s16], [sflag:$0x3] =	stream.linear.gather [hbm4b:s11+s28], $0x1400, $0x38;
	[tilespmem:$0x1E800] =	vst v63  }
0x3b: {  	_ =	swait.ge [sflag:s15], $0x1400  }
0x3c: {  	[sflag:s15] =	ssyncset.done $0x0  }
0x3d: {  	[sflag:s15] =	ssyncadd.s32 $0xFFFFEC00  }
0x3e: {  	[tilespmem:s14], [sflag:$0x1] =	stream.indirect.gather [hbm4b:s4+s17], $0x80, s28, s17, $0xb8;
	[tilespmem:$0x1E800] =	vst v63  }
0x3f: {  	_ = 	snop  }
0x40: {  	[tilespmem:s18], [sflag:$0x2] =	stream.indirect.gather [hbm4b:s4+s17], $0x80, s17, s17, $0xb8;
	[tilespmem:$0x1E800] =	vst v63  }
0x41: {  	_ =	swait.ge [sflag:s19], $0x4000  }
0x42: {  	[sflag:s19] =	ssyncset.done $0x0  }
0x43: {  	s29 =	simm.s32 $0x1400;
	[sflag:s19] =	ssyncadd.s32 $0xFFFFC000  }
0x44: {  	[spmem:s2] =	stream.indirect.scatter.add.f32 [tilespmem:s14], [sflag:$0x3], $0x80, s29, s17, $0xb8;
	[tilespmem:$0x1E800] =	vst v63  }
0x45: {  	_ =	swait.ge [sflag:s15], $0x4000  }
0x46: {  	[sflag:s15] =	ssyncset.done $0x0  }
0x47: {  	s30 =	simm.s32 $0x100;
	[sflag:s15] =	ssyncadd.s32 $0xFFFFC000  }
0x48: {  	[tilespmem:s14], [sflag:$0x1] =	stream.indirect.gather [hbm4b:s4+s17], $0x80, s30, s17, $0xb8;
	[tilespmem:$0x1E800] =	vst v63  }
0x49: {  	_ =	swait.ge [sflag:s20], $0x4000  }
0x4a: {  	[sflag:s20] =	ssyncset.done $0x0  }
0x4b: {  	s31 =	simm.s32 $0x1480;
	[sflag:s20] =	ssyncadd.s32 $0xFFFFC000  }
0x4c: {  	[spmem:s2] =	stream.indirect.scatter.add.f32 [tilespmem:s18], [sflag:$0x3], $0x80, s31, s17, $0xb8;
	[tilespmem:$0x1E800] =	vst v63  }
0x4d: {  	_ =	swait.ge [sflag:s15], $0x4000  }
0x4e: {  	[sflag:s15] =	ssyncset.done $0x0  }
0x4f: {  	s23 =	simm.s32 $0x400;
	s24 =	simm.s32 $0x180;
	[sflag:s15] =	ssyncadd.s32 $0xFFFFC000  }
.LBB2_4:
0x50: {  	[tilespmem:s18], [sflag:$0x2] =	stream.indirect.gather [hbm4b:s4+s17], $0x80, s24, s17, $0xb8;
	[tilespmem:$0x1E800] =	vst v63  }
0x51: {  	s24 =	smov.u32 s23  }
0x52: {  	p0 =	sne.s32 s23, $0x4800;
	s23 =	sadd.s32 $0x400, s23;
	_ =	swait.ge [sflag:s19], $0x4000  }
0x53: {  	s24 =	sshra.s32 s24, $0x2;
	[sflag:s19] =	ssyncset.done $0x0  }
0x54: {  	s25 =	sadd.s32 $0x1400, s24;
	[sflag:s19] =	ssyncadd.s32 $0xFFFFC000  }
0x55: {  	[spmem:s2] =	stream.indirect.scatter.add.f32 [tilespmem:s14], [sflag:$0x3], $0x80, s25, s17, $0xb8;
	[tilespmem:$0x1E800] =	vst v63  }
0x56: {  	_ =	swait.ge [sflag:s15], $0x4000  }
0x57: {  	[sflag:s15] =	ssyncset.done $0x0  }
0x58: {  	s25 =	sadd.s32 $0x100, s24;
	[sflag:s15] =	ssyncadd.s32 $0xFFFFC000  }
0x59: {  	[tilespmem:s14], [sflag:$0x1] =	stream.indirect.gather [hbm4b:s4+s17], $0x80, s25, s17, $0xb8;
	[tilespmem:$0x1E800] =	vst v63  }
0x5a: {  	_ =	swait.ge [sflag:s20], $0x4000  }
0x5b: {  	[sflag:s20] =	ssyncset.done $0x0  }
.Ltmp1:
0x5c: {  	s25 =	sadd.s32 $0x1480, s24;
	[sflag:s20] =	ssyncadd.s32 $0xFFFFC000;
	(pc) =	sbr.rel @p0 .LBB2_4-.Ltmp1, $4  }
0x5d: {  	[spmem:s2] =	stream.indirect.scatter.add.f32 [tilespmem:s18], [sflag:$0x3], $0x80, s25, s17, $0xb8;
	[tilespmem:$0x1E800] =	vst v63  }
0x5e: {  	_ =	swait.ge [sflag:s15], $0x4000  }
0x5f: {  	[sflag:s15] =	ssyncset.done $0x0  }
0x60: {  	s24 =	sadd.s32 $0x180, s24;
	[sflag:s15] =	ssyncadd.s32 $0xFFFFC000  }
0x61: {  	[tilespmem:s18], [sflag:$0x2] =	stream.indirect.gather [hbm4b:s4+s17], $0x80, s24, s17, $0xb8;
	[tilespmem:$0x1E800] =	vst v63  }
0x62: {  	_ =	swait.ge [sflag:s19], $0x4000  }
0x63: {  	[sflag:s19] =	ssyncset.done $0x0  }
0x64: {  	[sflag:s19] =	ssyncadd.s32 $0xFFFFC000  }
0x65: {  	[spmem:s2] =	stream.indirect.scatter.add.f32 [tilespmem:s14], [sflag:$0x3], $0x80, s21, s17, $0xb8;
	[tilespmem:$0x1E800] =	vst v63  }
0x66: {  	_ =	swait.ge [sflag:s15], $0x4000  }
0x67: {  	[sflag:s15] =	ssyncset.done $0x0  }
0x68: {  	[sflag:s15] =	ssyncadd.s32 $0xFFFFC000  }
0x69: {  	_ =	swait.ge [sflag:s20], $0x4000  }
0x6a: {  	[sflag:s20] =	ssyncset.done $0x0  }
0x6b: {  	[sflag:s20] =	ssyncadd.s32 $0xFFFFC000  }
0x6c: {  	[spmem:s2] =	stream.indirect.scatter.add.f32 [tilespmem:s18], [sflag:$0x3], $0x80, s22, s17, $0xb8;
	[tilespmem:$0x1E800] =	vst v63  }
0x6d: {  	_ =	swait.ge [sflag:s15], $0x4000  }
0x6e: {  	[sflag:s15] =	ssyncset.done $0x0  }
0x6f: {  	s23 =	sadd.s32 $0x280, s10;
	s26 =	simm.s32 $0x0;
	[sflag:s15] =	ssyncadd.s32 $0xFFFFC000  }
0x70: {  	[tilespmem:s26], [sflag:$0x3] =	stream.linear.gather [hbm4b:s23+s26], $0x1400, $0x38;
	[tilespmem:$0x1E800] =	vst v63  }
0x71: {  	_ =	swait.ge [sflag:s15], $0x1400  }
0x72: {  	[sflag:s15] =	ssyncset.done $0x0  }
0x73: {  	s28 =	sadd.s32 $0x280, s11;
	[sflag:s15] =	ssyncadd.s32 $0xFFFFEC00  }
0x74: {  	[tilespmem:s16], [sflag:$0x3] =	stream.linear.gather [hbm4b:s28+s26], $0x1400, $0x38;
	[tilespmem:$0x1E800] =	vst v63  }
0x75: {  	_ =	swait.ge [sflag:s15], $0x1400  }
0x76: {  	[sflag:s15] =	ssyncset.done $0x0  }
0x77: {  	[sflag:s15] =	ssyncadd.s32 $0xFFFFEC00  }
0x78: {  	[tilespmem:s14], [sflag:$0x1] =	stream.indirect.gather [hbm4b:s4+s17], $0x80, s26, s17, $0xb8;
	[tilespmem:$0x1E800] =	vst v63  }
0x79: {  	_ = 	snop  }
0x7a: {  	[tilespmem:s18], [sflag:$0x2] =	stream.indirect.gather [hbm4b:s4+s17], $0x80, s17, s17, $0xb8;
	[tilespmem:$0x1E800] =	vst v63  }
0x7b: {  	_ =	swait.ge [sflag:s19], $0x4000  }
0x7c: {  	[sflag:s19] =	ssyncset.done $0x0  }
0x7d: {  	s29 =	simm.s32 $0x1400;
	[sflag:s19] =	ssyncadd.s32 $0xFFFFC000  }
0x7e: {  	[spmem:s2] =	stream.indirect.scatter.add.f32 [tilespmem:s14], [sflag:$0x3], $0x80, s29, s17, $0xb8;
	[tilespmem:$0x1E800] =	vst v63  }
0x7f: {  	_ =	swait.ge [sflag:s15], $0x4000  }
0x80: {  	[sflag:s15] =	ssyncset.done $0x0  }
0x81: {  	s30 =	simm.s32 $0x100;
	[sflag:s15] =	ssyncadd.s32 $0xFFFFC000  }
0x82: {  	[tilespmem:s14], [sflag:$0x1] =	stream.indirect.gather [hbm4b:s4+s17], $0x80, s30, s17, $0xb8;
	[tilespmem:$0x1E800] =	vst v63  }
0x83: {  	_ =	swait.ge [sflag:s20], $0x4000  }
0x84: {  	[sflag:s20] =	ssyncset.done $0x0  }
0x85: {  	s31 =	simm.s32 $0x1480;
	[sflag:s20] =	ssyncadd.s32 $0xFFFFC000  }
0x86: {  	[spmem:s2] =	stream.indirect.scatter.add.f32 [tilespmem:s18], [sflag:$0x3], $0x80, s31, s17, $0xb8;
	[tilespmem:$0x1E800] =	vst v63  }
0x87: {  	_ =	swait.ge [sflag:s15], $0x4000  }
0x88: {  	[sflag:s15] =	ssyncset.done $0x0  }
0x89: {  	s24 =	simm.s32 $0x180;
	s23 =	simm.s32 $0x400;
	[sflag:s15] =	ssyncadd.s32 $0xFFFFC000  }
.LBB2_6:
0x8a: {  	[tilespmem:s18], [sflag:$0x2] =	stream.indirect.gather [hbm4b:s4+s17], $0x80, s24, s17, $0xb8;
	[tilespmem:$0x1E800] =	vst v63  }
0x8b: {  	s24 =	smov.u32 s23  }
0x8c: {  	p0 =	sne.s32 s23, $0x4800;
	s23 =	sadd.s32 $0x400, s23;
	_ =	swait.ge [sflag:s19], $0x4000  }
0x8d: {  	s24 =	sshra.s32 s24, $0x2;
	[sflag:s19] =	ssyncset.done $0x0  }
0x8e: {  	s25 =	sadd.s32 $0x1400, s24;
	[sflag:s19] =	ssyncadd.s32 $0xFFFFC000  }
0x8f: {  	[spmem:s2] =	stream.indirect.scatter.add.f32 [tilespmem:s14], [sflag:$0x3], $0x80, s25, s17, $0xb8;
	[tilespmem:$0x1E800] =	vst v63  }
0x90: {  	_ =	swait.ge [sflag:s15], $0x4000  }
0x91: {  	[sflag:s15] =	ssyncset.done $0x0  }
0x92: {  	s25 =	sadd.s32 $0x100, s24;
	[sflag:s15] =	ssyncadd.s32 $0xFFFFC000  }
0x93: {  	[tilespmem:s14], [sflag:$0x1] =	stream.indirect.gather [hbm4b:s4+s17], $0x80, s25, s17, $0xb8;
	[tilespmem:$0x1E800] =	vst v63  }
0x94: {  	_ =	swait.ge [sflag:s20], $0x4000  }
0x95: {  	[sflag:s20] =	ssyncset.done $0x0  }
.Ltmp2:
0x96: {  	s25 =	sadd.s32 $0x1480, s24;
	[sflag:s20] =	ssyncadd.s32 $0xFFFFC000;
	(pc) =	sbr.rel @p0 .LBB2_6-.Ltmp2, $4  }
0x97: {  	[spmem:s2] =	stream.indirect.scatter.add.f32 [tilespmem:s18], [sflag:$0x3], $0x80, s25, s17, $0xb8;
	[tilespmem:$0x1E800] =	vst v63  }
0x98: {  	_ =	swait.ge [sflag:s15], $0x4000  }
0x99: {  	[sflag:s15] =	ssyncset.done $0x0  }
0x9a: {  	s24 =	sadd.s32 $0x180, s24;
	[sflag:s15] =	ssyncadd.s32 $0xFFFFC000  }
0x9b: {  	[tilespmem:s18], [sflag:$0x2] =	stream.indirect.gather [hbm4b:s4+s17], $0x80, s24, s17, $0xb8;
	[tilespmem:$0x1E800] =	vst v63  }
0x9c: {  	_ =	swait.ge [sflag:s19], $0x4000  }
0x9d: {  	[sflag:s19] =	ssyncset.done $0x0  }
0x9e: {  	[sflag:s19] =	ssyncadd.s32 $0xFFFFC000  }
0x9f: {  	[spmem:s2] =	stream.indirect.scatter.add.f32 [tilespmem:s14], [sflag:$0x3], $0x80, s21, s17, $0xb8;
	[tilespmem:$0x1E800] =	vst v63  }
0xa0: {  	_ =	swait.ge [sflag:s15], $0x4000  }
0xa1: {  	[sflag:s15] =	ssyncset.done $0x0  }
0xa2: {  	[sflag:s15] =	ssyncadd.s32 $0xFFFFC000  }
0xa3: {  	_ =	swait.ge [sflag:s20], $0x4000  }
0xa4: {  	[sflag:s20] =	ssyncset.done $0x0  }
0xa5: {  	[sflag:s20] =	ssyncadd.s32 $0xFFFFC000  }
0xa6: {  	[spmem:s2] =	stream.indirect.scatter.add.f32 [tilespmem:s18], [sflag:$0x3], $0x80, s22, s17, $0xb8;
	[tilespmem:$0x1E800] =	vst v63  }
0xa7: {  	_ =	swait.ge [sflag:s15], $0x4000  }
0xa8: {  	s23 =	sshll.u32 s0, $0x6;
	s3 =	sadd.s32 $0x1, s3;
	[sflag:s15] =	ssyncset.done $0x0  }
0xa9: {  	s31 =	sshrl.u32 s5, $0x3;
	p0 =	sne.s32 s3, s13;
	[sflag:s15] =	ssyncadd.s32 $0xFFFFC000  }
.Ltmp3:
0xaa: {  	s23 =	sor.u32 $0x1C03, s23;
	[bflag:$0x0] =	sbarrier.arrive $0xFFFF;
	(pc) =	sbr.rel @p0 .LBB2_1-.Ltmp3, $4  }
0xab: {  	[hbm:s12], [sflag:s23] =	dma.local [spmem:s31], $0x2800  }
0xac: {  	_ =	swait.ge [sflag:s15], $0x2800  }
0xad: {  	[sflag:s15] =	ssyncset.done $0x0  }
0xae: {  	[sflag:s15] =	ssyncadd.s32 $0xFFFFD800  }
0xaf: {  	_ =	sfence.sel $0x180000  }
0xb0: {  	[bflag:$0x0] =	sbarrier.arrive $0xFFFF  }
0xb1: {  	p0 =	sne.s32 s0, $0x0;
	_ =	strace $0x90000050  }
0xb2: {  	s0 =	sadd.s32 @!p0 $0x100000, s1;
	[bflag:$0x2] =	sbarrier.arrive $0xFFFF  }
0xb3: {  	[sflag:s0] =	ssyncadd.tile.s32 @!p0 $0x1;
	_ =	shalt  }
.Lfunc_end2:
_tile_overlayer_lowered:
.L_overlay_start_2:
0xb4: {  	(tag) =	ssettag $0x2  }
0xb5: {  	s0 =	rddreg [dreg:$0x0];
	s2 =	stileid.u32  }
0xb6: {  	s1 =	rddreg [dreg:$0x1];
	p0 =	sne.s32 s2, $0x0  }
0xb7: {  	s3 =	rddreg [dreg:$0x2];
	[bflag:$0x3] =	sbarrier.arrive $0xFFFF;
	s2 =	simm.s32 @!p0 $0x1C03  }
0xb8: {  	[timem:s3], [sflag:s2] =	dma.local @!p0 [hbm:s0], s1  }
0xb9: {  	s0 =	simm.s32 @!p0 $0x3  }
0xba: {  	_ =	swait.ge @!p0 [sflag:s0], s1  }
0xbb: {  	s1 =	ssub.s32 @!p0 $0x0, s1;
	[sflag:s0] =	ssyncset.done @!p0 $0x0  }
0xbc: {  	[sflag:s0] =	ssyncadd.s32 @!p0 s1  }
0xbd: {  	[bflag:$0x3] =	sbarrier.arrive $0xFFFF  }
0xbe: {  	_ =	shalt  }

// kernel: kernel.23.cloned.1.call-start
scs
__scs_entry_jumppad:
0x0: {  	(pc) =	sbr.rel $0x88, $3  }
0x1: {  	(tag) =	ssettag $0x0;
	lr =	simm.s32 $0x1  }
0x2: {  	[smem:$0x3F91] =	sst lr;
	_ =	strace $0xD0000000  }
0x3: {  	_ = 	snop  }
0x4: {  	_ = 	snop  }
0x5: {  	_ = 	snop  }
0x6: {  	_ = 	snop  }
0x7: {  	_ = 	snop  }
__scs_overlays_trampoline_lowered:
0x8: {  	[smem:$0x3FA0] =	sst s0  }
0x9: {  	[smem:$0x3FA1] =	sst s1  }
0xa: {  	[smem:$0x3FA2] =	sst s2  }
0xb: {  	[smem:$0x3FA3] =	sst s3  }
0xc: {  	[smem:$0x3FA4] =	sst s4  }
0xd: {  	[smem:$0x3FA5] =	sst s5  }
0xe: {  	[smem:$0x3FA6] =	sst s6  }
0xf: {  	[smem:$0x3FA7] =	sst s7  }
0x10: {  	[smem:$0x3FA8] =	sst s8  }
0x11: {  	[smem:$0x3FA9] =	sst s9;
	s0 =	simm.s32 @!p0 $0x0  }
0x12: {  	s1 =	sld [smem:$0x3F8F];
	s0 =	simm.s32 @p0 $0x1  }
0x13: {  	[smem:$0x3FAA] =	sst s0;
	s0 =	simm.s32 @!p1 $0x0  }
0x14: {  	s2 =	sld [smem:$0x3F8E];
	s0 =	simm.s32 @p1 $0x1  }
0x15: {  	[smem:$0x3FAB] =	sst s0;
	s0 =	simm.s32 @!p2 $0x0  }
0x16: {  	s3 =	sld [smem:$0x3FDB];
	s0 =	simm.s32 @p2 $0x1  }
0x17: {  	s4 =	simm.s32 $0x1BF5;
	[smem:$0x3FAD] =	sst s0  }
0x18: {  	s0 =	sld [smem:$0x3F90];
	_ =	swait.ge [sflag:s4], $0x0  }
0x19: {  	s7 =	sld [smem:$0x3F91]  }
0x1a: {  	s8 =	sadd.s32 $0xFFFFE003, lr  }
0x1b: {  	s9 =	sadd.s32 $0xFFFFFEF7, lr;
	s5 =	simm.s32 $0xFFFFFFFF;
	p2 =	slt.u32 s8, $0xFFFFF086  }
0x1c: {  	p1 =	slt.u32 s9, $0xF7A;
	s5 =	simm.s32 @!p2 $0x0  }
0x1d: {  	s5 =	simm.s32 @p1 $0x1;
	p0 =	seq.s32 s7, s2  }
0x1e: {  	s7 =	smul.u32 @!p0 $0xF7A, s2;
	p2 =	seq.s32 @!p0 s5, $0x0  }
0x1f: {  	s9 =	smul.u32 $0xF7A, s1;
	s8 =	simm.s32 @!p0 $0x1BF5;
	p2 =	por !p2, p0  }
0x20: {  	[sflag:s8] =	ssyncset.s32 @!p0 $0xFFFFF086;
	s6 =	sadd.s32 @!p0 s3, s7;
	s7 =	simm.s32 @!p0 $0x108  }
0x21: {  	s3 =	sadd.s32 s3, s9;
	s6 =	sadd.s32 @!p0 $0x88, s6;
	s7 =	simm.s32 @p2 $0x1082  }
0x22: {  	[simem:s7], [sflag:s8] =	dma.local @!p0 [hbm:s6], $0xF7A  }
0x23: {  	s9 =	sor.u32 $0xD0000000, s2;
	s6 =	simm.s32 $0x108;
	_ =	swait.ge @!p0 [sflag:s8], $0x0  }
0x24: {  	s3 =	sadd.s32 $0x88, s3;
	s6 =	simm.s32 @!p1 $0x1082;
	[sflag:s4] =	ssyncset.s32 $0xFFFFF086  }
0x25: {  	[simem:s6], [sflag:s4] =	dma.local [hbm:s3], $0xF7A  }
0x26: {  	[smem:$0x3F91] =	sst s1;
	(tag) =	ssettag s2;
	_ =	strace s9  }
0x27: {  	s1 =	sld [smem:$0x3FA1]  }
0x28: {  	s2 =	sld [smem:$0x3FA2]  }
0x29: {  	s4 =	sld [smem:$0x3FA4]  }
0x2a: {  	p0 =	seq.s32 s5, $0x0;
	s5 =	sld [smem:$0x3FA5]  }
0x2b: {  	s6 =	sld [smem:$0x3FA6]  }
0x2c: {  	s7 =	sld [smem:$0x3FA7]  }
0x2d: {  	s3 =	simm.s32 $0x108;
	s8 =	sld [smem:$0x3FA8]  }
0x2e: {  	s3 =	simm.s32 @!p0 $0x1082;
	s9 =	sld [smem:$0x3FA9]  }
0x2f: {  	lr =	sadd.s32 s0, s3;
	s0 =	sld [smem:$0x3FA0]  }
0x30: {  	s3 =	sld [smem:$0x3FA3]  }
0x31: {  	[smem:$0x3FAC] =	sst s10  }
0x32: {  	s10 =	sld [smem:$0x3FAA];
	_ =	sdelay $0x3  }
0x33: {  	p0 =	seq.s32 s10, $0x1;
	s10 =	sld [smem:$0x3FAC];
	_ =	sdelay $0x3  }
0x34: {  	[smem:$0x3FAC] =	sst s10  }
0x35: {  	s10 =	sld [smem:$0x3FAB];
	_ =	sdelay $0x3  }
0x36: {  	p1 =	seq.s32 s10, $0x1;
	s10 =	sld [smem:$0x3FAC];
	_ =	sdelay $0x3  }
0x37: {  	[smem:$0x3FAC] =	sst s10  }
0x38: {  	s10 =	sld [smem:$0x3FAD]  }
0x39: {  	_ = 	snop;
	(pc) =	sbr.ind lr, $3  }
0x3a: {  	_ = 	snop  }
0x3b: {  	_ = 	snop  }
0x3c: {  	p2 =	seq.s32 s10, $0x1;
	s10 =	sld [smem:$0x3FAC]  }
0x3d: {  	_ =	shalt  }
0x3e: {  	_ =	shalt  }
0x3f: {  	_ =	shalt  }
0x40: {  	_ =	shalt  }
0x41: {  	_ =	shalt  }
0x42: {  	_ =	shalt  }
0x43: {  	_ =	shalt  }
0x44: {  	_ =	shalt  }
0x45: {  	_ =	shalt  }
0x46: {  	_ =	shalt  }
0x47: {  	_ =	shalt  }
0x48: {  	_ =	shalt  }
0x49: {  	_ =	shalt  }
0x4a: {  	_ =	shalt  }
0x4b: {  	_ =	shalt  }
0x4c: {  	_ =	shalt  }
0x4d: {  	_ =	shalt  }
0x4e: {  	_ =	shalt  }
0x4f: {  	_ =	shalt  }
0x50: {  	_ =	shalt  }
0x51: {  	_ =	shalt  }
0x52: {  	_ =	shalt  }
0x53: {  	_ =	shalt  }
0x54: {  	_ =	shalt  }
0x55: {  	_ =	shalt  }
0x56: {  	_ =	shalt  }
0x57: {  	_ =	shalt  }
0x58: {  	_ =	shalt  }
0x59: {  	_ =	shalt  }
0x5a: {  	_ =	shalt  }
0x5b: {  	_ =	shalt  }
0x5c: {  	_ =	shalt  }
0x5d: {  	_ =	shalt  }
0x5e: {  	_ =	shalt  }
0x5f: {  	_ =	shalt  }
0x60: {  	_ =	shalt  }
0x61: {  	_ =	shalt  }
0x62: {  	_ =	shalt  }
0x63: {  	_ =	shalt  }
0x64: {  	_ =	shalt  }
0x65: {  	_ =	shalt  }
0x66: {  	_ =	shalt  }
0x67: {  	_ =	shalt  }
0x68: {  	_ =	shalt  }
0x69: {  	_ =	shalt  }
0x6a: {  	_ =	shalt  }
0x6b: {  	_ =	shalt  }
0x6c: {  	_ =	shalt  }
0x6d: {  	_ =	shalt  }
0x6e: {  	_ =	shalt  }
0x6f: {  	_ =	shalt  }
0x70: {  	_ =	shalt  }
0x71: {  	_ =	shalt  }
0x72: {  	_ =	shalt  }
0x73: {  	_ =	shalt  }
0x74: {  	_ =	shalt  }
0x75: {  	_ =	shalt  }
0x76: {  	_ =	shalt  }
0x77: {  	_ =	shalt  }
0x78: {  	_ =	shalt  }
0x79: {  	_ =	shalt  }
0x7a: {  	_ =	shalt  }
0x7b: {  	_ =	shalt  }
0x7c: {  	_ =	shalt  }
0x7d: {  	_ =	shalt  }
0x7e: {  	_ =	shalt  }
0x7f: {  	_ =	shalt  }
0x80: {  	_ =	shalt  }
0x81: {  	_ =	shalt  }
0x82: {  	_ =	shalt  }
0x83: {  	_ =	shalt  }
0x84: {  	_ =	shalt  }
0x85: {  	_ =	shalt  }
0x86: {  	_ =	shalt  }
0x87: {  	_ =	shalt  }
.Lfunc_end0:
.L_simem_size_0:
called_computation.4_lowered:
.L_overlay_start_0:
0x88: {  	s2 =	sld [smem:$0x3FD9]  }
0x89: {  	s3 =	sld [smem:$0x3FFE];
	_ =	sdelay $0x1  }
0x8a: {  	s1 =	srdreg.scid  }
0x8b: {  	s0 =	sand.u32 $0x1, s1  }
0x8c: {  	s17 =	sshll.u32 s0, $0xA;
	s2 =	sadd.s32 s3, s2  }
0x8d: {  	s2 =	sadd.s32 s2, s17  }
0x8e: {  	[smem:$0x3FB8] =	sst s2  }
0x8f: {  	_ = 	snop  }
0x90: {  	s2 =	sld [smem:$0x3FD0];
	(tm) =	ssettm $0x1  }
0x91: {  	s18 =	sld [smem:$0x3FFB];
	_ =	sdelay $0x3  }
0x92: {  	_ =	strace s18  }
0x93: {  	s3 =	sld [smem:$0x3FFC];
	_ =	sdelay $0x3  }
0x94: {  	_ =	strace s3  }
0x95: {  	s3 =	sld [smem:$0x3FFD];
	_ =	sdelay $0x3  }
0x96: {  	_ =	strace s3  }
0x97: {  	_ =	strace $0x8FFFFFFF  }
0x98: {  	s19 =	sld [smem:$0x3FDB];
	_ =	sdelay $0x1  }
0x99: {  	s4 =	simm.s32 $_scs_section_size  }
0x9a: {  	s5 =	simm.s32 $_size__tile_overlayer_lowered;
	s6 =	simm.s32 $_tile_overlayer_lowered  }
0x9b: {  	s22 =	simm.s32 $0x1BFF;
	s21 =	sshll.u32 s6, $0x1;
	s3 =	sadd.s32 s4, s19  }
0x9c: {  	s7 =	simm.s32 $0x0;
	s20 =	sshll.u32 s5, $0x1;
	s5 =	sadd.s32 s21, s3  }
0x9d: {  	[timem:s7], [sflag:s22] =	dma.local [hbm:s5], s20  }
0x9e: {  	_ =	swait.ge [sflag:s22], s20  }
0x9f: {  	s4 =	ssub.s32 $0x0, s20;
	[sflag:s22] =	ssyncset.done $0x0  }
0xa0: {  	[sflag:s22] =	ssyncadd.s32 s4;
	_ =	sdelay $0x1  }
0xa1: {  	s23 =	simm.s32 $0x1B8B  }
0xa2: {  	_ =	swait.ge [sflag:s23], $0x1  }
0xa3: {  	[sflag:s23] =	ssyncset.done $0x0  }
0xa4: {  	s25 =	simm.s32 $0x1B8E;
	s24 =	sld [smem:$0x3FFE];
	[sflag:s23] =	ssyncadd.s32 $0xFFFFFFFF  }
0xa5: {  	s26 =	simm.s32 $execute0_lowered;
	[smem:$0x3FD2] =	sst s25  }
0xa6: {  	s5 =	sshll.u32 s26, $0x1;
	_ =	strace $0x80000052;
	[dreg:$0x1] =	wrdreg $0xFFFFFFFF  }
0xa7: {  	s28 =	simm.s32 $_size_execute0_lowered;
	s3 =	sadd.s32 s3, s5;
	[dreg:$0x0] =	wrdreg $0x0  }
0xa8: {  	s5 =	sshll.u32 s28, $0x1;
	[dreg:$0x2] =	wrdreg s3  }
0xa9: {  	[dreg:$0x3] =	wrdreg s5  }
0xaa: {  	[dreg:$0x4] =	wrdreg $0xC0  }
0xab: {  	_ =	task [dreg:s7], $0x5FFFF  }
0xac: {  	[dreg:$0x1] =	wrdreg $0xFFFFFFFF  }
0xad: {  	[dreg:$0x0] =	wrdreg $0x60  }
0xae: {  	[dreg:$0x2] =	wrdreg s24  }
0xaf: {  	[dreg:$0x3] =	wrdreg s2  }
0xb0: {  	[dreg:$0x4] =	wrdreg $0x48000  }
0xb1: {  	[dreg:$0x5] =	wrdreg $0x9  }
0xb2: {  	_ =	task.clear_ibuf [dreg:s7], $0x6FFFF;
	_ =	strace $0x90000052  }
0xb3: {  	s29 =	simm.s32 $0x9;
	_ =	strace $0x80000054  }
0xb4: {  	_ =	swait.ge [sflag:s29], $0x1  }
0xb5: {  	[sflag:s29] =	ssyncadd.s32 $0xFFFFFFFF  }
0xb6: {  	_ =	strace $0x90000054  }
0xb7: {  	_ =	sfence  }
0xb8: {  	s30 =	sld [smem:$0x0];
	_ =	sdelay $0x2  }
0xb9: {  	s31 =	sshll.u32 s1, $0xD;
	s1 =	sshrl.u32 s1, $0x2  }
0xba: {  	s3 =	sand.u32 $0x4000, s31;
	s1 =	sadd.s32 s1, s30  }
0xbb: {  	s0 =	sor.u32 s3, s0;
	s1 =	sshll.u32 s1, $0x11  }
0xbc: {  	s0 =	sor.u32 s1, s0  }
0xbd: {  	s0 =	sadd.s32 $0x8F2B, s0  }
0xbe: {  	[sflag:s0] =	ssyncadd.remote.s32 $0x1  }
0xbf: {  	_ =	sfence.sel $0xFFFF  }
0xc0: {  	[dreg:$0x0] =	wrdreg $0xFFFFFFFF;
	(pc) =	sbr.abs _section_cstart, $3  }
0xc1: {  	[dreg:$0x1] =	wrdreg $0xFFFFFFFF  }
0xc2: {  	_ =	task.clear_ibuf [dreg:s7], $0x2FFFF;
	_ =	strace $0x9FFFFFFF  }
0xc3: {  	(tm) =	ssettm $0x7FFFFFFF  }
tec
execute0_lowered:
.L_overlay_start_1:
0x0: {  	(tag) =	ssettag $0x1  }
0x1: {  	s5 =	rddreg [dreg:$0x0]  }
0x2: {  	s6 =	rddreg [dreg:$0x1]  }
0x3: {  	s1 =	rddreg [dreg:$0x2]  }
0x4: {  	s0 =	rddreg [dreg:$0x3]  }
0x5: {  	s3 =	simm.s32 $0x0;
	s4 =	srdreg.scid;
	s2 =	stileid.u32  }
0x6: {  	s11 =	simm.s32 $0x400;
	s12 =	simm.s32 $0x800;
	s13 =	simm.s32 $0x7D  }
0x7: {  	s14 =	simm.s32 $0x1;
	s15 =	simm.s32 $0x480;
	s16 =	simm.s32 $0x80  }
0x8: {  	s17 =	simm.s32 $0x500;
	s18 =	simm.s32 $0x100;
	s19 =	simm.s32 $0x580  }
0x9: {  	s20 =	simm.s32 $0x180;
	s21 =	simm.s32 $0x600;
	s22 =	simm.s32 $0x200  }
0xa: {  	[smem:$0x7FF] =	sst s3;
	s4 =	sand.u32 $0x1, s4;
	s7 =	sshll.u32 s2, $0x7  }
0xb: {  	s31 =	sshll.u32 s2, $0xA;
	s23 =	sshll.u32 s2, $0x6;
	_ =	strace $0x80000053  }
0xc: {  	s8 =	sshll.u32 s4, $0xB;
	s9 =	ssub.s32 $0x2, s4;
	s4 =	sadd.s32 $0x7FC00, s5  }
0xd: {  	s23 =	sor.u32 $0x1C02, s23;
	s8 =	sor.u32 s7, s8;
	s10 =	sshrl.u32 s9, $0x1  }
0xe: {  	s8 =	sadd.s32 s8, s5;
	s9 =	ssub.s32 s9, s10;
	s5 =	sadd.s32 s6, s7  }
0xf: {  	s7 =	sadd.s32 s31, s1;
	s10 =	simm.s32 $0x2;
	s6 =	sadd.s32 $0x2CA00, s8  }
0x10: {  	v0 =	vimm.f32 $0.0e+00;
	s8 =	sadd.s32 $0x5800, s8;
	s9 =	smax.u32 s9, $0x1;
	s24 =	sshrl.u32 s7, $0x3  }
.LBB2_1:
0x11: {  	[tilespmem:s3], [sflag:$0x2] =	stream.linear.gather [hbm4b:s5+s3], $0x280, $0x38;
	[tilespmem:$0x4C00] =	vst v63  }
0x12: {  	_ =	swait.ge [sflag:s10], $0x280  }
0x13: {  	[sflag:s10] =	ssyncset.done $0x0  }
0x14: {  	[sflag:s10] =	ssyncadd.s32 $0xFFFFFD80  }
0x15: {  	[tilespmem:s11], [sflag:$0x2] =	stream.linear.gather [hbm4b:s6+s3], $0x280, $0x38;
	[tilespmem:$0x4C00] =	vst v63  }
0x16: {  	_ =	swait.ge [sflag:s10], $0x280  }
0x17: {  	[sflag:s10] =	ssyncset.done $0x0  }
0x18: {  	[sflag:s10] =	ssyncadd.s32 $0xFFFFFD80  }
0x19: {  	[tilespmem:$0x800] =	vst v0  }
0x1a: {  	[tilespmem:$0x810] =	vst v0  }
0x1b: {  	[tilespmem:$0x820] =	vst v0  }
0x1c: {  	[tilespmem:$0x830] =	vst v0  }
0x1d: {  	[tilespmem:$0x840] =	vst v0  }
0x1e: {  	[tilespmem:$0x850] =	vst v0  }
0x1f: {  	[tilespmem:$0x860] =	vst v0  }
0x20: {  	[tilespmem:$0x870] =	vst v0  }
0x21: {  	[tilespmem:$0x880] =	vst v0  }
0x22: {  	[tilespmem:$0x890] =	vst v0  }
0x23: {  	[tilespmem:$0x8A0] =	vst v0  }
0x24: {  	[tilespmem:$0x8B0] =	vst v0  }
0x25: {  	[tilespmem:$0x8C0] =	vst v0  }
0x26: {  	[tilespmem:$0x8D0] =	vst v0  }
0x27: {  	[tilespmem:$0x8E0] =	vst v0  }
0x28: {  	[tilespmem:$0x8F0] =	vst v0  }
0x29: {  	[tilespmem:$0x900] =	vst v0  }
0x2a: {  	[tilespmem:$0x910] =	vst v0  }
0x2b: {  	[tilespmem:$0x920] =	vst v0  }
0x2c: {  	[tilespmem:$0x930] =	vst v0  }
0x2d: {  	[tilespmem:$0x940] =	vst v0  }
0x2e: {  	[tilespmem:$0x950] =	vst v0  }
0x2f: {  	[tilespmem:$0x960] =	vst v0  }
0x30: {  	[tilespmem:$0x970] =	vst v0  }
0x31: {  	[tilespmem:$0x980] =	vst v0  }
0x32: {  	[tilespmem:$0x990] =	vst v0  }
0x33: {  	[tilespmem:$0x9A0] =	vst v0  }
0x34: {  	[tilespmem:$0x9B0] =	vst v0  }
0x35: {  	[tilespmem:$0x9C0] =	vst v0  }
0x36: {  	[tilespmem:$0x9D0] =	vst v0  }
0x37: {  	[tilespmem:$0x9E0] =	vst v0  }
0x38: {  	[tilespmem:$0x9F0] =	vst v0  }
0x39: {  	[tilespmem:$0xA00] =	vst v0  }
0x3a: {  	[tilespmem:$0xA10] =	vst v0  }
0x3b: {  	[tilespmem:$0xA20] =	vst v0  }
0x3c: {  	[tilespmem:$0xA30] =	vst v0  }
0x3d: {  	[tilespmem:$0xA40] =	vst v0  }
0x3e: {  	[tilespmem:$0xA50] =	vst v0  }
0x3f: {  	[tilespmem:$0xA60] =	vst v0  }
0x40: {  	[tilespmem:$0xA70] =	vst v0  }
0x41: {  	[tilespmem:$0xA80] =	vst v0  }
0x42: {  	[tilespmem:$0xA90] =	vst v0  }
0x43: {  	[tilespmem:$0xAA0] =	vst v0  }
0x44: {  	[tilespmem:$0xAB0] =	vst v0  }
0x45: {  	[tilespmem:$0xAC0] =	vst v0  }
0x46: {  	[tilespmem:$0xAD0] =	vst v0  }
0x47: {  	[tilespmem:$0xAE0] =	vst v0  }
0x48: {  	[tilespmem:$0xAF0] =	vst v0  }
0x49: {  	[tilespmem:$0xB00] =	vst v0  }
0x4a: {  	[tilespmem:$0xB10] =	vst v0  }
0x4b: {  	[tilespmem:$0xB20] =	vst v0  }
0x4c: {  	[tilespmem:$0xB30] =	vst v0  }
0x4d: {  	[tilespmem:$0xB40] =	vst v0  }
0x4e: {  	[tilespmem:$0xB50] =	vst v0  }
0x4f: {  	[tilespmem:$0xB60] =	vst v0  }
0x50: {  	[tilespmem:$0xB70] =	vst v0  }
0x51: {  	[tilespmem:$0xB80] =	vst v0  }
0x52: {  	[tilespmem:$0xB90] =	vst v0  }
0x53: {  	[tilespmem:$0xBA0] =	vst v0  }
0x54: {  	[tilespmem:$0xBB0] =	vst v0  }
0x55: {  	[tilespmem:$0xBC0] =	vst v0  }
0x56: {  	[tilespmem:$0xBD0] =	vst v0  }
0x57: {  	[tilespmem:$0xBE0] =	vst v0  }
0x58: {  	[tilespmem:$0xBF0] =	vst v0  }
0x59: {  	[spmem:s7] =	stream.linear.scatter [tilespmem:s12], [sflag:$0x2], $0x400, $0x38;
	[tilespmem:$0x4C00] =	vst v63  }
0x5a: {  	_ =	swait.ge [sflag:s10], $0x400  }
0x5b: {  	[sflag:s10] =	ssyncset.done $0x0  }
0x5c: {  	[sflag:s10] =	ssyncadd.s32 $0xFFFFFC00  }
0x5d: {  	[bflag:$0x0] =	sbarrier.arrive $0xFFFF  }
0x5e: {  	[tilespmem:s12], [sflag:$0x1] =	stream.indirect.gather [hbm4b:s4+s13], $0x80, s11, s13, $0xb8;
	[tilespmem:$0x4C00] =	vst v63  }
0x5f: {  	_ =	swait.ge [sflag:s14], $0x3E80  }
0x60: {  	[sflag:s14] =	ssyncset.done $0x0  }
0x61: {  	[sflag:s14] =	ssyncadd.s32 $0xFFFFC180  }
0x62: {  	[spmem:s1] =	stream.indirect.scatter.add.f32 [tilespmem:s12], [sflag:$0x2], $0x80, s3, s13, $0xb8;
	[tilespmem:$0x4C00] =	vst v63  }
0x63: {  	_ =	swait.ge [sflag:s10], $0x3E80  }
0x64: {  	[sflag:s10] =	ssyncset.done $0x0  }
0x65: {  	[sflag:s10] =	ssyncadd.s32 $0xFFFFC180  }
0x66: {  	[tilespmem:s12], [sflag:$0x1] =	stream.indirect.gather [hbm4b:s4+s13], $0x80, s15, s13, $0xb8;
	[tilespmem:$0x4C00] =	vst v63  }
0x67: {  	_ =	swait.ge [sflag:s14], $0x3E80  }
0x68: {  	[sflag:s14] =	ssyncset.done $0x0  }
0x69: {  	[sflag:s14] =	ssyncadd.s32 $0xFFFFC180  }
0x6a: {  	[spmem:s1] =	stream.indirect.scatter.add.f32 [tilespmem:s12], [sflag:$0x2], $0x80, s16, s13, $0xb8;
	[tilespmem:$0x4C00] =	vst v63  }
0x6b: {  	_ =	swait.ge [sflag:s10], $0x3E80  }
0x6c: {  	[sflag:s10] =	ssyncset.done $0x0  }
0x6d: {  	[sflag:s10] =	ssyncadd.s32 $0xFFFFC180  }
0x6e: {  	[tilespmem:s12], [sflag:$0x1] =	stream.indirect.gather [hbm4b:s4+s13], $0x80, s17, s13, $0xb8;
	[tilespmem:$0x4C00] =	vst v63  }
0x6f: {  	_ =	swait.ge [sflag:s14], $0x3E80  }
0x70: {  	[sflag:s14] =	ssyncset.done $0x0  }
0x71: {  	[sflag:s14] =	ssyncadd.s32 $0xFFFFC180  }
0x72: {  	[spmem:s1] =	stream.indirect.scatter.add.f32 [tilespmem:s12], [sflag:$0x2], $0x80, s18, s13, $0xb8;
	[tilespmem:$0x4C00] =	vst v63  }
0x73: {  	_ =	swait.ge [sflag:s10], $0x3E80  }
0x74: {  	[sflag:s10] =	ssyncset.done $0x0  }
0x75: {  	[sflag:s10] =	ssyncadd.s32 $0xFFFFC180  }
0x76: {  	[tilespmem:s12], [sflag:$0x1] =	stream.indirect.gather [hbm4b:s4+s13], $0x80, s19, s13, $0xb8;
	[tilespmem:$0x4C00] =	vst v63  }
0x77: {  	_ =	swait.ge [sflag:s14], $0x3E80  }
0x78: {  	[sflag:s14] =	ssyncset.done $0x0  }
0x79: {  	[sflag:s14] =	ssyncadd.s32 $0xFFFFC180  }
0x7a: {  	[spmem:s1] =	stream.indirect.scatter.add.f32 [tilespmem:s12], [sflag:$0x2], $0x80, s20, s13, $0xb8;
	[tilespmem:$0x4C00] =	vst v63  }
0x7b: {  	_ =	swait.ge [sflag:s10], $0x3E80  }
0x7c: {  	[sflag:s10] =	ssyncset.done $0x0  }
0x7d: {  	[sflag:s10] =	ssyncadd.s32 $0xFFFFC180  }
0x7e: {  	[tilespmem:s12], [sflag:$0x1] =	stream.indirect.gather [hbm4b:s4+s13], $0x80, s21, s13, $0xb8;
	[tilespmem:$0x4C00] =	vst v63  }
0x7f: {  	_ =	swait.ge [sflag:s14], $0x3E80  }
0x80: {  	[sflag:s14] =	ssyncset.done $0x0  }
0x81: {  	[sflag:s14] =	ssyncadd.s32 $0xFFFFC180  }
0x82: {  	[spmem:s1] =	stream.indirect.scatter.add.f32 [tilespmem:s12], [sflag:$0x2], $0x80, s22, s13, $0xb8;
	[tilespmem:$0x4C00] =	vst v63  }
0x83: {  	_ =	swait.ge [sflag:s10], $0x3E80  }
0x84: {  	[sflag:s10] =	ssyncset.done $0x0  }
0x85: {  	p0 =	sne.s32 s9, $0x1;
	[sflag:s10] =	ssyncadd.s32 $0xFFFFC180  }
.Ltmp0:
0x86: {  	[bflag:$0x0] =	sbarrier.arrive $0xFFFF;
	(pc) =	sbr.rel @p0 .LBB2_1-.Ltmp0, $4  }
0x87: {  	[hbm:s8], [sflag:s23] =	dma.local [spmem:s24], $0x80  }
0x88: {  	_ =	swait.ge [sflag:s10], $0x80  }
0x89: {  	[sflag:s10] =	ssyncset.done $0x0  }
0x8a: {  	s9 =	sadd.s32 $0xFFFFFFFF, s9;
	[sflag:s10] =	ssyncadd.s32 $0xFFFFFF80  }
0x8b: {  	_ =	sfence.sel $0x180000  }
0x8c: {  	[bflag:$0x0] =	sbarrier.arrive $0xFFFF  }
0x8d: {  	p0 =	sne.s32 s2, $0x0;
	_ =	strace $0x90000053  }
0x8e: {  	s0 =	sadd.s32 @!p0 $0x100000, s0;
	[bflag:$0x2] =	sbarrier.arrive $0xFFFF  }
0x8f: {  	[sflag:s0] =	ssyncadd.tile.s32 @!p0 $0x1;
	_ =	shalt  }
.Lfunc_end2:
_tile_overlayer_lowered:
.L_overlay_start_2:
0x90: {  	(tag) =	ssettag $0x2  }
0x91: {  	s0 =	rddreg [dreg:$0x0];
	s2 =	stileid.u32  }
0x92: {  	s1 =	rddreg [dreg:$0x1];
	p0 =	sne.s32 s2, $0x0  }
0x93: {  	s3 =	rddreg [dreg:$0x2];
	[bflag:$0x3] =	sbarrier.arrive $0xFFFF;
	s2 =	simm.s32 @!p0 $0x1C02  }
0x94: {  	[timem:s3], [sflag:s2] =	dma.local @!p0 [hbm:s0], s1  }
0x95: {  	s0 =	simm.s32 @!p0 $0x2  }
0x96: {  	_ =	swait.ge @!p0 [sflag:s0], s1  }
0x97: {  	s1 =	ssub.s32 @!p0 $0x0, s1;
	[sflag:s0] =	ssyncset.done @!p0 $0x0  }
0x98: {  	[sflag:s0] =	ssyncadd.s32 @!p0 s1  }
0x99: {  	[bflag:$0x3] =	sbarrier.arrive $0xFFFF  }
0x9a: {  	_ =	shalt  }

</sc_bundles>
